<compile_context>
chip_gen: v7x
topology: tpu7x:2x2x1
jax: 0.10.2.dev20260603
libtpu: 0.0.44.dev20260713+nightly
codegen_flags: <defaults>
</compile_context>

<pallas_src>
import functools

import jax
import jax.numpy as jnp
from jax import lax
from jax.experimental import pallas as pl
from jax.experimental.pallas import tpu as pltpu
from jax.experimental.pallas import tpu_sc as plsc

_NUM_EDGE_TYPES = 1000
_EDGE_DIM = 16
_N_EDGES = 3200000

_NC = 2
_NS = 16
_NW = _NC * _NS
_RT = _N_EDGES // 128
_RT_LO = _RT // _NW
_RT_REM = _RT % _NW
_K = 8
_CE = _K * 128
_GROUPS = _CE // 16
_HALF = _K * 1024
_N_CHUNKS = -(-(_RT_LO + 1) // _K)
_TAB = _NUM_EDGE_TYPES * _EDGE_DIM

_mesh = plsc.VectorSubcoreMesh(core_axis_name="c", subcore_axis_name="s")


@functools.partial(
    pl.kernel,
    mesh=_mesh,
    out_type=jax.ShapeDtypeStruct((_N_EDGES * _EDGE_DIM,), jnp.float32),
    scratch_types=[
        pltpu.VMEM((_TAB,), jnp.float32),
        pltpu.VMEM((_CE,), jnp.int32),
        pltpu.VMEM((_CE,), jnp.int32),
        pltpu.VMEM((2 * _HALF,), jnp.float32),
        pltpu.VMEM((2 * _HALF,), jnp.float32),
        pltpu.SemaphoreType.DMA,
        pltpu.SemaphoreType.DMA,
        pltpu.SemaphoreType.DMA,
        pltpu.SemaphoreType.DMA,
    ],
    compiler_params=pltpu.CompilerParams(
        use_tc_tiling_on_sc=False, needs_layout_passes=False),
)
def _gather_kernel(idx_hbm, table_hbm, out_hbm,
                   tab_v, idx0, idx1, buf0, buf1, si0, si1, ss0, ss1):
    wid = lax.axis_index("s") * _NC + lax.axis_index("c")
    start = wid * _RT_LO + jnp.minimum(wid, _RT_REM)
    ntiles = _RT_LO + jnp.where(wid < _RT_REM, 1, 0)
    t_last = start + ntiles - _K

    def tile_of(s):
        return jnp.minimum(start + s * _K, t_last)

    bufs = ((idx0, buf0, si0, ss0), (idx1, buf1, si1, ss1))

    def start_idx(s, idx_b, si_b):
        sc = jnp.minimum(s, _N_CHUNKS - 1)
        pltpu.async_copy(idx_hbm.at[pl.ds(tile_of(sc) * 128, _CE)], idx_b, si_b)

    def wait_idx(idx_b, si_b):
        pltpu.make_async_copy(idx_hbm.at[pl.ds(0, _CE)], idx_b, si_b).wait()

    def start_store(s, buf_b, ss_b):
        t = tile_of(s)
        pltpu.async_copy(buf_b.at[pl.ds(0, _HALF)],
                         out_hbm.at[pl.ds(t * 1024, _HALF)], ss_b)
        pltpu.async_copy(buf_b.at[pl.ds(_HALF, _HALF)],
                         out_hbm.at[pl.ds((_RT + t) * 1024, _HALF)], ss_b)

    def wait_store(buf_b, ss_b):
        for h in range(2):
            pltpu.make_async_copy(buf_b.at[pl.ds(h * _HALF, _HALF)],
                                  out_hbm.at[pl.ds(0, _HALF)], ss_b).wait()

    def compute_chunk(idx_b, buf_b):
        lane = lax.iota(jnp.int32, 16)

        @plsc.parallel_loop(0, _GROUPS, step=1, unroll=4)
        def group(g):
            iv = idx_b[pl.ds(g * 16, 16)]
            t1 = (g // 8) * 1024 + (g % 8) * 16 + lane
            for d in range(_EDGE_DIM):
                off_d = (d // 8) * _HALF + (d % 8) * 128
                vals = plsc.load_gather(tab_v, [iv + d * _NUM_EDGE_TYPES])
                plsc.store_scatter(buf_b, [t1 + off_d], vals)

    pltpu.sync_copy(table_hbm, tab_v)

    start_idx(0, idx0, si0)
    start_idx(1, idx1, si1)
    for b in range(2):
        idx_b, buf_b, si_b, ss_b = bufs[b]
        wait_idx(idx_b, si_b)
        compute_chunk(idx_b, buf_b)
        start_store(b, buf_b, ss_b)
        start_idx(b + 2, idx_b, si_b)

    def body(k, carry):
        for b in range(2):
            s = 2 * k + b
            idx_b, buf_b, si_b, ss_b = bufs[b]
            wait_idx(idx_b, si_b)
            wait_store(buf_b, ss_b)
            compute_chunk(idx_b, buf_b)
            start_store(s, buf_b, ss_b)
            start_idx(s + 2, idx_b, si_b)
        return carry

    lax.fori_loop(1, _N_CHUNKS // 2, body, 0)

    for b in range(2):
        idx_b, buf_b, si_b, ss_b = bufs[b]
        wait_store(buf_b, ss_b)
        wait_idx(idx_b, si_b)


def kernel(edge_types, edge_embeddings):
    flat = _gather_kernel(edge_types.astype(jnp.int32),
                          edge_embeddings.T.reshape(_TAB))
    return (flat.reshape(2, _RT, 8, 128)
                .transpose(1, 3, 0, 2)
                .reshape(_N_EDGES, _EDGE_DIM))

# --- scband reference (transcript-rebuilt; emitter-appended) ---
"""Pipeline reference for scband-edge-type-embedding-22247930593471 (READ-ONLY COPY).

The authoritative reference and input builder live on the scoring server;
editing this copy changes nothing except your own understanding.
"""

import jax, jax.numpy as jnp
import numpy as np

NUM_EDGE_TYPES = 1000
EDGE_DIM = 16
N_EDGES = 3200000


def setup_inputs(seed: int = 0) -> dict:
    key = jax.random.key(seed)
    k_idx, k_tab = jax.random.split(key)
    edge_types = jax.random.randint(k_idx, (N_EDGES,), 0, NUM_EDGE_TYPES, dtype=jnp.int64 if jax.config.jax_enable_x64 else jnp.int32)
    # nn.Embedding default init: N(0, 1)
    edge_embeddings = jax.random.normal(k_tab, (NUM_EDGE_TYPES, EDGE_DIM), dtype=jnp.float32)
    return {"edge_types": edge_types, "edge_embeddings": edge_embeddings}


def reference(edge_types, edge_embeddings):
    # Faithful translation of EdgeTypeEmbedding.forward: a pure embedding lookup.
    return jnp.take(edge_embeddings, edge_types, axis=0)

if __name__ == "__main__":
    import jax
    _d = setup_inputs()
    print(jax.jit(kernel)(*tuple(_d.values())))

</pallas_src>

<mosaic_0001>
#map = affine_map<(d0, d1) -> (0)>
module attributes {stable_mosaic.version = 14 : i64} {
  func.func @_gather_kernel(%arg0: i32, %arg1: i32, %arg2: memref<3200000xi32, #tpu.memory_space<hbm>>, %arg3: memref<16000xf32, #tpu.memory_space<hbm>>, %arg4: memref<51200000xf32, #tpu.memory_space<hbm>>, %arg5: memref<16000xf32, #tpu.memory_space<vmem>>, %arg6: memref<1024xi32, #tpu.memory_space<vmem>>, %arg7: memref<1024xi32, #tpu.memory_space<vmem>>, %arg8: memref<16384xf32, #tpu.memory_space<vmem>>, %arg9: memref<16384xf32, #tpu.memory_space<vmem>>, %arg10: memref<!tpu.dma_semaphore, #tpu.memory_space<semaphore_mem>>, %arg11: memref<!tpu.dma_semaphore, #tpu.memory_space<semaphore_mem>>, %arg12: memref<!tpu.dma_semaphore, #tpu.memory_space<semaphore_mem>>, %arg13: memref<!tpu.dma_semaphore, #tpu.memory_space<semaphore_mem>>) attributes {dimension_semantics = [#tpu.dimension_semantics<core_parallel>, #tpu.dimension_semantics<subcore_parallel>], iteration_bounds = array<i64: 2, 16>, scalar_prefetch = 0 : i64, scratch_operands = 9 : i64, tpu.core_type = #tpu.core_type<sc_vector_subcore>, window_params = [{transform_indices = #map}, {transform_indices = #map}, {transform_indices = #map}]} {
    %mul3A = arith.constant 2 : i32
    %mul3A_0 = arith.muli %arg1, %mul3A : i32
    %add3A = arith.addi %mul3A_0, %arg0 : i32
    %mul3A_1 = arith.constant 781 : i32
    %mul3A_2 = arith.muli %add3A, %mul3A_1 : i32
    %min3A = arith.constant 8 : i32
    %min3A_3 = arith.minsi %add3A, %min3A : i32
    %add3A_4 = arith.addi %mul3A_2, %min3A_3 : i32
    %lt3A = arith.constant 8 : i32
    %lt3A_5 = arith.cmpi slt, %add3A, %lt3A : i32
    %jit3A = arith.constant 1 : i32
    %jit3A_6 = arith.constant 0 : i32
    %select_n3A = arith.select %lt3A_5, %jit3A, %jit3A_6 : i32
    %add3A_7 = arith.constant 781 : i32
    %add3A_8 = arith.addi %add3A_7, %select_n3A : i32
    %add3A_9 = arith.addi %add3A_4, %add3A_8 : i32
    %sub3A = arith.constant 8 : i32
    %sub3A_10 = arith.subi %add3A_9, %sub3A : i32
    "tpu.region"() ({
      %run_scoped3A = tpu.sem_alloc : memref<!tpu.dma_semaphore, #tpu.memory_space<semaphore_mem>>
      tpu.enqueue_dma source(%arg3 : memref<16000xf32, #tpu.memory_space<hbm>>) target(%arg5 : memref<16000xf32, #tpu.memory_space<vmem>>) target_semaphore(%run_scoped3A : memref<!tpu.dma_semaphore, #tpu.memory_space<semaphore_mem>>)
      tpu.wait_dma2 semaphore(%run_scoped3A : memref<!tpu.dma_semaphore, #tpu.memory_space<semaphore_mem>>) src(%arg3 : memref<16000xf32, #tpu.memory_space<hbm>>) dst(%arg5 : memref<16000xf32, #tpu.memory_space<vmem>>)
      tpu.yield
    }) : () -> ()
    %min3A_11 = arith.constant 0 : i32
    %min3A_12 = arith.constant 97 : i32
    %min3A_13 = arith.minsi %min3A_11, %min3A_12 : i32
    %mul3A_14 = arith.constant 8 : i32
    %mul3A_15 = arith.muli %min3A_13, %mul3A_14 : i32
    %add3A_16 = arith.addi %add3A_4, %mul3A_15 : i32
    %min3A_17 = arith.minsi %add3A_16, %sub3A_10 : i32
    %mul3A_18 = arith.constant 128 : i32
    %mul3A_19 = arith.muli %min3A_17, %mul3A_18 : i32
    %dma_start3A = tpu.memref_slice %arg2[%mul3A_19] : memref<3200000xi32, #tpu.memory_space<hbm>> -> memref<1024xi32, #tpu.memory_space<hbm>>
    %dma_start3A_20 = tpu.memref_slice %arg2[%mul3A_19] : memref<3200000xi32, #tpu.memory_space<hbm>> -> memref<1024xi32, #tpu.memory_space<hbm>>
    tpu.enqueue_dma source(%dma_start3A_20 : memref<1024xi32, #tpu.memory_space<hbm>>) target(%arg6 : memref<1024xi32, #tpu.memory_space<vmem>>) target_semaphore(%arg10 : memref<!tpu.dma_semaphore, #tpu.memory_space<semaphore_mem>>)
    %min3A_21 = arith.constant 1 : i32
    %min3A_22 = arith.constant 97 : i32
    %min3A_23 = arith.minsi %min3A_21, %min3A_22 : i32
    %mul3A_24 = arith.constant 8 : i32
    %mul3A_25 = arith.muli %min3A_23, %mul3A_24 : i32
    %add3A_26 = arith.addi %add3A_4, %mul3A_25 : i32
    %min3A_27 = arith.minsi %add3A_26, %sub3A_10 : i32
    %mul3A_28 = arith.constant 128 : i32
    %mul3A_29 = arith.muli %min3A_27, %mul3A_28 : i32
    %dma_start3A_30 = tpu.memref_slice %arg2[%mul3A_29] : memref<3200000xi32, #tpu.memory_space<hbm>> -> memref<1024xi32, #tpu.memory_space<hbm>>
    %dma_start3A_31 = tpu.memref_slice %arg2[%mul3A_29] : memref<3200000xi32, #tpu.memory_space<hbm>> -> memref<1024xi32, #tpu.memory_space<hbm>>
    tpu.enqueue_dma source(%dma_start3A_31 : memref<1024xi32, #tpu.memory_space<hbm>>) target(%arg7 : memref<1024xi32, #tpu.memory_space<vmem>>) target_semaphore(%arg11 : memref<!tpu.dma_semaphore, #tpu.memory_space<semaphore_mem>>)
    %dma_wait3A = arith.constant 0 : i32
    %dma_wait3A_32 = tpu.memref_slice %arg2[%dma_wait3A] : memref<3200000xi32, #tpu.memory_space<hbm>> -> memref<1024xi32, #tpu.memory_space<hbm>>
    %dma_wait3A_33 = arith.constant 0 : i32
    %dma_wait3A_34 = tpu.memref_slice %arg2[%dma_wait3A_33] : memref<3200000xi32, #tpu.memory_space<hbm>> -> memref<1024xi32, #tpu.memory_space<hbm>>
    tpu.wait_dma2 semaphore(%arg10 : memref<!tpu.dma_semaphore, #tpu.memory_space<semaphore_mem>>) src(%dma_wait3A_34 : memref<1024xi32, #tpu.memory_space<hbm>>) dst(%arg6 : memref<1024xi32, #tpu.memory_space<vmem>>)
    %iota3A = tpu.iota {dimensions = array<i32: 0>} : vector<16xi32>
    %parallel_loop3A = arith.constant 0 : i32
    %parallel_loop3A_35 = arith.constant 64 : i32
    %parallel_loop3A_36 = arith.constant 1 : i32
    scf.for %parallel_loop3A_154 = %parallel_loop3A to %parallel_loop3A_35 step %parallel_loop3A_36  : i32 {
      %parallel_loop3A_155 = arith.constant 16 : i32
      %parallel_loop3A_156 = arith.muli %parallel_loop3A_154, %parallel_loop3A_155 : i32
      %parallel_loop3A_157 = arith.index_cast %parallel_loop3A_156 : i32 to index
      %parallel_loop3A_158 = tpu.vector_load %arg6[%parallel_loop3A_157] {strides = array<i32>} : memref<1024xi32, #tpu.memory_space<vmem>>, vector<16xi32>,
      %parallel_loop3A_159 = arith.constant 8 : i32
      %parallel_loop3A_160 = arith.divsi %parallel_loop3A_154, %parallel_loop3A_159 : i32
      %parallel_loop3A_161 = arith.constant 0 : i32
      %parallel_loop3A_162 = arith.cmpi sgt, %parallel_loop3A_154, %parallel_loop3A_161 : i32
      %parallel_loop3A_163 = arith.extui %parallel_loop3A_162 : i1 to i32
      %parallel_loop3A_164 = arith.constant 0 : i32
      %parallel_loop3A_165 = arith.cmpi slt, %parallel_loop3A_154, %parallel_loop3A_164 : i32
      %parallel_loop3A_166 = arith.extui %parallel_loop3A_165 : i1 to i32
      %parallel_loop3A_167 = arith.subi %parallel_loop3A_163, %parallel_loop3A_166 : i32
      %parallel_loop3A_168 = arith.constant 0 : i32
      %parallel_loop3A_169 = arith.cmpi sgt, %parallel_loop3A_159, %parallel_loop3A_168 : i32
      %parallel_loop3A_170 = arith.extui %parallel_loop3A_169 : i1 to i32
      %parallel_loop3A_171 = arith.constant 0 : i32
      %parallel_loop3A_172 = arith.cmpi slt, %parallel_loop3A_159, %parallel_loop3A_171 : i32
      %parallel_loop3A_173 = arith.extui %parallel_loop3A_172 : i1 to i32
      %parallel_loop3A_174 = arith.subi %parallel_loop3A_170, %parallel_loop3A_173 : i32
      %parallel_loop3A_175 = arith.cmpi ne, %parallel_loop3A_167, %parallel_loop3A_174 : i32
      %parallel_loop3A_176 = arith.remsi %parallel_loop3A_154, %parallel_loop3A_159 : i32
      %parallel_loop3A_177 = arith.constant 0 : i32
      %parallel_loop3A_178 = arith.cmpi ne, %parallel_loop3A_176, %parallel_loop3A_177 : i32
      %parallel_loop3A_179 = arith.andi %parallel_loop3A_175, %parallel_loop3A_178 : i1
      %parallel_loop3A_180 = arith.constant 1 : i32
      %parallel_loop3A_181 = arith.subi %parallel_loop3A_160, %parallel_loop3A_180 : i32
      %parallel_loop3A_182 = arith.select %parallel_loop3A_179, %parallel_loop3A_181, %parallel_loop3A_160 : i32
      %parallel_loop3A_183 = arith.constant 1024 : i32
      %parallel_loop3A_184 = arith.muli %parallel_loop3A_182, %parallel_loop3A_183 : i32
      %parallel_loop3A_185 = arith.constant 8 : i32
      %parallel_loop3A_186 = arith.constant 0 : i32
      %parallel_loop3A_187 = arith.cmpi eq, %parallel_loop3A_185, %parallel_loop3A_186 : i32
      %parallel_loop3A_188 = arith.constant 1 : i32
      %parallel_loop3A_189 = arith.select %parallel_loop3A_187, %parallel_loop3A_188, %parallel_loop3A_185 : i32
      %parallel_loop3A_190 = arith.remsi %parallel_loop3A_154, %parallel_loop3A_189 : i32
      %parallel_loop3A_191 = arith.constant 0 : i32
      %parallel_loop3A_192 = arith.cmpi ne, %parallel_loop3A_190, %parallel_loop3A_191 : i32
      %parallel_loop3A_193 = arith.constant 0 : i32
      %parallel_loop3A_194 = arith.cmpi slt, %parallel_loop3A_190, %parallel_loop3A_193 : i32
      %parallel_loop3A_195 = arith.constant 0 : i32
      %parallel_loop3A_196 = arith.cmpi slt, %parallel_loop3A_189, %parallel_loop3A_195 : i32
      %parallel_loop3A_197 = arith.xori %parallel_loop3A_194, %parallel_loop3A_196 : i1
      %parallel_loop3A_198 = arith.andi %parallel_loop3A_197, %parallel_loop3A_192 : i1
      %parallel_loop3A_199 = arith.addi %parallel_loop3A_190, %parallel_loop3A_189 : i32
      %parallel_loop3A_200 = arith.select %parallel_loop3A_198, %parallel_loop3A_199, %parallel_loop3A_190 : i32
      %parallel_loop3A_201 = arith.constant 16 : i32
      %parallel_loop3A_202 = arith.muli %parallel_loop3A_200, %parallel_loop3A_201 : i32
      %parallel_loop3A_203 = arith.addi %parallel_loop3A_184, %parallel_loop3A_202 : i32
      %parallel_loop3A_204 = vector.broadcast %parallel_loop3A_203 : i32 to vector<16xi32>
      %parallel_loop3A_205 = arith.addi %parallel_loop3A_204, %iota3A : vector<16xi32>
      %parallel_loop3A_206 = arith.constant 0 : i32
      %parallel_loop3A_207 = vector.broadcast %parallel_loop3A_206 : i32 to vector<16xi32>
      %parallel_loop3A_208 = arith.addi %parallel_loop3A_158, %parallel_loop3A_207 : vector<16xi32>
      %parallel_loop3A_209 = tpu.vector_load_idx %arg5[%parallel_loop3A_208] : memref<16000xf32, #tpu.memory_space<vmem>>[vector<16xi32>], vector<16xf32>,
      %parallel_loop3A_210 = arith.constant 0 : i32
      %parallel_loop3A_211 = vector.broadcast %parallel_loop3A_210 : i32 to vector<16xi32>
      %parallel_loop3A_212 = arith.addi %parallel_loop3A_205, %parallel_loop3A_211 : vector<16xi32>
      tpu.vector_store_idx %arg8[%parallel_loop3A_212], %parallel_loop3A_209 : memref<16384xf32, #tpu.memory_space<vmem>>[vector<16xi32>], vector<16xf32>,
      %parallel_loop3A_213 = arith.constant 1000 : i32
      %parallel_loop3A_214 = vector.broadcast %parallel_loop3A_213 : i32 to vector<16xi32>
      %parallel_loop3A_215 = arith.addi %parallel_loop3A_158, %parallel_loop3A_214 : vector<16xi32>
      %parallel_loop3A_216 = tpu.vector_load_idx %arg5[%parallel_loop3A_215] : memref<16000xf32, #tpu.memory_space<vmem>>[vector<16xi32>], vector<16xf32>,
      %parallel_loop3A_217 = arith.constant 128 : i32
      %parallel_loop3A_218 = vector.broadcast %parallel_loop3A_217 : i32 to vector<16xi32>
      %parallel_loop3A_219 = arith.addi %parallel_loop3A_205, %parallel_loop3A_218 : vector<16xi32>
      tpu.vector_store_idx %arg8[%parallel_loop3A_219], %parallel_loop3A_216 : memref<16384xf32, #tpu.memory_space<vmem>>[vector<16xi32>], vector<16xf32>,
      %parallel_loop3A_220 = arith.constant 2000 : i32
      %parallel_loop3A_221 = vector.broadcast %parallel_loop3A_220 : i32 to vector<16xi32>
      %parallel_loop3A_222 = arith.addi %parallel_loop3A_158, %parallel_loop3A_221 : vector<16xi32>
      %parallel_loop3A_223 = tpu.vector_load_idx %arg5[%parallel_loop3A_222] : memref<16000xf32, #tpu.memory_space<vmem>>[vector<16xi32>], vector<16xf32>,
      %parallel_loop3A_224 = arith.constant 256 : i32
      %parallel_loop3A_225 = vector.broadcast %parallel_loop3A_224 : i32 to vector<16xi32>
      %parallel_loop3A_226 = arith.addi %parallel_loop3A_205, %parallel_loop3A_225 : vector<16xi32>
      tpu.vector_store_idx %arg8[%parallel_loop3A_226], %parallel_loop3A_223 : memref<16384xf32, #tpu.memory_space<vmem>>[vector<16xi32>], vector<16xf32>,
      %parallel_loop3A_227 = arith.constant 3000 : i32
      %parallel_loop3A_228 = vector.broadcast %parallel_loop3A_227 : i32 to vector<16xi32>
      %parallel_loop3A_229 = arith.addi %parallel_loop3A_158, %parallel_loop3A_228 : vector<16xi32>
      %parallel_loop3A_230 = tpu.vector_load_idx %arg5[%parallel_loop3A_229] : memref<16000xf32, #tpu.memory_space<vmem>>[vector<16xi32>], vector<16xf32>,
      %parallel_loop3A_231 = arith.constant 384 : i32
      %parallel_loop3A_232 = vector.broadcast %parallel_loop3A_231 : i32 to vector<16xi32>
      %parallel_loop3A_233 = arith.addi %parallel_loop3A_205, %parallel_loop3A_232 : vector<16xi32>
      tpu.vector_store_idx %arg8[%parallel_loop3A_233], %parallel_loop3A_230 : memref<16384xf32, #tpu.memory_space<vmem>>[vector<16xi32>], vector<16xf32>,
      %parallel_loop3A_234 = arith.constant 4000 : i32
      %parallel_loop3A_235 = vector.broadcast %parallel_loop3A_234 : i32 to vector<16xi32>
      %parallel_loop3A_236 = arith.addi %parallel_loop3A_158, %parallel_loop3A_235 : vector<16xi32>
      %parallel_loop3A_237 = tpu.vector_load_idx %arg5[%parallel_loop3A_236] : memref<16000xf32, #tpu.memory_space<vmem>>[vector<16xi32>], vector<16xf32>,
      %parallel_loop3A_238 = arith.constant 512 : i32
      %parallel_loop3A_239 = vector.broadcast %parallel_loop3A_238 : i32 to vector<16xi32>
      %parallel_loop3A_240 = arith.addi %parallel_loop3A_205, %parallel_loop3A_239 : vector<16xi32>
      tpu.vector_store_idx %arg8[%parallel_loop3A_240], %parallel_loop3A_237 : memref<16384xf32, #tpu.memory_space<vmem>>[vector<16xi32>], vector<16xf32>,
      %parallel_loop3A_241 = arith.constant 5000 : i32
      %parallel_loop3A_242 = vector.broadcast %parallel_loop3A_241 : i32 to vector<16xi32>
      %parallel_loop3A_243 = arith.addi %parallel_loop3A_158, %parallel_loop3A_242 : vector<16xi32>
      %parallel_loop3A_244 = tpu.vector_load_idx %arg5[%parallel_loop3A_243] : memref<16000xf32, #tpu.memory_space<vmem>>[vector<16xi32>], vector<16xf32>,
      %parallel_loop3A_245 = arith.constant 640 : i32
      %parallel_loop3A_246 = vector.broadcast %parallel_loop3A_245 : i32 to vector<16xi32>
      %parallel_loop3A_247 = arith.addi %parallel_loop3A_205, %parallel_loop3A_246 : vector<16xi32>
      tpu.vector_store_idx %arg8[%parallel_loop3A_247], %parallel_loop3A_244 : memref<16384xf32, #tpu.memory_space<vmem>>[vector<16xi32>], vector<16xf32>,
      %parallel_loop3A_248 = arith.constant 6000 : i32
      %parallel_loop3A_249 = vector.broadcast %parallel_loop3A_248 : i32 to vector<16xi32>
      %parallel_loop3A_250 = arith.addi %parallel_loop3A_158, %parallel_loop3A_249 : vector<16xi32>
      %parallel_loop3A_251 = tpu.vector_load_idx %arg5[%parallel_loop3A_250] : memref<16000xf32, #tpu.memory_space<vmem>>[vector<16xi32>], vector<16xf32>,
      %parallel_loop3A_252 = arith.constant 768 : i32
      %parallel_loop3A_253 = vector.broadcast %parallel_loop3A_252 : i32 to vector<16xi32>
      %parallel_loop3A_254 = arith.addi %parallel_loop3A_205, %parallel_loop3A_253 : vector<16xi32>
      tpu.vector_store_idx %arg8[%parallel_loop3A_254], %parallel_loop3A_251 : memref<16384xf32, #tpu.memory_space<vmem>>[vector<16xi32>], vector<16xf32>,
      %parallel_loop3A_255 = arith.constant 7000 : i32
      %parallel_loop3A_256 = vector.broadcast %parallel_loop3A_255 : i32 to vector<16xi32>
      %parallel_loop3A_257 = arith.addi %parallel_loop3A_158, %parallel_loop3A_256 : vector<16xi32>
      %parallel_loop3A_258 = tpu.vector_load_idx %arg5[%parallel_loop3A_257] : memref<16000xf32, #tpu.memory_space<vmem>>[vector<16xi32>], vector<16xf32>,
      %parallel_loop3A_259 = arith.constant 896 : i32
      %parallel_loop3A_260 = vector.broadcast %parallel_loop3A_259 : i32 to vector<16xi32>
      %parallel_loop3A_261 = arith.addi %parallel_loop3A_205, %parallel_loop3A_260 : vector<16xi32>
      tpu.vector_store_idx %arg8[%parallel_loop3A_261], %parallel_loop3A_258 : memref<16384xf32, #tpu.memory_space<vmem>>[vector<16xi32>], vector<16xf32>,
      %parallel_loop3A_262 = arith.constant 8000 : i32
      %parallel_loop3A_263 = vector.broadcast %parallel_loop3A_262 : i32 to vector<16xi32>
      %parallel_loop3A_264 = arith.addi %parallel_loop3A_158, %parallel_loop3A_263 : vector<16xi32>
      %parallel_loop3A_265 = tpu.vector_load_idx %arg5[%parallel_loop3A_264] : memref<16000xf32, #tpu.memory_space<vmem>>[vector<16xi32>], vector<16xf32>,
      %parallel_loop3A_266 = arith.constant 8192 : i32
      %parallel_loop3A_267 = vector.broadcast %parallel_loop3A_266 : i32 to vector<16xi32>
      %parallel_loop3A_268 = arith.addi %parallel_loop3A_205, %parallel_loop3A_267 : vector<16xi32>
      tpu.vector_store_idx %arg8[%parallel_loop3A_268], %parallel_loop3A_265 : memref<16384xf32, #tpu.memory_space<vmem>>[vector<16xi32>], vector<16xf32>,
      %parallel_loop3A_269 = arith.constant 9000 : i32
      %parallel_loop3A_270 = vector.broadcast %parallel_loop3A_269 : i32 to vector<16xi32>
      %parallel_loop3A_271 = arith.addi %parallel_loop3A_158, %parallel_loop3A_270 : vector<16xi32>
      %parallel_loop3A_272 = tpu.vector_load_idx %arg5[%parallel_loop3A_271] : memref<16000xf32, #tpu.memory_space<vmem>>[vector<16xi32>], vector<16xf32>,
      %parallel_loop3A_273 = arith.constant 8320 : i32
      %parallel_loop3A_274 = vector.broadcast %parallel_loop3A_273 : i32 to vector<16xi32>
      %parallel_loop3A_275 = arith.addi %parallel_loop3A_205, %parallel_loop3A_274 : vector<16xi32>
      tpu.vector_store_idx %arg8[%parallel_loop3A_275], %parallel_loop3A_272 : memref<16384xf32, #tpu.memory_space<vmem>>[vector<16xi32>], vector<16xf32>,
      %parallel_loop3A_276 = arith.constant 10000 : i32
      %parallel_loop3A_277 = vector.broadcast %parallel_loop3A_276 : i32 to vector<16xi32>
      %parallel_loop3A_278 = arith.addi %parallel_loop3A_158, %parallel_loop3A_277 : vector<16xi32>
      %parallel_loop3A_279 = tpu.vector_load_idx %arg5[%parallel_loop3A_278] : memref<16000xf32, #tpu.memory_space<vmem>>[vector<16xi32>], vector<16xf32>,
      %parallel_loop3A_280 = arith.constant 8448 : i32
      %parallel_loop3A_281 = vector.broadcast %parallel_loop3A_280 : i32 to vector<16xi32>
      %parallel_loop3A_282 = arith.addi %parallel_loop3A_205, %parallel_loop3A_281 : vector<16xi32>
      tpu.vector_store_idx %arg8[%parallel_loop3A_282], %parallel_loop3A_279 : memref<16384xf32, #tpu.memory_space<vmem>>[vector<16xi32>], vector<16xf32>,
      %parallel_loop3A_283 = arith.constant 11000 : i32
      %parallel_loop3A_284 = vector.broadcast %parallel_loop3A_283 : i32 to vector<16xi32>
      %parallel_loop3A_285 = arith.addi %parallel_loop3A_158, %parallel_loop3A_284 : vector<16xi32>
      %parallel_loop3A_286 = tpu.vector_load_idx %arg5[%parallel_loop3A_285] : memref<16000xf32, #tpu.memory_space<vmem>>[vector<16xi32>], vector<16xf32>,
      %parallel_loop3A_287 = arith.constant 8576 : i32
      %parallel_loop3A_288 = vector.broadcast %parallel_loop3A_287 : i32 to vector<16xi32>
      %parallel_loop3A_289 = arith.addi %parallel_loop3A_205, %parallel_loop3A_288 : vector<16xi32>
      tpu.vector_store_idx %arg8[%parallel_loop3A_289], %parallel_loop3A_286 : memref<16384xf32, #tpu.memory_space<vmem>>[vector<16xi32>], vector<16xf32>,
      %parallel_loop3A_290 = arith.constant 12000 : i32
      %parallel_loop3A_291 = vector.broadcast %parallel_loop3A_290 : i32 to vector<16xi32>
      %parallel_loop3A_292 = arith.addi %parallel_loop3A_158, %parallel_loop3A_291 : vector<16xi32>
      %parallel_loop3A_293 = tpu.vector_load_idx %arg5[%parallel_loop3A_292] : memref<16000xf32, #tpu.memory_space<vmem>>[vector<16xi32>], vector<16xf32>,
      %parallel_loop3A_294 = arith.constant 8704 : i32
      %parallel_loop3A_295 = vector.broadcast %parallel_loop3A_294 : i32 to vector<16xi32>
      %parallel_loop3A_296 = arith.addi %parallel_loop3A_205, %parallel_loop3A_295 : vector<16xi32>
      tpu.vector_store_idx %arg8[%parallel_loop3A_296], %parallel_loop3A_293 : memref<16384xf32, #tpu.memory_space<vmem>>[vector<16xi32>], vector<16xf32>,
      %parallel_loop3A_297 = arith.constant 13000 : i32
      %parallel_loop3A_298 = vector.broadcast %parallel_loop3A_297 : i32 to vector<16xi32>
      %parallel_loop3A_299 = arith.addi %parallel_loop3A_158, %parallel_loop3A_298 : vector<16xi32>
      %parallel_loop3A_300 = tpu.vector_load_idx %arg5[%parallel_loop3A_299] : memref<16000xf32, #tpu.memory_space<vmem>>[vector<16xi32>], vector<16xf32>,
      %parallel_loop3A_301 = arith.constant 8832 : i32
      %parallel_loop3A_302 = vector.broadcast %parallel_loop3A_301 : i32 to vector<16xi32>
      %parallel_loop3A_303 = arith.addi %parallel_loop3A_205, %parallel_loop3A_302 : vector<16xi32>
      tpu.vector_store_idx %arg8[%parallel_loop3A_303], %parallel_loop3A_300 : memref<16384xf32, #tpu.memory_space<vmem>>[vector<16xi32>], vector<16xf32>,
      %parallel_loop3A_304 = arith.constant 14000 : i32
      %parallel_loop3A_305 = vector.broadcast %parallel_loop3A_304 : i32 to vector<16xi32>
      %parallel_loop3A_306 = arith.addi %parallel_loop3A_158, %parallel_loop3A_305 : vector<16xi32>
      %parallel_loop3A_307 = tpu.vector_load_idx %arg5[%parallel_loop3A_306] : memref<16000xf32, #tpu.memory_space<vmem>>[vector<16xi32>], vector<16xf32>,
      %parallel_loop3A_308 = arith.constant 8960 : i32
      %parallel_loop3A_309 = vector.broadcast %parallel_loop3A_308 : i32 to vector<16xi32>
      %parallel_loop3A_310 = arith.addi %parallel_loop3A_205, %parallel_loop3A_309 : vector<16xi32>
      tpu.vector_store_idx %arg8[%parallel_loop3A_310], %parallel_loop3A_307 : memref<16384xf32, #tpu.memory_space<vmem>>[vector<16xi32>], vector<16xf32>,
      %parallel_loop3A_311 = arith.constant 15000 : i32
      %parallel_loop3A_312 = vector.broadcast %parallel_loop3A_311 : i32 to vector<16xi32>
      %parallel_loop3A_313 = arith.addi %parallel_loop3A_158, %parallel_loop3A_312 : vector<16xi32>
      %parallel_loop3A_314 = tpu.vector_load_idx %arg5[%parallel_loop3A_313] : memref<16000xf32, #tpu.memory_space<vmem>>[vector<16xi32>], vector<16xf32>,
      %parallel_loop3A_315 = arith.constant 9088 : i32
      %parallel_loop3A_316 = vector.broadcast %parallel_loop3A_315 : i32 to vector<16xi32>
      %parallel_loop3A_317 = arith.addi %parallel_loop3A_205, %parallel_loop3A_316 : vector<16xi32>
      tpu.vector_store_idx %arg8[%parallel_loop3A_317], %parallel_loop3A_314 : memref<16384xf32, #tpu.memory_space<vmem>>[vector<16xi32>], vector<16xf32>,
    } {sc.loop_unroll_factor = 4 : i64, sc.parallel_access}
    %add3A_37 = arith.constant 0 : i32
    %add3A_38 = arith.addi %add3A_4, %add3A_37 : i32
    %min3A_39 = arith.minsi %add3A_38, %sub3A_10 : i32
    %mul3A_40 = arith.constant 1024 : i32
    %mul3A_41 = arith.muli %min3A_39, %mul3A_40 : i32
    %dma_start3A_42 = arith.constant 0 : i32
    %dma_start3A_43 = tpu.memref_slice %arg8[%dma_start3A_42] : memref<16384xf32, #tpu.memory_space<vmem>> -> memref<8192xf32, #tpu.memory_space<vmem>>
    %dma_start3A_44 = tpu.memref_slice %arg4[%mul3A_41] : memref<51200000xf32, #tpu.memory_space<hbm>> -> memref<8192xf32, #tpu.memory_space<hbm>>
    %dma_start3A_45 = tpu.memref_slice %arg4[%mul3A_41] : memref<51200000xf32, #tpu.memory_space<hbm>> -> memref<8192xf32, #tpu.memory_space<hbm>>
    %dma_start3A_46 = arith.constant 0 : i32
    %dma_start3A_47 = tpu.memref_slice %arg8[%dma_start3A_46] : memref<16384xf32, #tpu.memory_space<vmem>> -> memref<8192xf32, #tpu.memory_space<vmem>>
    tpu.enqueue_dma source(%dma_start3A_47 : memref<8192xf32, #tpu.memory_space<vmem>>) target(%dma_start3A_45 : memref<8192xf32, #tpu.memory_space<hbm>>) target_semaphore(%arg12 : memref<!tpu.dma_semaphore, #tpu.memory_space<semaphore_mem>>)
    %add3A_48 = arith.constant 25000 : i32
    %add3A_49 = arith.addi %add3A_48, %min3A_39 : i32
    %mul3A_50 = arith.constant 1024 : i32
    %mul3A_51 = arith.muli %add3A_49, %mul3A_50 : i32
    %dma_start3A_52 = arith.constant 8192 : i32
    %dma_start3A_53 = tpu.memref_slice %arg8[%dma_start3A_52] : memref<16384xf32, #tpu.memory_space<vmem>> -> memref<8192xf32, #tpu.memory_space<vmem>>
    %dma_start3A_54 = tpu.memref_slice %arg4[%mul3A_51] : memref<51200000xf32, #tpu.memory_space<hbm>> -> memref<8192xf32, #tpu.memory_space<hbm>>
    %dma_start3A_55 = tpu.memref_slice %arg4[%mul3A_51] : memref<51200000xf32, #tpu.memory_space<hbm>> -> memref<8192xf32, #tpu.memory_space<hbm>>
    %dma_start3A_56 = arith.constant 8192 : i32
    %dma_start3A_57 = tpu.memref_slice %arg8[%dma_start3A_56] : memref<16384xf32, #tpu.memory_space<vmem>> -> memref<8192xf32, #tpu.memory_space<vmem>>
    tpu.enqueue_dma source(%dma_start3A_57 : memref<8192xf32, #tpu.memory_space<vmem>>) target(%dma_start3A_55 : memref<8192xf32, #tpu.memory_space<hbm>>) target_semaphore(%arg12 : memref<!tpu.dma_semaphore, #tpu.memory_space<semaphore_mem>>)
    %min3A_58 = arith.constant 2 : i32
    %min3A_59 = arith.constant 97 : i32
    %min3A_60 = arith.minsi %min3A_58, %min3A_59 : i32
    %mul3A_61 = arith.constant 8 : i32
    %mul3A_62 = arith.muli %min3A_60, %mul3A_61 : i32
    %add3A_63 = arith.addi %add3A_4, %mul3A_62 : i32
    %min3A_64 = arith.minsi %add3A_63, %sub3A_10 : i32
    %mul3A_65 = arith.constant 128 : i32
    %mul3A_66 = arith.muli %min3A_64, %mul3A_65 : i32
    %dma_start3A_67 = tpu.memref_slice %arg2[%mul3A_66] : memref<3200000xi32, #tpu.memory_space<hbm>> -> memref<1024xi32, #tpu.memory_space<hbm>>
    %dma_start3A_68 = tpu.memref_slice %arg2[%mul3A_66] : memref<3200000xi32, #tpu.memory_space<hbm>> -> memref<1024xi32, #tpu.memory_space<hbm>>
    tpu.enqueue_dma source(%dma_start3A_68 : memref<1024xi32, #tpu.memory_space<hbm>>) target(%arg6 : memref<1024xi32, #tpu.memory_space<vmem>>) target_semaphore(%arg10 : memref<!tpu.dma_semaphore, #tpu.memory_space<semaphore_mem>>)
    %dma_wait3A_69 = arith.constant 0 : i32
    %dma_wait3A_70 = tpu.memref_slice %arg2[%dma_wait3A_69] : memref<3200000xi32, #tpu.memory_space<hbm>> -> memref<1024xi32, #tpu.memory_space<hbm>>
    %dma_wait3A_71 = arith.constant 0 : i32
    %dma_wait3A_72 = tpu.memref_slice %arg2[%dma_wait3A_71] : memref<3200000xi32, #tpu.memory_space<hbm>> -> memref<1024xi32, #tpu.memory_space<hbm>>
    tpu.wait_dma2 semaphore(%arg11 : memref<!tpu.dma_semaphore, #tpu.memory_space<semaphore_mem>>) src(%dma_wait3A_72 : memref<1024xi32, #tpu.memory_space<hbm>>) dst(%arg7 : memref<1024xi32, #tpu.memory_space<vmem>>)
    %iota3A_73 = tpu.iota {dimensions = array<i32: 0>} : vector<16xi32>
    %parallel_loop3A_74 = arith.constant 0 : i32
    %parallel_loop3A_75 = arith.constant 64 : i32
    %parallel_loop3A_76 = arith.constant 1 : i32
    scf.for %parallel_loop3A_154 = %parallel_loop3A_74 to %parallel_loop3A_75 step %parallel_loop3A_76  : i32 {
      %parallel_loop3A_155 = arith.constant 16 : i32
      %parallel_loop3A_156 = arith.muli %parallel_loop3A_154, %parallel_loop3A_155 : i32
      %parallel_loop3A_157 = arith.index_cast %parallel_loop3A_156 : i32 to index
      %parallel_loop3A_158 = tpu.vector_load %arg7[%parallel_loop3A_157] {strides = array<i32>} : memref<1024xi32, #tpu.memory_space<vmem>>, vector<16xi32>,
      %parallel_loop3A_159 = arith.constant 8 : i32
      %parallel_loop3A_160 = arith.divsi %parallel_loop3A_154, %parallel_loop3A_159 : i32
      %parallel_loop3A_161 = arith.constant 0 : i32
      %parallel_loop3A_162 = arith.cmpi sgt, %parallel_loop3A_154, %parallel_loop3A_161 : i32
      %parallel_loop3A_163 = arith.extui %parallel_loop3A_162 : i1 to i32
      %parallel_loop3A_164 = arith.constant 0 : i32
      %parallel_loop3A_165 = arith.cmpi slt, %parallel_loop3A_154, %parallel_loop3A_164 : i32
      %parallel_loop3A_166 = arith.extui %parallel_loop3A_165 : i1 to i32
      %parallel_loop3A_167 = arith.subi %parallel_loop3A_163, %parallel_loop3A_166 : i32
      %parallel_loop3A_168 = arith.constant 0 : i32
      %parallel_loop3A_169 = arith.cmpi sgt, %parallel_loop3A_159, %parallel_loop3A_168 : i32
      %parallel_loop3A_170 = arith.extui %parallel_loop3A_169 : i1 to i32
      %parallel_loop3A_171 = arith.constant 0 : i32
      %parallel_loop3A_172 = arith.cmpi slt, %parallel_loop3A_159, %parallel_loop3A_171 : i32
      %parallel_loop3A_173 = arith.extui %parallel_loop3A_172 : i1 to i32
      %parallel_loop3A_174 = arith.subi %parallel_loop3A_170, %parallel_loop3A_173 : i32
      %parallel_loop3A_175 = arith.cmpi ne, %parallel_loop3A_167, %parallel_loop3A_174 : i32
      %parallel_loop3A_176 = arith.remsi %parallel_loop3A_154, %parallel_loop3A_159 : i32
      %parallel_loop3A_177 = arith.constant 0 : i32
      %parallel_loop3A_178 = arith.cmpi ne, %parallel_loop3A_176, %parallel_loop3A_177 : i32
      %parallel_loop3A_179 = arith.andi %parallel_loop3A_175, %parallel_loop3A_178 : i1
      %parallel_loop3A_180 = arith.constant 1 : i32
      %parallel_loop3A_181 = arith.subi %parallel_loop3A_160, %parallel_loop3A_180 : i32
      %parallel_loop3A_182 = arith.select %parallel_loop3A_179, %parallel_loop3A_181, %parallel_loop3A_160 : i32
      %parallel_loop3A_183 = arith.constant 1024 : i32
      %parallel_loop3A_184 = arith.muli %parallel_loop3A_182, %parallel_loop3A_183 : i32
      %parallel_loop3A_185 = arith.constant 8 : i32
      %parallel_loop3A_186 = arith.constant 0 : i32
      %parallel_loop3A_187 = arith.cmpi eq, %parallel_loop3A_185, %parallel_loop3A_186 : i32
      %parallel_loop3A_188 = arith.constant 1 : i32
      %parallel_loop3A_189 = arith.select %parallel_loop3A_187, %parallel_loop3A_188, %parallel_loop3A_185 : i32
      %parallel_loop3A_190 = arith.remsi %parallel_loop3A_154, %parallel_loop3A_189 : i32
      %parallel_loop3A_191 = arith.constant 0 : i32
      %parallel_loop3A_192 = arith.cmpi ne, %parallel_loop3A_190, %parallel_loop3A_191 : i32
      %parallel_loop3A_193 = arith.constant 0 : i32
      %parallel_loop3A_194 = arith.cmpi slt, %parallel_loop3A_190, %parallel_loop3A_193 : i32
      %parallel_loop3A_195 = arith.constant 0 : i32
      %parallel_loop3A_196 = arith.cmpi slt, %parallel_loop3A_189, %parallel_loop3A_195 : i32
      %parallel_loop3A_197 = arith.xori %parallel_loop3A_194, %parallel_loop3A_196 : i1
      %parallel_loop3A_198 = arith.andi %parallel_loop3A_197, %parallel_loop3A_192 : i1
      %parallel_loop3A_199 = arith.addi %parallel_loop3A_190, %parallel_loop3A_189 : i32
      %parallel_loop3A_200 = arith.select %parallel_loop3A_198, %parallel_loop3A_199, %parallel_loop3A_190 : i32
      %parallel_loop3A_201 = arith.constant 16 : i32
      %parallel_loop3A_202 = arith.muli %parallel_loop3A_200, %parallel_loop3A_201 : i32
      %parallel_loop3A_203 = arith.addi %parallel_loop3A_184, %parallel_loop3A_202 : i32
      %parallel_loop3A_204 = vector.broadcast %parallel_loop3A_203 : i32 to vector<16xi32>
      %parallel_loop3A_205 = arith.addi %parallel_loop3A_204, %iota3A_73 : vector<16xi32>
      %parallel_loop3A_206 = arith.constant 0 : i32
      %parallel_loop3A_207 = vector.broadcast %parallel_loop3A_206 : i32 to vector<16xi32>
      %parallel_loop3A_208 = arith.addi %parallel_loop3A_158, %parallel_loop3A_207 : vector<16xi32>
      %parallel_loop3A_209 = tpu.vector_load_idx %arg5[%parallel_loop3A_208] : memref<16000xf32, #tpu.memory_space<vmem>>[vector<16xi32>], vector<16xf32>,
      %parallel_loop3A_210 = arith.constant 0 : i32
      %parallel_loop3A_211 = vector.broadcast %parallel_loop3A_210 : i32 to vector<16xi32>
      %parallel_loop3A_212 = arith.addi %parallel_loop3A_205, %parallel_loop3A_211 : vector<16xi32>
      tpu.vector_store_idx %arg9[%parallel_loop3A_212], %parallel_loop3A_209 : memref<16384xf32, #tpu.memory_space<vmem>>[vector<16xi32>], vector<16xf32>,
      %parallel_loop3A_213 = arith.constant 1000 : i32
      %parallel_loop3A_214 = vector.broadcast %parallel_loop3A_213 : i32 to vector<16xi32>
      %parallel_loop3A_215 = arith.addi %parallel_loop3A_158, %parallel_loop3A_214 : vector<16xi32>
      %parallel_loop3A_216 = tpu.vector_load_idx %arg5[%parallel_loop3A_215] : memref<16000xf32, #tpu.memory_space<vmem>>[vector<16xi32>], vector<16xf32>,
      %parallel_loop3A_217 = arith.constant 128 : i32
      %parallel_loop3A_218 = vector.broadcast %parallel_loop3A_217 : i32 to vector<16xi32>
      %parallel_loop3A_219 = arith.addi %parallel_loop3A_205, %parallel_loop3A_218 : vector<16xi32>
      tpu.vector_store_idx %arg9[%parallel_loop3A_219], %parallel_loop3A_216 : memref<16384xf32, #tpu.memory_space<vmem>>[vector<16xi32>], vector<16xf32>,
      %parallel_loop3A_220 = arith.constant 2000 : i32
      %parallel_loop3A_221 = vector.broadcast %parallel_loop3A_220 : i32 to vector<16xi32>
      %parallel_loop3A_222 = arith.addi %parallel_loop3A_158, %parallel_loop3A_221 : vector<16xi32>
      %parallel_loop3A_223 = tpu.vector_load_idx %arg5[%parallel_loop3A_222] : memref<16000xf32, #tpu.memory_space<vmem>>[vector<16xi32>], vector<16xf32>,
      %parallel_loop3A_224 = arith.constant 256 : i32
      %parallel_loop3A_225 = vector.broadcast %parallel_loop3A_224 : i32 to vector<16xi32>
      %parallel_loop3A_226 = arith.addi %parallel_loop3A_205, %parallel_loop3A_225 : vector<16xi32>
      tpu.vector_store_idx %arg9[%parallel_loop3A_226], %parallel_loop3A_223 : memref<16384xf32, #tpu.memory_space<vmem>>[vector<16xi32>], vector<16xf32>,
      %parallel_loop3A_227 = arith.constant 3000 : i32
      %parallel_loop3A_228 = vector.broadcast %parallel_loop3A_227 : i32 to vector<16xi32>
      %parallel_loop3A_229 = arith.addi %parallel_loop3A_158, %parallel_loop3A_228 : vector<16xi32>
      %parallel_loop3A_230 = tpu.vector_load_idx %arg5[%parallel_loop3A_229] : memref<16000xf32, #tpu.memory_space<vmem>>[vector<16xi32>], vector<16xf32>,
      %parallel_loop3A_231 = arith.constant 384 : i32
      %parallel_loop3A_232 = vector.broadcast %parallel_loop3A_231 : i32 to vector<16xi32>
      %parallel_loop3A_233 = arith.addi %parallel_loop3A_205, %parallel_loop3A_232 : vector<16xi32>
      tpu.vector_store_idx %arg9[%parallel_loop3A_233], %parallel_loop3A_230 : memref<16384xf32, #tpu.memory_space<vmem>>[vector<16xi32>], vector<16xf32>,
      %parallel_loop3A_234 = arith.constant 4000 : i32
      %parallel_loop3A_235 = vector.broadcast %parallel_loop3A_234 : i32 to vector<16xi32>
      %parallel_loop3A_236 = arith.addi %parallel_loop3A_158, %parallel_loop3A_235 : vector<16xi32>
      %parallel_loop3A_237 = tpu.vector_load_idx %arg5[%parallel_loop3A_236] : memref<16000xf32, #tpu.memory_space<vmem>>[vector<16xi32>], vector<16xf32>,
      %parallel_loop3A_238 = arith.constant 512 : i32
      %parallel_loop3A_239 = vector.broadcast %parallel_loop3A_238 : i32 to vector<16xi32>
      %parallel_loop3A_240 = arith.addi %parallel_loop3A_205, %parallel_loop3A_239 : vector<16xi32>
      tpu.vector_store_idx %arg9[%parallel_loop3A_240], %parallel_loop3A_237 : memref<16384xf32, #tpu.memory_space<vmem>>[vector<16xi32>], vector<16xf32>,
      %parallel_loop3A_241 = arith.constant 5000 : i32
      %parallel_loop3A_242 = vector.broadcast %parallel_loop3A_241 : i32 to vector<16xi32>
      %parallel_loop3A_243 = arith.addi %parallel_loop3A_158, %parallel_loop3A_242 : vector<16xi32>
      %parallel_loop3A_244 = tpu.vector_load_idx %arg5[%parallel_loop3A_243] : memref<16000xf32, #tpu.memory_space<vmem>>[vector<16xi32>], vector<16xf32>,
      %parallel_loop3A_245 = arith.constant 640 : i32
      %parallel_loop3A_246 = vector.broadcast %parallel_loop3A_245 : i32 to vector<16xi32>
      %parallel_loop3A_247 = arith.addi %parallel_loop3A_205, %parallel_loop3A_246 : vector<16xi32>
      tpu.vector_store_idx %arg9[%parallel_loop3A_247], %parallel_loop3A_244 : memref<16384xf32, #tpu.memory_space<vmem>>[vector<16xi32>], vector<16xf32>,
      %parallel_loop3A_248 = arith.constant 6000 : i32
      %parallel_loop3A_249 = vector.broadcast %parallel_loop3A_248 : i32 to vector<16xi32>
      %parallel_loop3A_250 = arith.addi %parallel_loop3A_158, %parallel_loop3A_249 : vector<16xi32>
      %parallel_loop3A_251 = tpu.vector_load_idx %arg5[%parallel_loop3A_250] : memref<16000xf32, #tpu.memory_space<vmem>>[vector<16xi32>], vector<16xf32>,
      %parallel_loop3A_252 = arith.constant 768 : i32
      %parallel_loop3A_253 = vector.broadcast %parallel_loop3A_252 : i32 to vector<16xi32>
      %parallel_loop3A_254 = arith.addi %parallel_loop3A_205, %parallel_loop3A_253 : vector<16xi32>
      tpu.vector_store_idx %arg9[%parallel_loop3A_254], %parallel_loop3A_251 : memref<16384xf32, #tpu.memory_space<vmem>>[vector<16xi32>], vector<16xf32>,
      %parallel_loop3A_255 = arith.constant 7000 : i32
      %parallel_loop3A_256 = vector.broadcast %parallel_loop3A_255 : i32 to vector<16xi32>
      %parallel_loop3A_257 = arith.addi %parallel_loop3A_158, %parallel_loop3A_256 : vector<16xi32>
      %parallel_loop3A_258 = tpu.vector_load_idx %arg5[%parallel_loop3A_257] : memref<16000xf32, #tpu.memory_space<vmem>>[vector<16xi32>], vector<16xf32>,
      %parallel_loop3A_259 = arith.constant 896 : i32
      %parallel_loop3A_260 = vector.broadcast %parallel_loop3A_259 : i32 to vector<16xi32>
      %parallel_loop3A_261 = arith.addi %parallel_loop3A_205, %parallel_loop3A_260 : vector<16xi32>
      tpu.vector_store_idx %arg9[%parallel_loop3A_261], %parallel_loop3A_258 : memref<16384xf32, #tpu.memory_space<vmem>>[vector<16xi32>], vector<16xf32>,
      %parallel_loop3A_262 = arith.constant 8000 : i32
      %parallel_loop3A_263 = vector.broadcast %parallel_loop3A_262 : i32 to vector<16xi32>
      %parallel_loop3A_264 = arith.addi %parallel_loop3A_158, %parallel_loop3A_263 : vector<16xi32>
      %parallel_loop3A_265 = tpu.vector_load_idx %arg5[%parallel_loop3A_264] : memref<16000xf32, #tpu.memory_space<vmem>>[vector<16xi32>], vector<16xf32>,
      %parallel_loop3A_266 = arith.constant 8192 : i32
      %parallel_loop3A_267 = vector.broadcast %parallel_loop3A_266 : i32 to vector<16xi32>
      %parallel_loop3A_268 = arith.addi %parallel_loop3A_205, %parallel_loop3A_267 : vector<16xi32>
      tpu.vector_store_idx %arg9[%parallel_loop3A_268], %parallel_loop3A_265 : memref<16384xf32, #tpu.memory_space<vmem>>[vector<16xi32>], vector<16xf32>,
      %parallel_loop3A_269 = arith.constant 9000 : i32
      %parallel_loop3A_270 = vector.broadcast %parallel_loop3A_269 : i32 to vector<16xi32>
      %parallel_loop3A_271 = arith.addi %parallel_loop3A_158, %parallel_loop3A_270 : vector<16xi32>
      %parallel_loop3A_272 = tpu.vector_load_idx %arg5[%parallel_loop3A_271] : memref<16000xf32, #tpu.memory_space<vmem>>[vector<16xi32>], vector<16xf32>,
      %parallel_loop3A_273 = arith.constant 8320 : i32
      %parallel_loop3A_274 = vector.broadcast %parallel_loop3A_273 : i32 to vector<16xi32>
      %parallel_loop3A_275 = arith.addi %parallel_loop3A_205, %parallel_loop3A_274 : vector<16xi32>
      tpu.vector_store_idx %arg9[%parallel_loop3A_275], %parallel_loop3A_272 : memref<16384xf32, #tpu.memory_space<vmem>>[vector<16xi32>], vector<16xf32>,
      %parallel_loop3A_276 = arith.constant 10000 : i32
      %parallel_loop3A_277 = vector.broadcast %parallel_loop3A_276 : i32 to vector<16xi32>
      %parallel_loop3A_278 = arith.addi %parallel_loop3A_158, %parallel_loop3A_277 : vector<16xi32>
      %parallel_loop3A_279 = tpu.vector_load_idx %arg5[%parallel_loop3A_278] : memref<16000xf32, #tpu.memory_space<vmem>>[vector<16xi32>], vector<16xf32>,
      %parallel_loop3A_280 = arith.constant 8448 : i32
      %parallel_loop3A_281 = vector.broadcast %parallel_loop3A_280 : i32 to vector<16xi32>
      %parallel_loop3A_282 = arith.addi %parallel_loop3A_205, %parallel_loop3A_281 : vector<16xi32>
      tpu.vector_store_idx %arg9[%parallel_loop3A_282], %parallel_loop3A_279 : memref<16384xf32, #tpu.memory_space<vmem>>[vector<16xi32>], vector<16xf32>,
      %parallel_loop3A_283 = arith.constant 11000 : i32
      %parallel_loop3A_284 = vector.broadcast %parallel_loop3A_283 : i32 to vector<16xi32>
      %parallel_loop3A_285 = arith.addi %parallel_loop3A_158, %parallel_loop3A_284 : vector<16xi32>
      %parallel_loop3A_286 = tpu.vector_load_idx %arg5[%parallel_loop3A_285] : memref<16000xf32, #tpu.memory_space<vmem>>[vector<16xi32>], vector<16xf32>,
      %parallel_loop3A_287 = arith.constant 8576 : i32
      %parallel_loop3A_288 = vector.broadcast %parallel_loop3A_287 : i32 to vector<16xi32>
      %parallel_loop3A_289 = arith.addi %parallel_loop3A_205, %parallel_loop3A_288 : vector<16xi32>
      tpu.vector_store_idx %arg9[%parallel_loop3A_289], %parallel_loop3A_286 : memref<16384xf32, #tpu.memory_space<vmem>>[vector<16xi32>], vector<16xf32>,
      %parallel_loop3A_290 = arith.constant 12000 : i32
      %parallel_loop3A_291 = vector.broadcast %parallel_loop3A_290 : i32 to vector<16xi32>
      %parallel_loop3A_292 = arith.addi %parallel_loop3A_158, %parallel_loop3A_291 : vector<16xi32>
      %parallel_loop3A_293 = tpu.vector_load_idx %arg5[%parallel_loop3A_292] : memref<16000xf32, #tpu.memory_space<vmem>>[vector<16xi32>], vector<16xf32>,
      %parallel_loop3A_294 = arith.constant 8704 : i32
      %parallel_loop3A_295 = vector.broadcast %parallel_loop3A_294 : i32 to vector<16xi32>
      %parallel_loop3A_296 = arith.addi %parallel_loop3A_205, %parallel_loop3A_295 : vector<16xi32>
      tpu.vector_store_idx %arg9[%parallel_loop3A_296], %parallel_loop3A_293 : memref<16384xf32, #tpu.memory_space<vmem>>[vector<16xi32>], vector<16xf32>,
      %parallel_loop3A_297 = arith.constant 13000 : i32
      %parallel_loop3A_298 = vector.broadcast %parallel_loop3A_297 : i32 to vector<16xi32>
      %parallel_loop3A_299 = arith.addi %parallel_loop3A_158, %parallel_loop3A_298 : vector<16xi32>
      %parallel_loop3A_300 = tpu.vector_load_idx %arg5[%parallel_loop3A_299] : memref<16000xf32, #tpu.memory_space<vmem>>[vector<16xi32>], vector<16xf32>,
      %parallel_loop3A_301 = arith.constant 8832 : i32
      %parallel_loop3A_302 = vector.broadcast %parallel_loop3A_301 : i32 to vector<16xi32>
      %parallel_loop3A_303 = arith.addi %parallel_loop3A_205, %parallel_loop3A_302 : vector<16xi32>
      tpu.vector_store_idx %arg9[%parallel_loop3A_303], %parallel_loop3A_300 : memref<16384xf32, #tpu.memory_space<vmem>>[vector<16xi32>], vector<16xf32>,
      %parallel_loop3A_304 = arith.constant 14000 : i32
      %parallel_loop3A_305 = vector.broadcast %parallel_loop3A_304 : i32 to vector<16xi32>
      %parallel_loop3A_306 = arith.addi %parallel_loop3A_158, %parallel_loop3A_305 : vector<16xi32>
      %parallel_loop3A_307 = tpu.vector_load_idx %arg5[%parallel_loop3A_306] : memref<16000xf32, #tpu.memory_space<vmem>>[vector<16xi32>], vector<16xf32>,
      %parallel_loop3A_308 = arith.constant 8960 : i32
      %parallel_loop3A_309 = vector.broadcast %parallel_loop3A_308 : i32 to vector<16xi32>
      %parallel_loop3A_310 = arith.addi %parallel_loop3A_205, %parallel_loop3A_309 : vector<16xi32>
      tpu.vector_store_idx %arg9[%parallel_loop3A_310], %parallel_loop3A_307 : memref<16384xf32, #tpu.memory_space<vmem>>[vector<16xi32>], vector<16xf32>,
      %parallel_loop3A_311 = arith.constant 15000 : i32
      %parallel_loop3A_312 = vector.broadcast %parallel_loop3A_311 : i32 to vector<16xi32>
      %parallel_loop3A_313 = arith.addi %parallel_loop3A_158, %parallel_loop3A_312 : vector<16xi32>
      %parallel_loop3A_314 = tpu.vector_load_idx %arg5[%parallel_loop3A_313] : memref<16000xf32, #tpu.memory_space<vmem>>[vector<16xi32>], vector<16xf32>,
      %parallel_loop3A_315 = arith.constant 9088 : i32
      %parallel_loop3A_316 = vector.broadcast %parallel_loop3A_315 : i32 to vector<16xi32>
      %parallel_loop3A_317 = arith.addi %parallel_loop3A_205, %parallel_loop3A_316 : vector<16xi32>
      tpu.vector_store_idx %arg9[%parallel_loop3A_317], %parallel_loop3A_314 : memref<16384xf32, #tpu.memory_space<vmem>>[vector<16xi32>], vector<16xf32>,
    } {sc.loop_unroll_factor = 4 : i64, sc.parallel_access}
    %add3A_77 = arith.constant 8 : i32
    %add3A_78 = arith.addi %add3A_4, %add3A_77 : i32
    %min3A_79 = arith.minsi %add3A_78, %sub3A_10 : i32
    %mul3A_80 = arith.constant 1024 : i32
    %mul3A_81 = arith.muli %min3A_79, %mul3A_80 : i32
    %dma_start3A_82 = arith.constant 0 : i32
    %dma_start3A_83 = tpu.memref_slice %arg9[%dma_start3A_82] : memref<16384xf32, #tpu.memory_space<vmem>> -> memref<8192xf32, #tpu.memory_space<vmem>>
    %dma_start3A_84 = tpu.memref_slice %arg4[%mul3A_81] : memref<51200000xf32, #tpu.memory_space<hbm>> -> memref<8192xf32, #tpu.memory_space<hbm>>
    %dma_start3A_85 = tpu.memref_slice %arg4[%mul3A_81] : memref<51200000xf32, #tpu.memory_space<hbm>> -> memref<8192xf32, #tpu.memory_space<hbm>>
    %dma_start3A_86 = arith.constant 0 : i32
    %dma_start3A_87 = tpu.memref_slice %arg9[%dma_start3A_86] : memref<16384xf32, #tpu.memory_space<vmem>> -> memref<8192xf32, #tpu.memory_space<vmem>>
    tpu.enqueue_dma source(%dma_start3A_87 : memref<8192xf32, #tpu.memory_space<vmem>>) target(%dma_start3A_85 : memref<8192xf32, #tpu.memory_space<hbm>>) target_semaphore(%arg13 : memref<!tpu.dma_semaphore, #tpu.memory_space<semaphore_mem>>)
    %add3A_88 = arith.constant 25000 : i32
    %add3A_89 = arith.addi %add3A_88, %min3A_79 : i32
    %mul3A_90 = arith.constant 1024 : i32
    %mul3A_91 = arith.muli %add3A_89, %mul3A_90 : i32
    %dma_start3A_92 = arith.constant 8192 : i32
    %dma_start3A_93 = tpu.memref_slice %arg9[%dma_start3A_92] : memref<16384xf32, #tpu.memory_space<vmem>> -> memref<8192xf32, #tpu.memory_space<vmem>>
    %dma_start3A_94 = tpu.memref_slice %arg4[%mul3A_91] : memref<51200000xf32, #tpu.memory_space<hbm>> -> memref<8192xf32, #tpu.memory_space<hbm>>
    %dma_start3A_95 = tpu.memref_slice %arg4[%mul3A_91] : memref<51200000xf32, #tpu.memory_space<hbm>> -> memref<8192xf32, #tpu.memory_space<hbm>>
    %dma_start3A_96 = arith.constant 8192 : i32
    %dma_start3A_97 = tpu.memref_slice %arg9[%dma_start3A_96] : memref<16384xf32, #tpu.memory_space<vmem>> -> memref<8192xf32, #tpu.memory_space<vmem>>
    tpu.enqueue_dma source(%dma_start3A_97 : memref<8192xf32, #tpu.memory_space<vmem>>) target(%dma_start3A_95 : memref<8192xf32, #tpu.memory_space<hbm>>) target_semaphore(%arg13 : memref<!tpu.dma_semaphore, #tpu.memory_space<semaphore_mem>>)
    %min3A_98 = arith.constant 3 : i32
    %min3A_99 = arith.constant 97 : i32
    %min3A_100 = arith.minsi %min3A_98, %min3A_99 : i32
    %mul3A_101 = arith.constant 8 : i32
    %mul3A_102 = arith.muli %min3A_100, %mul3A_101 : i32
    %add3A_103 = arith.addi %add3A_4, %mul3A_102 : i32
    %min3A_104 = arith.minsi %add3A_103, %sub3A_10 : i32
    %mul3A_105 = arith.constant 128 : i32
    %mul3A_106 = arith.muli %min3A_104, %mul3A_105 : i32
    %dma_start3A_107 = tpu.memref_slice %arg2[%mul3A_106] : memref<3200000xi32, #tpu.memory_space<hbm>> -> memref<1024xi32, #tpu.memory_space<hbm>>
    %dma_start3A_108 = tpu.memref_slice %arg2[%mul3A_106] : memref<3200000xi32, #tpu.memory_space<hbm>> -> memref<1024xi32, #tpu.memory_space<hbm>>
    tpu.enqueue_dma source(%dma_start3A_108 : memref<1024xi32, #tpu.memory_space<hbm>>) target(%arg7 : memref<1024xi32, #tpu.memory_space<vmem>>) target_semaphore(%arg11 : memref<!tpu.dma_semaphore, #tpu.memory_space<semaphore_mem>>)
    %scan3A = arith.constant 0 : i32
    %scan3A_109 = arith.constant 1 : i32
    %scan3A_110 = arith.constant 48 : i32
    %scan3A_111 = arith.addi %scan3A_109, %scan3A_110 : i32
    %scan3A_112 = arith.constant 1 : i32
    scf.for %scan3A_154 = %scan3A_109 to %scan3A_111 step %scan3A_112  : i32 {
      %mul3A_155 = arith.constant 2 : i32
      %mul3A_156 = arith.muli %mul3A_155, %scan3A_154 : i32
      %add3A_157 = arith.constant 0 : i32
      %add3A_158 = arith.addi %mul3A_156, %add3A_157 : i32
      %dma_wait3A_159 = arith.constant 0 : i32
      %dma_wait3A_160 = tpu.memref_slice %arg2[%dma_wait3A_159] : memref<3200000xi32, #tpu.memory_space<hbm>> -> memref<1024xi32, #tpu.memory_space<hbm>>
      %dma_wait3A_161 = arith.constant 0 : i32
      %dma_wait3A_162 = tpu.memref_slice %arg2[%dma_wait3A_161] : memref<3200000xi32, #tpu.memory_space<hbm>> -> memref<1024xi32, #tpu.memory_space<hbm>>
      tpu.wait_dma2 semaphore(%arg10 : memref<!tpu.dma_semaphore, #tpu.memory_space<semaphore_mem>>) src(%dma_wait3A_162 : memref<1024xi32, #tpu.memory_space<hbm>>) dst(%arg6 : memref<1024xi32, #tpu.memory_space<vmem>>)
      %dma_wait3A_163 = arith.constant 0 : i32
      %dma_wait3A_164 = tpu.memref_slice %arg8[%dma_wait3A_163] : memref<16384xf32, #tpu.memory_space<vmem>> -> memref<8192xf32, #tpu.memory_space<vmem>>
      %dma_wait3A_165 = arith.constant 0 : i32
      %dma_wait3A_166 = tpu.memref_slice %arg4[%dma_wait3A_165] : memref<51200000xf32, #tpu.memory_space<hbm>> -> memref<8192xf32, #tpu.memory_space<hbm>>
      %dma_wait3A_167 = arith.constant 0 : i32
      %dma_wait3A_168 = tpu.memref_slice %arg4[%dma_wait3A_167] : memref<51200000xf32, #tpu.memory_space<hbm>> -> memref<8192xf32, #tpu.memory_space<hbm>>
      %dma_wait3A_169 = arith.constant 0 : i32
      %dma_wait3A_170 = tpu.memref_slice %arg8[%dma_wait3A_169] : memref<16384xf32, #tpu.memory_space<vmem>> -> memref<8192xf32, #tpu.memory_space<vmem>>
      tpu.wait_dma2 semaphore(%arg12 : memref<!tpu.dma_semaphore, #tpu.memory_space<semaphore_mem>>) src(%dma_wait3A_170 : memref<8192xf32, #tpu.memory_space<vmem>>) dst(%dma_wait3A_168 : memref<8192xf32, #tpu.memory_space<hbm>>)
      %dma_wait3A_171 = arith.constant 8192 : i32
      %dma_wait3A_172 = tpu.memref_slice %arg8[%dma_wait3A_171] : memref<16384xf32, #tpu.memory_space<vmem>> -> memref<8192xf32, #tpu.memory_space<vmem>>
      %dma_wait3A_173 = arith.constant 0 : i32
      %dma_wait3A_174 = tpu.memref_slice %arg4[%dma_wait3A_173] : memref<51200000xf32, #tpu.memory_space<hbm>> -> memref<8192xf32, #tpu.memory_space<hbm>>
      %dma_wait3A_175 = arith.constant 0 : i32
      %dma_wait3A_176 = tpu.memref_slice %arg4[%dma_wait3A_175] : memref<51200000xf32, #tpu.memory_space<hbm>> -> memref<8192xf32, #tpu.memory_space<hbm>>
      %dma_wait3A_177 = arith.constant 8192 : i32
      %dma_wait3A_178 = tpu.memref_slice %arg8[%dma_wait3A_177] : memref<16384xf32, #tpu.memory_space<vmem>> -> memref<8192xf32, #tpu.memory_space<vmem>>
      tpu.wait_dma2 semaphore(%arg12 : memref<!tpu.dma_semaphore, #tpu.memory_space<semaphore_mem>>) src(%dma_wait3A_178 : memref<8192xf32, #tpu.memory_space<vmem>>) dst(%dma_wait3A_176 : memref<8192xf32, #tpu.memory_space<hbm>>)
      %iota3A_179 = tpu.iota {dimensions = array<i32: 0>} : vector<16xi32>
      %parallel_loop3A_180 = arith.constant 0 : i32
      %parallel_loop3A_181 = arith.constant 64 : i32
      %parallel_loop3A_182 = arith.constant 1 : i32
      scf.for %parallel_loop3A_279 = %parallel_loop3A_180 to %parallel_loop3A_181 step %parallel_loop3A_182  : i32 {
        %parallel_loop3A_280 = arith.constant 16 : i32
        %parallel_loop3A_281 = arith.muli %parallel_loop3A_279, %parallel_loop3A_280 : i32
        %parallel_loop3A_282 = arith.index_cast %parallel_loop3A_281 : i32 to index
        %parallel_loop3A_283 = tpu.vector_load %arg6[%parallel_loop3A_282] {strides = array<i32>} : memref<1024xi32, #tpu.memory_space<vmem>>, vector<16xi32>,
        %parallel_loop3A_284 = arith.constant 8 : i32
        %parallel_loop3A_285 = arith.divsi %parallel_loop3A_279, %parallel_loop3A_284 : i32
        %parallel_loop3A_286 = arith.constant 0 : i32
        %parallel_loop3A_287 = arith.cmpi sgt, %parallel_loop3A_279, %parallel_loop3A_286 : i32
        %parallel_loop3A_288 = arith.extui %parallel_loop3A_287 : i1 to i32
        %parallel_loop3A_289 = arith.constant 0 : i32
        %parallel_loop3A_290 = arith.cmpi slt, %parallel_loop3A_279, %parallel_loop3A_289 : i32
        %parallel_loop3A_291 = arith.extui %parallel_loop3A_290 : i1 to i32
        %parallel_loop3A_292 = arith.subi %parallel_loop3A_288, %parallel_loop3A_291 : i32
        %parallel_loop3A_293 = arith.constant 0 : i32
        %parallel_loop3A_294 = arith.cmpi sgt, %parallel_loop3A_284, %parallel_loop3A_293 : i32
        %parallel_loop3A_295 = arith.extui %parallel_loop3A_294 : i1 to i32
        %parallel_loop3A_296 = arith.constant 0 : i32
        %parallel_loop3A_297 = arith.cmpi slt, %parallel_loop3A_284, %parallel_loop3A_296 : i32
        %parallel_loop3A_298 = arith.extui %parallel_loop3A_297 : i1 to i32
        %parallel_loop3A_299 = arith.subi %parallel_loop3A_295, %parallel_loop3A_298 : i32
        %parallel_loop3A_300 = arith.cmpi ne, %parallel_loop3A_292, %parallel_loop3A_299 : i32
        %parallel_loop3A_301 = arith.remsi %parallel_loop3A_279, %parallel_loop3A_284 : i32
        %parallel_loop3A_302 = arith.constant 0 : i32
        %parallel_loop3A_303 = arith.cmpi ne, %parallel_loop3A_301, %parallel_loop3A_302 : i32
        %parallel_loop3A_304 = arith.andi %parallel_loop3A_300, %parallel_loop3A_303 : i1
        %parallel_loop3A_305 = arith.constant 1 : i32
        %parallel_loop3A_306 = arith.subi %parallel_loop3A_285, %parallel_loop3A_305 : i32
        %parallel_loop3A_307 = arith.select %parallel_loop3A_304, %parallel_loop3A_306, %parallel_loop3A_285 : i32
        %parallel_loop3A_308 = arith.constant 1024 : i32
        %parallel_loop3A_309 = arith.muli %parallel_loop3A_307, %parallel_loop3A_308 : i32
        %parallel_loop3A_310 = arith.constant 8 : i32
        %parallel_loop3A_311 = arith.constant 0 : i32
        %parallel_loop3A_312 = arith.cmpi eq, %parallel_loop3A_310, %parallel_loop3A_311 : i32
        %parallel_loop3A_313 = arith.constant 1 : i32
        %parallel_loop3A_314 = arith.select %parallel_loop3A_312, %parallel_loop3A_313, %parallel_loop3A_310 : i32
        %parallel_loop3A_315 = arith.remsi %parallel_loop3A_279, %parallel_loop3A_314 : i32
        %parallel_loop3A_316 = arith.constant 0 : i32
        %parallel_loop3A_317 = arith.cmpi ne, %parallel_loop3A_315, %parallel_loop3A_316 : i32
        %parallel_loop3A_318 = arith.constant 0 : i32
        %parallel_loop3A_319 = arith.cmpi slt, %parallel_loop3A_315, %parallel_loop3A_318 : i32
        %parallel_loop3A_320 = arith.constant 0 : i32
        %parallel_loop3A_321 = arith.cmpi slt, %parallel_loop3A_314, %parallel_loop3A_320 : i32
        %parallel_loop3A_322 = arith.xori %parallel_loop3A_319, %parallel_loop3A_321 : i1
        %parallel_loop3A_323 = arith.andi %parallel_loop3A_322, %parallel_loop3A_317 : i1
        %parallel_loop3A_324 = arith.addi %parallel_loop3A_315, %parallel_loop3A_314 : i32
        %parallel_loop3A_325 = arith.select %parallel_loop3A_323, %parallel_loop3A_324, %parallel_loop3A_315 : i32
        %parallel_loop3A_326 = arith.constant 16 : i32
        %parallel_loop3A_327 = arith.muli %parallel_loop3A_325, %parallel_loop3A_326 : i32
        %parallel_loop3A_328 = arith.addi %parallel_loop3A_309, %parallel_loop3A_327 : i32
        %parallel_loop3A_329 = vector.broadcast %parallel_loop3A_328 : i32 to vector<16xi32>
        %parallel_loop3A_330 = arith.addi %parallel_loop3A_329, %iota3A_179 : vector<16xi32>
        %parallel_loop3A_331 = arith.constant 0 : i32
        %parallel_loop3A_332 = vector.broadcast %parallel_loop3A_331 : i32 to vector<16xi32>
        %parallel_loop3A_333 = arith.addi %parallel_loop3A_283, %parallel_loop3A_332 : vector<16xi32>
        %parallel_loop3A_334 = tpu.vector_load_idx %arg5[%parallel_loop3A_333] : memref<16000xf32, #tpu.memory_space<vmem>>[vector<16xi32>], vector<16xf32>,
        %parallel_loop3A_335 = arith.constant 0 : i32
        %parallel_loop3A_336 = vector.broadcast %parallel_loop3A_335 : i32 to vector<16xi32>
        %parallel_loop3A_337 = arith.addi %parallel_loop3A_330, %parallel_loop3A_336 : vector<16xi32>
        tpu.vector_store_idx %arg8[%parallel_loop3A_337], %parallel_loop3A_334 : memref<16384xf32, #tpu.memory_space<vmem>>[vector<16xi32>], vector<16xf32>,
        %parallel_loop3A_338 = arith.constant 1000 : i32
        %parallel_loop3A_339 = vector.broadcast %parallel_loop3A_338 : i32 to vector<16xi32>
        %parallel_loop3A_340 = arith.addi %parallel_loop3A_283, %parallel_loop3A_339 : vector<16xi32>
        %parallel_loop3A_341 = tpu.vector_load_idx %arg5[%parallel_loop3A_340] : memref<16000xf32, #tpu.memory_space<vmem>>[vector<16xi32>], vector<16xf32>,
        %parallel_loop3A_342 = arith.constant 128 : i32
        %parallel_loop3A_343 = vector.broadcast %parallel_loop3A_342 : i32 to vector<16xi32>
        %parallel_loop3A_344 = arith.addi %parallel_loop3A_330, %parallel_loop3A_343 : vector<16xi32>
        tpu.vector_store_idx %arg8[%parallel_loop3A_344], %parallel_loop3A_341 : memref<16384xf32, #tpu.memory_space<vmem>>[vector<16xi32>], vector<16xf32>,
        %parallel_loop3A_345 = arith.constant 2000 : i32
        %parallel_loop3A_346 = vector.broadcast %parallel_loop3A_345 : i32 to vector<16xi32>
        %parallel_loop3A_347 = arith.addi %parallel_loop3A_283, %parallel_loop3A_346 : vector<16xi32>
        %parallel_loop3A_348 = tpu.vector_load_idx %arg5[%parallel_loop3A_347] : memref<16000xf32, #tpu.memory_space<vmem>>[vector<16xi32>], vector<16xf32>,
        %parallel_loop3A_349 = arith.constant 256 : i32
        %parallel_loop3A_350 = vector.broadcast %parallel_loop3A_349 : i32 to vector<16xi32>
        %parallel_loop3A_351 = arith.addi %parallel_loop3A_330, %parallel_loop3A_350 : vector<16xi32>
        tpu.vector_store_idx %arg8[%parallel_loop3A_351], %parallel_loop3A_348 : memref<16384xf32, #tpu.memory_space<vmem>>[vector<16xi32>], vector<16xf32>,
        %parallel_loop3A_352 = arith.constant 3000 : i32
        %parallel_loop3A_353 = vector.broadcast %parallel_loop3A_352 : i32 to vector<16xi32>
        %parallel_loop3A_354 = arith.addi %parallel_loop3A_283, %parallel_loop3A_353 : vector<16xi32>
        %parallel_loop3A_355 = tpu.vector_load_idx %arg5[%parallel_loop3A_354] : memref<16000xf32, #tpu.memory_space<vmem>>[vector<16xi32>], vector<16xf32>,
        %parallel_loop3A_356 = arith.constant 384 : i32
        %parallel_loop3A_357 = vector.broadcast %parallel_loop3A_356 : i32 to vector<16xi32>
        %parallel_loop3A_358 = arith.addi %parallel_loop3A_330, %parallel_loop3A_357 : vector<16xi32>
        tpu.vector_store_idx %arg8[%parallel_loop3A_358], %parallel_loop3A_355 : memref<16384xf32, #tpu.memory_space<vmem>>[vector<16xi32>], vector<16xf32>,
        %parallel_loop3A_359 = arith.constant 4000 : i32
        %parallel_loop3A_360 = vector.broadcast %parallel_loop3A_359 : i32 to vector<16xi32>
        %parallel_loop3A_361 = arith.addi %parallel_loop3A_283, %parallel_loop3A_360 : vector<16xi32>
        %parallel_loop3A_362 = tpu.vector_load_idx %arg5[%parallel_loop3A_361] : memref<16000xf32, #tpu.memory_space<vmem>>[vector<16xi32>], vector<16xf32>,
        %parallel_loop3A_363 = arith.constant 512 : i32
        %parallel_loop3A_364 = vector.broadcast %parallel_loop3A_363 : i32 to vector<16xi32>
        %parallel_loop3A_365 = arith.addi %parallel_loop3A_330, %parallel_loop3A_364 : vector<16xi32>
        tpu.vector_store_idx %arg8[%parallel_loop3A_365], %parallel_loop3A_362 : memref<16384xf32, #tpu.memory_space<vmem>>[vector<16xi32>], vector<16xf32>,
        %parallel_loop3A_366 = arith.constant 5000 : i32
        %parallel_loop3A_367 = vector.broadcast %parallel_loop3A_366 : i32 to vector<16xi32>
        %parallel_loop3A_368 = arith.addi %parallel_loop3A_283, %parallel_loop3A_367 : vector<16xi32>
        %parallel_loop3A_369 = tpu.vector_load_idx %arg5[%parallel_loop3A_368] : memref<16000xf32, #tpu.memory_space<vmem>>[vector<16xi32>], vector<16xf32>,
        %parallel_loop3A_370 = arith.constant 640 : i32
        %parallel_loop3A_371 = vector.broadcast %parallel_loop3A_370 : i32 to vector<16xi32>
        %parallel_loop3A_372 = arith.addi %parallel_loop3A_330, %parallel_loop3A_371 : vector<16xi32>
        tpu.vector_store_idx %arg8[%parallel_loop3A_372], %parallel_loop3A_369 : memref<16384xf32, #tpu.memory_space<vmem>>[vector<16xi32>], vector<16xf32>,
        %parallel_loop3A_373 = arith.constant 6000 : i32
        %parallel_loop3A_374 = vector.broadcast %parallel_loop3A_373 : i32 to vector<16xi32>
        %parallel_loop3A_375 = arith.addi %parallel_loop3A_283, %parallel_loop3A_374 : vector<16xi32>
        %parallel_loop3A_376 = tpu.vector_load_idx %arg5[%parallel_loop3A_375] : memref<16000xf32, #tpu.memory_space<vmem>>[vector<16xi32>], vector<16xf32>,
        %parallel_loop3A_377 = arith.constant 768 : i32
        %parallel_loop3A_378 = vector.broadcast %parallel_loop3A_377 : i32 to vector<16xi32>
        %parallel_loop3A_379 = arith.addi %parallel_loop3A_330, %parallel_loop3A_378 : vector<16xi32>
        tpu.vector_store_idx %arg8[%parallel_loop3A_379], %parallel_loop3A_376 : memref<16384xf32, #tpu.memory_space<vmem>>[vector<16xi32>], vector<16xf32>,
        %parallel_loop3A_380 = arith.constant 7000 : i32
        %parallel_loop3A_381 = vector.broadcast %parallel_loop3A_380 : i32 to vector<16xi32>
        %parallel_loop3A_382 = arith.addi %parallel_loop3A_283, %parallel_loop3A_381 : vector<16xi32>
        %parallel_loop3A_383 = tpu.vector_load_idx %arg5[%parallel_loop3A_382] : memref<16000xf32, #tpu.memory_space<vmem>>[vector<16xi32>], vector<16xf32>,
        %parallel_loop3A_384 = arith.constant 896 : i32
        %parallel_loop3A_385 = vector.broadcast %parallel_loop3A_384 : i32 to vector<16xi32>
        %parallel_loop3A_386 = arith.addi %parallel_loop3A_330, %parallel_loop3A_385 : vector<16xi32>
        tpu.vector_store_idx %arg8[%parallel_loop3A_386], %parallel_loop3A_383 : memref<16384xf32, #tpu.memory_space<vmem>>[vector<16xi32>], vector<16xf32>,
        %parallel_loop3A_387 = arith.constant 8000 : i32
        %parallel_loop3A_388 = vector.broadcast %parallel_loop3A_387 : i32 to vector<16xi32>
        %parallel_loop3A_389 = arith.addi %parallel_loop3A_283, %parallel_loop3A_388 : vector<16xi32>
        %parallel_loop3A_390 = tpu.vector_load_idx %arg5[%parallel_loop3A_389] : memref<16000xf32, #tpu.memory_space<vmem>>[vector<16xi32>], vector<16xf32>,
        %parallel_loop3A_391 = arith.constant 8192 : i32
        %parallel_loop3A_392 = vector.broadcast %parallel_loop3A_391 : i32 to vector<16xi32>
        %parallel_loop3A_393 = arith.addi %parallel_loop3A_330, %parallel_loop3A_392 : vector<16xi32>
        tpu.vector_store_idx %arg8[%parallel_loop3A_393], %parallel_loop3A_390 : memref<16384xf32, #tpu.memory_space<vmem>>[vector<16xi32>], vector<16xf32>,
        %parallel_loop3A_394 = arith.constant 9000 : i32
        %parallel_loop3A_395 = vector.broadcast %parallel_loop3A_394 : i32 to vector<16xi32>
        %parallel_loop3A_396 = arith.addi %parallel_loop3A_283, %parallel_loop3A_395 : vector<16xi32>
        %parallel_loop3A_397 = tpu.vector_load_idx %arg5[%parallel_loop3A_396] : memref<16000xf32, #tpu.memory_space<vmem>>[vector<16xi32>], vector<16xf32>,
        %parallel_loop3A_398 = arith.constant 8320 : i32
        %parallel_loop3A_399 = vector.broadcast %parallel_loop3A_398 : i32 to vector<16xi32>
        %parallel_loop3A_400 = arith.addi %parallel_loop3A_330, %parallel_loop3A_399 : vector<16xi32>
        tpu.vector_store_idx %arg8[%parallel_loop3A_400], %parallel_loop3A_397 : memref<16384xf32, #tpu.memory_space<vmem>>[vector<16xi32>], vector<16xf32>,
        %parallel_loop3A_401 = arith.constant 10000 : i32
        %parallel_loop3A_402 = vector.broadcast %parallel_loop3A_401 : i32 to vector<16xi32>
        %parallel_loop3A_403 = arith.addi %parallel_loop3A_283, %parallel_loop3A_402 : vector<16xi32>
        %parallel_loop3A_404 = tpu.vector_load_idx %arg5[%parallel_loop3A_403] : memref<16000xf32, #tpu.memory_space<vmem>>[vector<16xi32>], vector<16xf32>,
        %parallel_loop3A_405 = arith.constant 8448 : i32
        %parallel_loop3A_406 = vector.broadcast %parallel_loop3A_405 : i32 to vector<16xi32>
        %parallel_loop3A_407 = arith.addi %parallel_loop3A_330, %parallel_loop3A_406 : vector<16xi32>
        tpu.vector_store_idx %arg8[%parallel_loop3A_407], %parallel_loop3A_404 : memref<16384xf32, #tpu.memory_space<vmem>>[vector<16xi32>], vector<16xf32>,
        %parallel_loop3A_408 = arith.constant 11000 : i32
        %parallel_loop3A_409 = vector.broadcast %parallel_loop3A_408 : i32 to vector<16xi32>
        %parallel_loop3A_410 = arith.addi %parallel_loop3A_283, %parallel_loop3A_409 : vector<16xi32>
        %parallel_loop3A_411 = tpu.vector_load_idx %arg5[%parallel_loop3A_410] : memref<16000xf32, #tpu.memory_space<vmem>>[vector<16xi32>], vector<16xf32>,
        %parallel_loop3A_412 = arith.constant 8576 : i32
        %parallel_loop3A_413 = vector.broadcast %parallel_loop3A_412 : i32 to vector<16xi32>
        %parallel_loop3A_414 = arith.addi %parallel_loop3A_330, %parallel_loop3A_413 : vector<16xi32>
        tpu.vector_store_idx %arg8[%parallel_loop3A_414], %parallel_loop3A_411 : memref<16384xf32, #tpu.memory_space<vmem>>[vector<16xi32>], vector<16xf32>,
        %parallel_loop3A_415 = arith.constant 12000 : i32
        %parallel_loop3A_416 = vector.broadcast %parallel_loop3A_415 : i32 to vector<16xi32>
        %parallel_loop3A_417 = arith.addi %parallel_loop3A_283, %parallel_loop3A_416 : vector<16xi32>
        %parallel_loop3A_418 = tpu.vector_load_idx %arg5[%parallel_loop3A_417] : memref<16000xf32, #tpu.memory_space<vmem>>[vector<16xi32>], vector<16xf32>,
        %parallel_loop3A_419 = arith.constant 8704 : i32
        %parallel_loop3A_420 = vector.broadcast %parallel_loop3A_419 : i32 to vector<16xi32>
        %parallel_loop3A_421 = arith.addi %parallel_loop3A_330, %parallel_loop3A_420 : vector<16xi32>
        tpu.vector_store_idx %arg8[%parallel_loop3A_421], %parallel_loop3A_418 : memref<16384xf32, #tpu.memory_space<vmem>>[vector<16xi32>], vector<16xf32>,
        %parallel_loop3A_422 = arith.constant 13000 : i32
        %parallel_loop3A_423 = vector.broadcast %parallel_loop3A_422 : i32 to vector<16xi32>
        %parallel_loop3A_424 = arith.addi %parallel_loop3A_283, %parallel_loop3A_423 : vector<16xi32>
        %parallel_loop3A_425 = tpu.vector_load_idx %arg5[%parallel_loop3A_424] : memref<16000xf32, #tpu.memory_space<vmem>>[vector<16xi32>], vector<16xf32>,
        %parallel_loop3A_426 = arith.constant 8832 : i32
        %parallel_loop3A_427 = vector.broadcast %parallel_loop3A_426 : i32 to vector<16xi32>
        %parallel_loop3A_428 = arith.addi %parallel_loop3A_330, %parallel_loop3A_427 : vector<16xi32>
        tpu.vector_store_idx %arg8[%parallel_loop3A_428], %parallel_loop3A_425 : memref<16384xf32, #tpu.memory_space<vmem>>[vector<16xi32>], vector<16xf32>,
        %parallel_loop3A_429 = arith.constant 14000 : i32
        %parallel_loop3A_430 = vector.broadcast %parallel_loop3A_429 : i32 to vector<16xi32>
        %parallel_loop3A_431 = arith.addi %parallel_loop3A_283, %parallel_loop3A_430 : vector<16xi32>
        %parallel_loop3A_432 = tpu.vector_load_idx %arg5[%parallel_loop3A_431] : memref<16000xf32, #tpu.memory_space<vmem>>[vector<16xi32>], vector<16xf32>,
        %parallel_loop3A_433 = arith.constant 8960 : i32
        %parallel_loop3A_434 = vector.broadcast %parallel_loop3A_433 : i32 to vector<16xi32>
        %parallel_loop3A_435 = arith.addi %parallel_loop3A_330, %parallel_loop3A_434 : vector<16xi32>
        tpu.vector_store_idx %arg8[%parallel_loop3A_435], %parallel_loop3A_432 : memref<16384xf32, #tpu.memory_space<vmem>>[vector<16xi32>], vector<16xf32>,
        %parallel_loop3A_436 = arith.constant 15000 : i32
        %parallel_loop3A_437 = vector.broadcast %parallel_loop3A_436 : i32 to vector<16xi32>
        %parallel_loop3A_438 = arith.addi %parallel_loop3A_283, %parallel_loop3A_437 : vector<16xi32>
        %parallel_loop3A_439 = tpu.vector_load_idx %arg5[%parallel_loop3A_438] : memref<16000xf32, #tpu.memory_space<vmem>>[vector<16xi32>], vector<16xf32>,
        %parallel_loop3A_440 = arith.constant 9088 : i32
        %parallel_loop3A_441 = vector.broadcast %parallel_loop3A_440 : i32 to vector<16xi32>
        %parallel_loop3A_442 = arith.addi %parallel_loop3A_330, %parallel_loop3A_441 : vector<16xi32>
        tpu.vector_store_idx %arg8[%parallel_loop3A_442], %parallel_loop3A_439 : memref<16384xf32, #tpu.memory_space<vmem>>[vector<16xi32>], vector<16xf32>,
      } {sc.loop_unroll_factor = 4 : i64, sc.parallel_access}
      %mul3A_183 = arith.constant 8 : i32
      %mul3A_184 = arith.muli %add3A_158, %mul3A_183 : i32
      %add3A_185 = arith.addi %add3A_4, %mul3A_184 : i32
      %min3A_186 = arith.minsi %add3A_185, %sub3A_10 : i32
      %mul3A_187 = arith.constant 1024 : i32
      %mul3A_188 = arith.muli %min3A_186, %mul3A_187 : i32
      %dma_start3A_189 = arith.constant 0 : i32
      %dma_start3A_190 = tpu.memref_slice %arg8[%dma_start3A_189] : memref<16384xf32, #tpu.memory_space<vmem>> -> memref<8192xf32, #tpu.memory_space<vmem>>
      %dma_start3A_191 = tpu.memref_slice %arg4[%mul3A_188] : memref<51200000xf32, #tpu.memory_space<hbm>> -> memref<8192xf32, #tpu.memory_space<hbm>>
      %dma_start3A_192 = tpu.memref_slice %arg4[%mul3A_188] : memref<51200000xf32, #tpu.memory_space<hbm>> -> memref<8192xf32, #tpu.memory_space<hbm>>
      %dma_start3A_193 = arith.constant 0 : i32
      %dma_start3A_194 = tpu.memref_slice %arg8[%dma_start3A_193] : memref<16384xf32, #tpu.memory_space<vmem>> -> memref<8192xf32, #tpu.memory_space<vmem>>
      tpu.enqueue_dma source(%dma_start3A_194 : memref<8192xf32, #tpu.memory_space<vmem>>) target(%dma_start3A_192 : memref<8192xf32, #tpu.memory_space<hbm>>) target_semaphore(%arg12 : memref<!tpu.dma_semaphore, #tpu.memory_space<semaphore_mem>>)
      %add3A_195 = arith.constant 25000 : i32
      %add3A_196 = arith.addi %add3A_195, %min3A_186 : i32
      %mul3A_197 = arith.constant 1024 : i32
      %mul3A_198 = arith.muli %add3A_196, %mul3A_197 : i32
      %dma_start3A_199 = arith.constant 8192 : i32
      %dma_start3A_200 = tpu.memref_slice %arg8[%dma_start3A_199] : memref<16384xf32, #tpu.memory_space<vmem>> -> memref<8192xf32, #tpu.memory_space<vmem>>
      %dma_start3A_201 = tpu.memref_slice %arg4[%mul3A_198] : memref<51200000xf32, #tpu.memory_space<hbm>> -> memref<8192xf32, #tpu.memory_space<hbm>>
      %dma_start3A_202 = tpu.memref_slice %arg4[%mul3A_198] : memref<51200000xf32, #tpu.memory_space<hbm>> -> memref<8192xf32, #tpu.memory_space<hbm>>
      %dma_start3A_203 = arith.constant 8192 : i32
      %dma_start3A_204 = tpu.memref_slice %arg8[%dma_start3A_203] : memref<16384xf32, #tpu.memory_space<vmem>> -> memref<8192xf32, #tpu.memory_space<vmem>>
      tpu.enqueue_dma source(%dma_start3A_204 : memref<8192xf32, #tpu.memory_space<vmem>>) target(%dma_start3A_202 : memref<8192xf32, #tpu.memory_space<hbm>>) target_semaphore(%arg12 : memref<!tpu.dma_semaphore, #tpu.memory_space<semaphore_mem>>)
      %add3A_205 = arith.constant 2 : i32
      %add3A_206 = arith.addi %add3A_158, %add3A_205 : i32
      %min3A_207 = arith.constant 97 : i32
      %min3A_208 = arith.minsi %add3A_206, %min3A_207 : i32
      %mul3A_209 = arith.constant 8 : i32
      %mul3A_210 = arith.muli %min3A_208, %mul3A_209 : i32
      %add3A_211 = arith.addi %add3A_4, %mul3A_210 : i32
      %min3A_212 = arith.minsi %add3A_211, %sub3A_10 : i32
      %mul3A_213 = arith.constant 128 : i32
      %mul3A_214 = arith.muli %min3A_212, %mul3A_213 : i32
      %dma_start3A_215 = tpu.memref_slice %arg2[%mul3A_214] : memref<3200000xi32, #tpu.memory_space<hbm>> -> memref<1024xi32, #tpu.memory_space<hbm>>
      %dma_start3A_216 = tpu.memref_slice %arg2[%mul3A_214] : memref<3200000xi32, #tpu.memory_space<hbm>> -> memref<1024xi32, #tpu.memory_space<hbm>>
      tpu.enqueue_dma source(%dma_start3A_216 : memref<1024xi32, #tpu.memory_space<hbm>>) target(%arg6 : memref<1024xi32, #tpu.memory_space<vmem>>) target_semaphore(%arg10 : memref<!tpu.dma_semaphore, #tpu.memory_space<semaphore_mem>>)
      %mul3A_217 = arith.constant 2 : i32
      %mul3A_218 = arith.muli %mul3A_217, %scan3A_154 : i32
      %add3A_219 = arith.constant 1 : i32
      %add3A_220 = arith.addi %mul3A_218, %add3A_219 : i32
      %dma_wait3A_221 = arith.constant 0 : i32
      %dma_wait3A_222 = tpu.memref_slice %arg2[%dma_wait3A_221] : memref<3200000xi32, #tpu.memory_space<hbm>> -> memref<1024xi32, #tpu.memory_space<hbm>>
      %dma_wait3A_223 = arith.constant 0 : i32
      %dma_wait3A_224 = tpu.memref_slice %arg2[%dma_wait3A_223] : memref<3200000xi32, #tpu.memory_space<hbm>> -> memref<1024xi32, #tpu.memory_space<hbm>>
      tpu.wait_dma2 semaphore(%arg11 : memref<!tpu.dma_semaphore, #tpu.memory_space<semaphore_mem>>) src(%dma_wait3A_224 : memref<1024xi32, #tpu.memory_space<hbm>>) dst(%arg7 : memref<1024xi32, #tpu.memory_space<vmem>>)
      %dma_wait3A_225 = arith.constant 0 : i32
      %dma_wait3A_226 = tpu.memref_slice %arg9[%dma_wait3A_225] : memref<16384xf32, #tpu.memory_space<vmem>> -> memref<8192xf32, #tpu.memory_space<vmem>>
      %dma_wait3A_227 = arith.constant 0 : i32
      %dma_wait3A_228 = tpu.memref_slice %arg4[%dma_wait3A_227] : memref<51200000xf32, #tpu.memory_space<hbm>> -> memref<8192xf32, #tpu.memory_space<hbm>>
      %dma_wait3A_229 = arith.constant 0 : i32
      %dma_wait3A_230 = tpu.memref_slice %arg4[%dma_wait3A_229] : memref<51200000xf32, #tpu.memory_space<hbm>> -> memref<8192xf32, #tpu.memory_space<hbm>>
      %dma_wait3A_231 = arith.constant 0 : i32
      %dma_wait3A_232 = tpu.memref_slice %arg9[%dma_wait3A_231] : memref<16384xf32, #tpu.memory_space<vmem>> -> memref<8192xf32, #tpu.memory_space<vmem>>
      tpu.wait_dma2 semaphore(%arg13 : memref<!tpu.dma_semaphore, #tpu.memory_space<semaphore_mem>>) src(%dma_wait3A_232 : memref<8192xf32, #tpu.memory_space<vmem>>) dst(%dma_wait3A_230 : memref<8192xf32, #tpu.memory_space<hbm>>)
      %dma_wait3A_233 = arith.constant 8192 : i32
      %dma_wait3A_234 = tpu.memref_slice %arg9[%dma_wait3A_233] : memref<16384xf32, #tpu.memory_space<vmem>> -> memref<8192xf32, #tpu.memory_space<vmem>>
      %dma_wait3A_235 = arith.constant 0 : i32
      %dma_wait3A_236 = tpu.memref_slice %arg4[%dma_wait3A_235] : memref<51200000xf32, #tpu.memory_space<hbm>> -> memref<8192xf32, #tpu.memory_space<hbm>>
      %dma_wait3A_237 = arith.constant 0 : i32
      %dma_wait3A_238 = tpu.memref_slice %arg4[%dma_wait3A_237] : memref<51200000xf32, #tpu.memory_space<hbm>> -> memref<8192xf32, #tpu.memory_space<hbm>>
      %dma_wait3A_239 = arith.constant 8192 : i32
      %dma_wait3A_240 = tpu.memref_slice %arg9[%dma_wait3A_239] : memref<16384xf32, #tpu.memory_space<vmem>> -> memref<8192xf32, #tpu.memory_space<vmem>>
      tpu.wait_dma2 semaphore(%arg13 : memref<!tpu.dma_semaphore, #tpu.memory_space<semaphore_mem>>) src(%dma_wait3A_240 : memref<8192xf32, #tpu.memory_space<vmem>>) dst(%dma_wait3A_238 : memref<8192xf32, #tpu.memory_space<hbm>>)
      %iota3A_241 = tpu.iota {dimensions = array<i32: 0>} : vector<16xi32>
      %parallel_loop3A_242 = arith.constant 0 : i32
      %parallel_loop3A_243 = arith.constant 64 : i32
      %parallel_loop3A_244 = arith.constant 1 : i32
      scf.for %parallel_loop3A_279 = %parallel_loop3A_242 to %parallel_loop3A_243 step %parallel_loop3A_244  : i32 {
        %parallel_loop3A_280 = arith.constant 16 : i32
        %parallel_loop3A_281 = arith.muli %parallel_loop3A_279, %parallel_loop3A_280 : i32
        %parallel_loop3A_282 = arith.index_cast %parallel_loop3A_281 : i32 to index
        %parallel_loop3A_283 = tpu.vector_load %arg7[%parallel_loop3A_282] {strides = array<i32>} : memref<1024xi32, #tpu.memory_space<vmem>>, vector<16xi32>,
        %parallel_loop3A_284 = arith.constant 8 : i32
        %parallel_loop3A_285 = arith.divsi %parallel_loop3A_279, %parallel_loop3A_284 : i32
        %parallel_loop3A_286 = arith.constant 0 : i32
        %parallel_loop3A_287 = arith.cmpi sgt, %parallel_loop3A_279, %parallel_loop3A_286 : i32
        %parallel_loop3A_288 = arith.extui %parallel_loop3A_287 : i1 to i32
        %parallel_loop3A_289 = arith.constant 0 : i32
        %parallel_loop3A_290 = arith.cmpi slt, %parallel_loop3A_279, %parallel_loop3A_289 : i32
        %parallel_loop3A_291 = arith.extui %parallel_loop3A_290 : i1 to i32
        %parallel_loop3A_292 = arith.subi %parallel_loop3A_288, %parallel_loop3A_291 : i32
        %parallel_loop3A_293 = arith.constant 0 : i32
        %parallel_loop3A_294 = arith.cmpi sgt, %parallel_loop3A_284, %parallel_loop3A_293 : i32
        %parallel_loop3A_295 = arith.extui %parallel_loop3A_294 : i1 to i32
        %parallel_loop3A_296 = arith.constant 0 : i32
        %parallel_loop3A_297 = arith.cmpi slt, %parallel_loop3A_284, %parallel_loop3A_296 : i32
        %parallel_loop3A_298 = arith.extui %parallel_loop3A_297 : i1 to i32
        %parallel_loop3A_299 = arith.subi %parallel_loop3A_295, %parallel_loop3A_298 : i32
        %parallel_loop3A_300 = arith.cmpi ne, %parallel_loop3A_292, %parallel_loop3A_299 : i32
        %parallel_loop3A_301 = arith.remsi %parallel_loop3A_279, %parallel_loop3A_284 : i32
        %parallel_loop3A_302 = arith.constant 0 : i32
        %parallel_loop3A_303 = arith.cmpi ne, %parallel_loop3A_301, %parallel_loop3A_302 : i32
        %parallel_loop3A_304 = arith.andi %parallel_loop3A_300, %parallel_loop3A_303 : i1
        %parallel_loop3A_305 = arith.constant 1 : i32
        %parallel_loop3A_306 = arith.subi %parallel_loop3A_285, %parallel_loop3A_305 : i32
        %parallel_loop3A_307 = arith.select %parallel_loop3A_304, %parallel_loop3A_306, %parallel_loop3A_285 : i32
        %parallel_loop3A_308 = arith.constant 1024 : i32
        %parallel_loop3A_309 = arith.muli %parallel_loop3A_307, %parallel_loop3A_308 : i32
        %parallel_loop3A_310 = arith.constant 8 : i32
        %parallel_loop3A_311 = arith.constant 0 : i32
        %parallel_loop3A_312 = arith.cmpi eq, %parallel_loop3A_310, %parallel_loop3A_311 : i32
        %parallel_loop3A_313 = arith.constant 1 : i32
        %parallel_loop3A_314 = arith.select %parallel_loop3A_312, %parallel_loop3A_313, %parallel_loop3A_310 : i32
        %parallel_loop3A_315 = arith.remsi %parallel_loop3A_279, %parallel_loop3A_314 : i32
        %parallel_loop3A_316 = arith.constant 0 : i32
        %parallel_loop3A_317 = arith.cmpi ne, %parallel_loop3A_315, %parallel_loop3A_316 : i32
        %parallel_loop3A_318 = arith.constant 0 : i32
        %parallel_loop3A_319 = arith.cmpi slt, %parallel_loop3A_315, %parallel_loop3A_318 : i32
        %parallel_loop3A_320 = arith.constant 0 : i32
        %parallel_loop3A_321 = arith.cmpi slt, %parallel_loop3A_314, %parallel_loop3A_320 : i32
        %parallel_loop3A_322 = arith.xori %parallel_loop3A_319, %parallel_loop3A_321 : i1
        %parallel_loop3A_323 = arith.andi %parallel_loop3A_322, %parallel_loop3A_317 : i1
        %parallel_loop3A_324 = arith.addi %parallel_loop3A_315, %parallel_loop3A_314 : i32
        %parallel_loop3A_325 = arith.select %parallel_loop3A_323, %parallel_loop3A_324, %parallel_loop3A_315 : i32
        %parallel_loop3A_326 = arith.constant 16 : i32
        %parallel_loop3A_327 = arith.muli %parallel_loop3A_325, %parallel_loop3A_326 : i32
        %parallel_loop3A_328 = arith.addi %parallel_loop3A_309, %parallel_loop3A_327 : i32
        %parallel_loop3A_329 = vector.broadcast %parallel_loop3A_328 : i32 to vector<16xi32>
        %parallel_loop3A_330 = arith.addi %parallel_loop3A_329, %iota3A_241 : vector<16xi32>
        %parallel_loop3A_331 = arith.constant 0 : i32
        %parallel_loop3A_332 = vector.broadcast %parallel_loop3A_331 : i32 to vector<16xi32>
        %parallel_loop3A_333 = arith.addi %parallel_loop3A_283, %parallel_loop3A_332 : vector<16xi32>
        %parallel_loop3A_334 = tpu.vector_load_idx %arg5[%parallel_loop3A_333] : memref<16000xf32, #tpu.memory_space<vmem>>[vector<16xi32>], vector<16xf32>,
        %parallel_loop3A_335 = arith.constant 0 : i32
        %parallel_loop3A_336 = vector.broadcast %parallel_loop3A_335 : i32 to vector<16xi32>
        %parallel_loop3A_337 = arith.addi %parallel_loop3A_330, %parallel_loop3A_336 : vector<16xi32>
        tpu.vector_store_idx %arg9[%parallel_loop3A_337], %parallel_loop3A_334 : memref<16384xf32, #tpu.memory_space<vmem>>[vector<16xi32>], vector<16xf32>,
        %parallel_loop3A_338 = arith.constant 1000 : i32
        %parallel_loop3A_339 = vector.broadcast %parallel_loop3A_338 : i32 to vector<16xi32>
        %parallel_loop3A_340 = arith.addi %parallel_loop3A_283, %parallel_loop3A_339 : vector<16xi32>
        %parallel_loop3A_341 = tpu.vector_load_idx %arg5[%parallel_loop3A_340] : memref<16000xf32, #tpu.memory_space<vmem>>[vector<16xi32>], vector<16xf32>,
        %parallel_loop3A_342 = arith.constant 128 : i32
        %parallel_loop3A_343 = vector.broadcast %parallel_loop3A_342 : i32 to vector<16xi32>
        %parallel_loop3A_344 = arith.addi %parallel_loop3A_330, %parallel_loop3A_343 : vector<16xi32>
        tpu.vector_store_idx %arg9[%parallel_loop3A_344], %parallel_loop3A_341 : memref<16384xf32, #tpu.memory_space<vmem>>[vector<16xi32>], vector<16xf32>,
        %parallel_loop3A_345 = arith.constant 2000 : i32
        %parallel_loop3A_346 = vector.broadcast %parallel_loop3A_345 : i32 to vector<16xi32>
        %parallel_loop3A_347 = arith.addi %parallel_loop3A_283, %parallel_loop3A_346 : vector<16xi32>
        %parallel_loop3A_348 = tpu.vector_load_idx %arg5[%parallel_loop3A_347] : memref<16000xf32, #tpu.memory_space<vmem>>[vector<16xi32>], vector<16xf32>,
        %parallel_loop3A_349 = arith.constant 256 : i32
        %parallel_loop3A_350 = vector.broadcast %parallel_loop3A_349 : i32 to vector<16xi32>
        %parallel_loop3A_351 = arith.addi %parallel_loop3A_330, %parallel_loop3A_350 : vector<16xi32>
        tpu.vector_store_idx %arg9[%parallel_loop3A_351], %parallel_loop3A_348 : memref<16384xf32, #tpu.memory_space<vmem>>[vector<16xi32>], vector<16xf32>,
        %parallel_loop3A_352 = arith.constant 3000 : i32
        %parallel_loop3A_353 = vector.broadcast %parallel_loop3A_352 : i32 to vector<16xi32>
        %parallel_loop3A_354 = arith.addi %parallel_loop3A_283, %parallel_loop3A_353 : vector<16xi32>
        %parallel_loop3A_355 = tpu.vector_load_idx %arg5[%parallel_loop3A_354] : memref<16000xf32, #tpu.memory_space<vmem>>[vector<16xi32>], vector<16xf32>,
        %parallel_loop3A_356 = arith.constant 384 : i32
        %parallel_loop3A_357 = vector.broadcast %parallel_loop3A_356 : i32 to vector<16xi32>
        %parallel_loop3A_358 = arith.addi %parallel_loop3A_330, %parallel_loop3A_357 : vector<16xi32>
        tpu.vector_store_idx %arg9[%parallel_loop3A_358], %parallel_loop3A_355 : memref<16384xf32, #tpu.memory_space<vmem>>[vector<16xi32>], vector<16xf32>,
        %parallel_loop3A_359 = arith.constant 4000 : i32
        %parallel_loop3A_360 = vector.broadcast %parallel_loop3A_359 : i32 to vector<16xi32>
        %parallel_loop3A_361 = arith.addi %parallel_loop3A_283, %parallel_loop3A_360 : vector<16xi32>
        %parallel_loop3A_362 = tpu.vector_load_idx %arg5[%parallel_loop3A_361] : memref<16000xf32, #tpu.memory_space<vmem>>[vector<16xi32>], vector<16xf32>,
        %parallel_loop3A_363 = arith.constant 512 : i32
        %parallel_loop3A_364 = vector.broadcast %parallel_loop3A_363 : i32 to vector<16xi32>
        %parallel_loop3A_365 = arith.addi %parallel_loop3A_330, %parallel_loop3A_364 : vector<16xi32>
        tpu.vector_store_idx %arg9[%parallel_loop3A_365], %parallel_loop3A_362 : memref<16384xf32, #tpu.memory_space<vmem>>[vector<16xi32>], vector<16xf32>,
        %parallel_loop3A_366 = arith.constant 5000 : i32
        %parallel_loop3A_367 = vector.broadcast %parallel_loop3A_366 : i32 to vector<16xi32>
        %parallel_loop3A_368 = arith.addi %parallel_loop3A_283, %parallel_loop3A_367 : vector<16xi32>
        %parallel_loop3A_369 = tpu.vector_load_idx %arg5[%parallel_loop3A_368] : memref<16000xf32, #tpu.memory_space<vmem>>[vector<16xi32>], vector<16xf32>,
        %parallel_loop3A_370 = arith.constant 640 : i32
        %parallel_loop3A_371 = vector.broadcast %parallel_loop3A_370 : i32 to vector<16xi32>
        %parallel_loop3A_372 = arith.addi %parallel_loop3A_330, %parallel_loop3A_371 : vector<16xi32>
        tpu.vector_store_idx %arg9[%parallel_loop3A_372], %parallel_loop3A_369 : memref<16384xf32, #tpu.memory_space<vmem>>[vector<16xi32>], vector<16xf32>,
        %parallel_loop3A_373 = arith.constant 6000 : i32
        %parallel_loop3A_374 = vector.broadcast %parallel_loop3A_373 : i32 to vector<16xi32>
        %parallel_loop3A_375 = arith.addi %parallel_loop3A_283, %parallel_loop3A_374 : vector<16xi32>
        %parallel_loop3A_376 = tpu.vector_load_idx %arg5[%parallel_loop3A_375] : memref<16000xf32, #tpu.memory_space<vmem>>[vector<16xi32>], vector<16xf32>,
        %parallel_loop3A_377 = arith.constant 768 : i32
        %parallel_loop3A_378 = vector.broadcast %parallel_loop3A_377 : i32 to vector<16xi32>
        %parallel_loop3A_379 = arith.addi %parallel_loop3A_330, %parallel_loop3A_378 : vector<16xi32>
        tpu.vector_store_idx %arg9[%parallel_loop3A_379], %parallel_loop3A_376 : memref<16384xf32, #tpu.memory_space<vmem>>[vector<16xi32>], vector<16xf32>,
        %parallel_loop3A_380 = arith.constant 7000 : i32
        %parallel_loop3A_381 = vector.broadcast %parallel_loop3A_380 : i32 to vector<16xi32>
        %parallel_loop3A_382 = arith.addi %parallel_loop3A_283, %parallel_loop3A_381 : vector<16xi32>
        %parallel_loop3A_383 = tpu.vector_load_idx %arg5[%parallel_loop3A_382] : memref<16000xf32, #tpu.memory_space<vmem>>[vector<16xi32>], vector<16xf32>,
        %parallel_loop3A_384 = arith.constant 896 : i32
        %parallel_loop3A_385 = vector.broadcast %parallel_loop3A_384 : i32 to vector<16xi32>
        %parallel_loop3A_386 = arith.addi %parallel_loop3A_330, %parallel_loop3A_385 : vector<16xi32>
        tpu.vector_store_idx %arg9[%parallel_loop3A_386], %parallel_loop3A_383 : memref<16384xf32, #tpu.memory_space<vmem>>[vector<16xi32>], vector<16xf32>,
        %parallel_loop3A_387 = arith.constant 8000 : i32
        %parallel_loop3A_388 = vector.broadcast %parallel_loop3A_387 : i32 to vector<16xi32>
        %parallel_loop3A_389 = arith.addi %parallel_loop3A_283, %parallel_loop3A_388 : vector<16xi32>
        %parallel_loop3A_390 = tpu.vector_load_idx %arg5[%parallel_loop3A_389] : memref<16000xf32, #tpu.memory_space<vmem>>[vector<16xi32>], vector<16xf32>,
        %parallel_loop3A_391 = arith.constant 8192 : i32
        %parallel_loop3A_392 = vector.broadcast %parallel_loop3A_391 : i32 to vector<16xi32>
        %parallel_loop3A_393 = arith.addi %parallel_loop3A_330, %parallel_loop3A_392 : vector<16xi32>
        tpu.vector_store_idx %arg9[%parallel_loop3A_393], %parallel_loop3A_390 : memref<16384xf32, #tpu.memory_space<vmem>>[vector<16xi32>], vector<16xf32>,
        %parallel_loop3A_394 = arith.constant 9000 : i32
        %parallel_loop3A_395 = vector.broadcast %parallel_loop3A_394 : i32 to vector<16xi32>
        %parallel_loop3A_396 = arith.addi %parallel_loop3A_283, %parallel_loop3A_395 : vector<16xi32>
        %parallel_loop3A_397 = tpu.vector_load_idx %arg5[%parallel_loop3A_396] : memref<16000xf32, #tpu.memory_space<vmem>>[vector<16xi32>], vector<16xf32>,
        %parallel_loop3A_398 = arith.constant 8320 : i32
        %parallel_loop3A_399 = vector.broadcast %parallel_loop3A_398 : i32 to vector<16xi32>
        %parallel_loop3A_400 = arith.addi %parallel_loop3A_330, %parallel_loop3A_399 : vector<16xi32>
        tpu.vector_store_idx %arg9[%parallel_loop3A_400], %parallel_loop3A_397 : memref<16384xf32, #tpu.memory_space<vmem>>[vector<16xi32>], vector<16xf32>,
        %parallel_loop3A_401 = arith.constant 10000 : i32
        %parallel_loop3A_402 = vector.broadcast %parallel_loop3A_401 : i32 to vector<16xi32>
        %parallel_loop3A_403 = arith.addi %parallel_loop3A_283, %parallel_loop3A_402 : vector<16xi32>
        %parallel_loop3A_404 = tpu.vector_load_idx %arg5[%parallel_loop3A_403] : memref<16000xf32, #tpu.memory_space<vmem>>[vector<16xi32>], vector<16xf32>,
        %parallel_loop3A_405 = arith.constant 8448 : i32
        %parallel_loop3A_406 = vector.broadcast %parallel_loop3A_405 : i32 to vector<16xi32>
        %parallel_loop3A_407 = arith.addi %parallel_loop3A_330, %parallel_loop3A_406 : vector<16xi32>
        tpu.vector_store_idx %arg9[%parallel_loop3A_407], %parallel_loop3A_404 : memref<16384xf32, #tpu.memory_space<vmem>>[vector<16xi32>], vector<16xf32>,
        %parallel_loop3A_408 = arith.constant 11000 : i32
        %parallel_loop3A_409 = vector.broadcast %parallel_loop3A_408 : i32 to vector<16xi32>
        %parallel_loop3A_410 = arith.addi %parallel_loop3A_283, %parallel_loop3A_409 : vector<16xi32>
        %parallel_loop3A_411 = tpu.vector_load_idx %arg5[%parallel_loop3A_410] : memref<16000xf32, #tpu.memory_space<vmem>>[vector<16xi32>], vector<16xf32>,
        %parallel_loop3A_412 = arith.constant 8576 : i32
        %parallel_loop3A_413 = vector.broadcast %parallel_loop3A_412 : i32 to vector<16xi32>
        %parallel_loop3A_414 = arith.addi %parallel_loop3A_330, %parallel_loop3A_413 : vector<16xi32>
        tpu.vector_store_idx %arg9[%parallel_loop3A_414], %parallel_loop3A_411 : memref<16384xf32, #tpu.memory_space<vmem>>[vector<16xi32>], vector<16xf32>,
        %parallel_loop3A_415 = arith.constant 12000 : i32
        %parallel_loop3A_416 = vector.broadcast %parallel_loop3A_415 : i32 to vector<16xi32>
        %parallel_loop3A_417 = arith.addi %parallel_loop3A_283, %parallel_loop3A_416 : vector<16xi32>
        %parallel_loop3A_418 = tpu.vector_load_idx %arg5[%parallel_loop3A_417] : memref<16000xf32, #tpu.memory_space<vmem>>[vector<16xi32>], vector<16xf32>,
        %parallel_loop3A_419 = arith.constant 8704 : i32
        %parallel_loop3A_420 = vector.broadcast %parallel_loop3A_419 : i32 to vector<16xi32>
        %parallel_loop3A_421 = arith.addi %parallel_loop3A_330, %parallel_loop3A_420 : vector<16xi32>
        tpu.vector_store_idx %arg9[%parallel_loop3A_421], %parallel_loop3A_418 : memref<16384xf32, #tpu.memory_space<vmem>>[vector<16xi32>], vector<16xf32>,
        %parallel_loop3A_422 = arith.constant 13000 : i32
        %parallel_loop3A_423 = vector.broadcast %parallel_loop3A_422 : i32 to vector<16xi32>
        %parallel_loop3A_424 = arith.addi %parallel_loop3A_283, %parallel_loop3A_423 : vector<16xi32>
        %parallel_loop3A_425 = tpu.vector_load_idx %arg5[%parallel_loop3A_424] : memref<16000xf32, #tpu.memory_space<vmem>>[vector<16xi32>], vector<16xf32>,
        %parallel_loop3A_426 = arith.constant 8832 : i32
        %parallel_loop3A_427 = vector.broadcast %parallel_loop3A_426 : i32 to vector<16xi32>
        %parallel_loop3A_428 = arith.addi %parallel_loop3A_330, %parallel_loop3A_427 : vector<16xi32>
        tpu.vector_store_idx %arg9[%parallel_loop3A_428], %parallel_loop3A_425 : memref<16384xf32, #tpu.memory_space<vmem>>[vector<16xi32>], vector<16xf32>,
        %parallel_loop3A_429 = arith.constant 14000 : i32
        %parallel_loop3A_430 = vector.broadcast %parallel_loop3A_429 : i32 to vector<16xi32>
        %parallel_loop3A_431 = arith.addi %parallel_loop3A_283, %parallel_loop3A_430 : vector<16xi32>
        %parallel_loop3A_432 = tpu.vector_load_idx %arg5[%parallel_loop3A_431] : memref<16000xf32, #tpu.memory_space<vmem>>[vector<16xi32>], vector<16xf32>,
        %parallel_loop3A_433 = arith.constant 8960 : i32
        %parallel_loop3A_434 = vector.broadcast %parallel_loop3A_433 : i32 to vector<16xi32>
        %parallel_loop3A_435 = arith.addi %parallel_loop3A_330, %parallel_loop3A_434 : vector<16xi32>
        tpu.vector_store_idx %arg9[%parallel_loop3A_435], %parallel_loop3A_432 : memref<16384xf32, #tpu.memory_space<vmem>>[vector<16xi32>], vector<16xf32>,
        %parallel_loop3A_436 = arith.constant 15000 : i32
        %parallel_loop3A_437 = vector.broadcast %parallel_loop3A_436 : i32 to vector<16xi32>
        %parallel_loop3A_438 = arith.addi %parallel_loop3A_283, %parallel_loop3A_437 : vector<16xi32>
        %parallel_loop3A_439 = tpu.vector_load_idx %arg5[%parallel_loop3A_438] : memref<16000xf32, #tpu.memory_space<vmem>>[vector<16xi32>], vector<16xf32>,
        %parallel_loop3A_440 = arith.constant 9088 : i32
        %parallel_loop3A_441 = vector.broadcast %parallel_loop3A_440 : i32 to vector<16xi32>
        %parallel_loop3A_442 = arith.addi %parallel_loop3A_330, %parallel_loop3A_441 : vector<16xi32>
        tpu.vector_store_idx %arg9[%parallel_loop3A_442], %parallel_loop3A_439 : memref<16384xf32, #tpu.memory_space<vmem>>[vector<16xi32>], vector<16xf32>,
      } {sc.loop_unroll_factor = 4 : i64, sc.parallel_access}
      %mul3A_245 = arith.constant 8 : i32
      %mul3A_246 = arith.muli %add3A_220, %mul3A_245 : i32
      %add3A_247 = arith.addi %add3A_4, %mul3A_246 : i32
      %min3A_248 = arith.minsi %add3A_247, %sub3A_10 : i32
      %mul3A_249 = arith.constant 1024 : i32
      %mul3A_250 = arith.muli %min3A_248, %mul3A_249 : i32
      %dma_start3A_251 = arith.constant 0 : i32
      %dma_start3A_252 = tpu.memref_slice %arg9[%dma_start3A_251] : memref<16384xf32, #tpu.memory_space<vmem>> -> memref<8192xf32, #tpu.memory_space<vmem>>
      %dma_start3A_253 = tpu.memref_slice %arg4[%mul3A_250] : memref<51200000xf32, #tpu.memory_space<hbm>> -> memref<8192xf32, #tpu.memory_space<hbm>>
      %dma_start3A_254 = tpu.memref_slice %arg4[%mul3A_250] : memref<51200000xf32, #tpu.memory_space<hbm>> -> memref<8192xf32, #tpu.memory_space<hbm>>
      %dma_start3A_255 = arith.constant 0 : i32
      %dma_start3A_256 = tpu.memref_slice %arg9[%dma_start3A_255] : memref<16384xf32, #tpu.memory_space<vmem>> -> memref<8192xf32, #tpu.memory_space<vmem>>
      tpu.enqueue_dma source(%dma_start3A_256 : memref<8192xf32, #tpu.memory_space<vmem>>) target(%dma_start3A_254 : memref<8192xf32, #tpu.memory_space<hbm>>) target_semaphore(%arg13 : memref<!tpu.dma_semaphore, #tpu.memory_space<semaphore_mem>>)
      %add3A_257 = arith.constant 25000 : i32
      %add3A_258 = arith.addi %add3A_257, %min3A_248 : i32
      %mul3A_259 = arith.constant 1024 : i32
      %mul3A_260 = arith.muli %add3A_258, %mul3A_259 : i32
      %dma_start3A_261 = arith.constant 8192 : i32
      %dma_start3A_262 = tpu.memref_slice %arg9[%dma_start3A_261] : memref<16384xf32, #tpu.memory_space<vmem>> -> memref<8192xf32, #tpu.memory_space<vmem>>
      %dma_start3A_263 = tpu.memref_slice %arg4[%mul3A_260] : memref<51200000xf32, #tpu.memory_space<hbm>> -> memref<8192xf32, #tpu.memory_space<hbm>>
      %dma_start3A_264 = tpu.memref_slice %arg4[%mul3A_260] : memref<51200000xf32, #tpu.memory_space<hbm>> -> memref<8192xf32, #tpu.memory_space<hbm>>
      %dma_start3A_265 = arith.constant 8192 : i32
      %dma_start3A_266 = tpu.memref_slice %arg9[%dma_start3A_265] : memref<16384xf32, #tpu.memory_space<vmem>> -> memref<8192xf32, #tpu.memory_space<vmem>>
      tpu.enqueue_dma source(%dma_start3A_266 : memref<8192xf32, #tpu.memory_space<vmem>>) target(%dma_start3A_264 : memref<8192xf32, #tpu.memory_space<hbm>>) target_semaphore(%arg13 : memref<!tpu.dma_semaphore, #tpu.memory_space<semaphore_mem>>)
      %add3A_267 = arith.constant 2 : i32
      %add3A_268 = arith.addi %add3A_220, %add3A_267 : i32
      %min3A_269 = arith.constant 97 : i32
      %min3A_270 = arith.minsi %add3A_268, %min3A_269 : i32
      %mul3A_271 = arith.constant 8 : i32
      %mul3A_272 = arith.muli %min3A_270, %mul3A_271 : i32
      %add3A_273 = arith.addi %add3A_4, %mul3A_272 : i32
      %min3A_274 = arith.minsi %add3A_273, %sub3A_10 : i32
      %mul3A_275 = arith.constant 128 : i32
      %mul3A_276 = arith.muli %min3A_274, %mul3A_275 : i32
      %dma_start3A_277 = tpu.memref_slice %arg2[%mul3A_276] : memref<3200000xi32, #tpu.memory_space<hbm>> -> memref<1024xi32, #tpu.memory_space<hbm>>
      %dma_start3A_278 = tpu.memref_slice %arg2[%mul3A_276] : memref<3200000xi32, #tpu.memory_space<hbm>> -> memref<1024xi32, #tpu.memory_space<hbm>>
      tpu.enqueue_dma source(%dma_start3A_278 : memref<1024xi32, #tpu.memory_space<hbm>>) target(%arg7 : memref<1024xi32, #tpu.memory_space<vmem>>) target_semaphore(%arg11 : memref<!tpu.dma_semaphore, #tpu.memory_space<semaphore_mem>>)
    }
    %scan3A_113 = arith.constant 48 : i32
    %dma_wait3A_114 = arith.constant 0 : i32
    %dma_wait3A_115 = tpu.memref_slice %arg8[%dma_wait3A_114] : memref<16384xf32, #tpu.memory_space<vmem>> -> memref<8192xf32, #tpu.memory_space<vmem>>
    %dma_wait3A_116 = arith.constant 0 : i32
    %dma_wait3A_117 = tpu.memref_slice %arg4[%dma_wait3A_116] : memref<51200000xf32, #tpu.memory_space<hbm>> -> memref<8192xf32, #tpu.memory_space<hbm>>
    %dma_wait3A_118 = arith.constant 0 : i32
    %dma_wait3A_119 = tpu.memref_slice %arg4[%dma_wait3A_118] : memref<51200000xf32, #tpu.memory_space<hbm>> -> memref<8192xf32, #tpu.memory_space<hbm>>
    %dma_wait3A_120 = arith.constant 0 : i32
    %dma_wait3A_121 = tpu.memref_slice %arg8[%dma_wait3A_120] : memref<16384xf32, #tpu.memory_space<vmem>> -> memref<8192xf32, #tpu.memory_space<vmem>>
    tpu.wait_dma2 semaphore(%arg12 : memref<!tpu.dma_semaphore, #tpu.memory_space<semaphore_mem>>) src(%dma_wait3A_121 : memref<8192xf32, #tpu.memory_space<vmem>>) dst(%dma_wait3A_119 : memref<8192xf32, #tpu.memory_space<hbm>>)
    %dma_wait3A_122 = arith.constant 8192 : i32
    %dma_wait3A_123 = tpu.memref_slice %arg8[%dma_wait3A_122] : memref<16384xf32, #tpu.memory_space<vmem>> -> memref<8192xf32, #tpu.memory_space<vmem>>
    %dma_wait3A_124 = arith.constant 0 : i32
    %dma_wait3A_125 = tpu.memref_slice %arg4[%dma_wait3A_124] : memref<51200000xf32, #tpu.memory_space<hbm>> -> memref<8192xf32, #tpu.memory_space<hbm>>
    %dma_wait3A_126 = arith.constant 0 : i32
    %dma_wait3A_127 = tpu.memref_slice %arg4[%dma_wait3A_126] : memref<51200000xf32, #tpu.memory_space<hbm>> -> memref<8192xf32, #tpu.memory_space<hbm>>
    %dma_wait3A_128 = arith.constant 8192 : i32
    %dma_wait3A_129 = tpu.memref_slice %arg8[%dma_wait3A_128] : memref<16384xf32, #tpu.memory_space<vmem>> -> memref<8192xf32, #tpu.memory_space<vmem>>
    tpu.wait_dma2 semaphore(%arg12 : memref<!tpu.dma_semaphore, #tpu.memory_space<semaphore_mem>>) src(%dma_wait3A_129 : memref<8192xf32, #tpu.memory_space<vmem>>) dst(%dma_wait3A_127 : memref<8192xf32, #tpu.memory_space<hbm>>)
    %dma_wait3A_130 = arith.constant 0 : i32
    %dma_wait3A_131 = tpu.memref_slice %arg2[%dma_wait3A_130] : memref<3200000xi32, #tpu.memory_space<hbm>> -> memref<1024xi32, #tpu.memory_space<hbm>>
    %dma_wait3A_132 = arith.constant 0 : i32
    %dma_wait3A_133 = tpu.memref_slice %arg2[%dma_wait3A_132] : memref<3200000xi32, #tpu.memory_space<hbm>> -> memref<1024xi32, #tpu.memory_space<hbm>>
    tpu.wait_dma2 semaphore(%arg10 : memref<!tpu.dma_semaphore, #tpu.memory_space<semaphore_mem>>) src(%dma_wait3A_133 : memref<1024xi32, #tpu.memory_space<hbm>>) dst(%arg6 : memref<1024xi32, #tpu.memory_space<vmem>>)
    %dma_wait3A_134 = arith.constant 0 : i32
    %dma_wait3A_135 = tpu.memref_slice %arg9[%dma_wait3A_134] : memref<16384xf32, #tpu.memory_space<vmem>> -> memref<8192xf32, #tpu.memory_space<vmem>>
    %dma_wait3A_136 = arith.constant 0 : i32
    %dma_wait3A_137 = tpu.memref_slice %arg4[%dma_wait3A_136] : memref<51200000xf32, #tpu.memory_space<hbm>> -> memref<8192xf32, #tpu.memory_space<hbm>>
    %dma_wait3A_138 = arith.constant 0 : i32
    %dma_wait3A_139 = tpu.memref_slice %arg4[%dma_wait3A_138] : memref<51200000xf32, #tpu.memory_space<hbm>> -> memref<8192xf32, #tpu.memory_space<hbm>>
    %dma_wait3A_140 = arith.constant 0 : i32
    %dma_wait3A_141 = tpu.memref_slice %arg9[%dma_wait3A_140] : memref<16384xf32, #tpu.memory_space<vmem>> -> memref<8192xf32, #tpu.memory_space<vmem>>
    tpu.wait_dma2 semaphore(%arg13 : memref<!tpu.dma_semaphore, #tpu.memory_space<semaphore_mem>>) src(%dma_wait3A_141 : memref<8192xf32, #tpu.memory_space<vmem>>) dst(%dma_wait3A_139 : memref<8192xf32, #tpu.memory_space<hbm>>)
    %dma_wait3A_142 = arith.constant 8192 : i32
    %dma_wait3A_143 = tpu.memref_slice %arg9[%dma_wait3A_142] : memref<16384xf32, #tpu.memory_space<vmem>> -> memref<8192xf32, #tpu.memory_space<vmem>>
    %dma_wait3A_144 = arith.constant 0 : i32
    %dma_wait3A_145 = tpu.memref_slice %arg4[%dma_wait3A_144] : memref<51200000xf32, #tpu.memory_space<hbm>> -> memref<8192xf32, #tpu.memory_space<hbm>>
    %dma_wait3A_146 = arith.constant 0 : i32
    %dma_wait3A_147 = tpu.memref_slice %arg4[%dma_wait3A_146] : memref<51200000xf32, #tpu.memory_space<hbm>> -> memref<8192xf32, #tpu.memory_space<hbm>>
    %dma_wait3A_148 = arith.constant 8192 : i32
    %dma_wait3A_149 = tpu.memref_slice %arg9[%dma_wait3A_148] : memref<16384xf32, #tpu.memory_space<vmem>> -> memref<8192xf32, #tpu.memory_space<vmem>>
    tpu.wait_dma2 semaphore(%arg13 : memref<!tpu.dma_semaphore, #tpu.memory_space<semaphore_mem>>) src(%dma_wait3A_149 : memref<8192xf32, #tpu.memory_space<vmem>>) dst(%dma_wait3A_147 : memref<8192xf32, #tpu.memory_space<hbm>>)
    %dma_wait3A_150 = arith.constant 0 : i32
    %dma_wait3A_151 = tpu.memref_slice %arg2[%dma_wait3A_150] : memref<3200000xi32, #tpu.memory_space<hbm>> -> memref<1024xi32, #tpu.memory_space<hbm>>
    %dma_wait3A_152 = arith.constant 0 : i32
    %dma_wait3A_153 = tpu.memref_slice %arg2[%dma_wait3A_152] : memref<3200000xi32, #tpu.memory_space<hbm>> -> memref<1024xi32, #tpu.memory_space<hbm>>
    tpu.wait_dma2 semaphore(%arg11 : memref<!tpu.dma_semaphore, #tpu.memory_space<semaphore_mem>>) src(%dma_wait3A_153 : memref<1024xi32, #tpu.memory_space<hbm>>) dst(%arg7 : memref<1024xi32, #tpu.memory_space<vmem>>)
    return
  }
}

</mosaic_0001>

<sc_bundles>
// kernel: kernel.3.cloned.1.call-start
scs
__scs_entry_jumppad:
0x0: {  	(pc) =	sbr.rel $0x88, $3  }
0x1: {  	(tag) =	ssettag $0x0;
	lr =	simm.s32 $0x1  }
0x2: {  	[smem:$0x3F9F] =	sst lr;
	_ =	strace $0xD0000000  }
0x3: {  	_ = 	snop  }
0x4: {  	_ = 	snop  }
0x5: {  	_ = 	snop  }
0x6: {  	_ = 	snop  }
0x7: {  	_ = 	snop  }
__scs_overlays_trampoline_lowered:
0x8: {  	[smem:$0x3FAE] =	sst s0  }
0x9: {  	[smem:$0x3FAF] =	sst s1  }
0xa: {  	[smem:$0x3FB0] =	sst s2  }
0xb: {  	[smem:$0x3FB1] =	sst s3  }
0xc: {  	[smem:$0x3FB2] =	sst s4  }
0xd: {  	[smem:$0x3FB3] =	sst s5  }
0xe: {  	[smem:$0x3FB4] =	sst s6  }
0xf: {  	[smem:$0x3FB5] =	sst s7  }
0x10: {  	[smem:$0x3FB6] =	sst s8  }
0x11: {  	[smem:$0x3FB7] =	sst s9;
	s0 =	simm.s32 @!p0 $0x0  }
0x12: {  	s1 =	sld [smem:$0x3F9D];
	s0 =	simm.s32 @p0 $0x1  }
0x13: {  	[smem:$0x3FB8] =	sst s0;
	s0 =	simm.s32 @!p1 $0x0  }
0x14: {  	s2 =	sld [smem:$0x3F9C];
	s0 =	simm.s32 @p1 $0x1  }
0x15: {  	[smem:$0x3FB9] =	sst s0;
	s0 =	simm.s32 @!p2 $0x0  }
0x16: {  	s3 =	sld [smem:$0x3FDB];
	s0 =	simm.s32 @p2 $0x1  }
0x17: {  	s4 =	simm.s32 $0x1BF5;
	[smem:$0x3FBB] =	sst s0  }
0x18: {  	s0 =	sld [smem:$0x3F9E];
	_ =	swait.ge [sflag:s4], $0x0  }
0x19: {  	s7 =	sld [smem:$0x3F9F]  }
0x1a: {  	s8 =	sadd.s32 $0xFFFFE003, lr  }
0x1b: {  	s9 =	sadd.s32 $0xFFFFFEF7, lr;
	s5 =	simm.s32 $0xFFFFFFFF;
	p2 =	slt.u32 s8, $0xFFFFF086  }
0x1c: {  	p1 =	slt.u32 s9, $0xF7A;
	s5 =	simm.s32 @!p2 $0x0  }
0x1d: {  	s5 =	simm.s32 @p1 $0x1;
	p0 =	seq.s32 s7, s2  }
0x1e: {  	s7 =	smul.u32 @!p0 $0xF7A, s2;
	p2 =	seq.s32 @!p0 s5, $0x0  }
0x1f: {  	s9 =	smul.u32 $0xF7A, s1;
	s8 =	simm.s32 @!p0 $0x1BF5;
	p2 =	por !p2, p0  }
0x20: {  	[sflag:s8] =	ssyncset.s32 @!p0 $0xFFFFF086;
	s6 =	sadd.s32 @!p0 s3, s7;
	s7 =	simm.s32 @!p0 $0x108  }
0x21: {  	s3 =	sadd.s32 s3, s9;
	s6 =	sadd.s32 @!p0 $0x88, s6;
	s7 =	simm.s32 @p2 $0x1082  }
0x22: {  	[simem:s7], [sflag:s8] =	dma.local @!p0 [hbm:s6], $0xF7A  }
0x23: {  	s9 =	sor.u32 $0xD0000000, s2;
	s6 =	simm.s32 $0x108;
	_ =	swait.ge @!p0 [sflag:s8], $0x0  }
0x24: {  	s3 =	sadd.s32 $0x88, s3;
	s6 =	simm.s32 @!p1 $0x1082;
	[sflag:s4] =	ssyncset.s32 $0xFFFFF086  }
0x25: {  	[simem:s6], [sflag:s4] =	dma.local [hbm:s3], $0xF7A  }
0x26: {  	[smem:$0x3F9F] =	sst s1;
	(tag) =	ssettag s2;
	_ =	strace s9  }
0x27: {  	s1 =	sld [smem:$0x3FAF]  }
0x28: {  	s2 =	sld [smem:$0x3FB0]  }
0x29: {  	s4 =	sld [smem:$0x3FB2]  }
0x2a: {  	p0 =	seq.s32 s5, $0x0;
	s5 =	sld [smem:$0x3FB3]  }
0x2b: {  	s6 =	sld [smem:$0x3FB4]  }
0x2c: {  	s7 =	sld [smem:$0x3FB5]  }
0x2d: {  	s3 =	simm.s32 $0x108;
	s8 =	sld [smem:$0x3FB6]  }
0x2e: {  	s3 =	simm.s32 @!p0 $0x1082;
	s9 =	sld [smem:$0x3FB7]  }
0x2f: {  	lr =	sadd.s32 s0, s3;
	s0 =	sld [smem:$0x3FAE]  }
0x30: {  	s3 =	sld [smem:$0x3FB1]  }
0x31: {  	[smem:$0x3FBA] =	sst s10  }
0x32: {  	s10 =	sld [smem:$0x3FB8];
	_ =	sdelay $0x3  }
0x33: {  	p0 =	seq.s32 s10, $0x1;
	s10 =	sld [smem:$0x3FBA];
	_ =	sdelay $0x3  }
0x34: {  	[smem:$0x3FBA] =	sst s10  }
0x35: {  	s10 =	sld [smem:$0x3FB9];
	_ =	sdelay $0x3  }
0x36: {  	p1 =	seq.s32 s10, $0x1;
	s10 =	sld [smem:$0x3FBA];
	_ =	sdelay $0x3  }
0x37: {  	[smem:$0x3FBA] =	sst s10  }
0x38: {  	s10 =	sld [smem:$0x3FBB]  }
0x39: {  	_ = 	snop;
	(pc) =	sbr.ind lr, $3  }
0x3a: {  	_ = 	snop  }
0x3b: {  	_ = 	snop  }
0x3c: {  	p2 =	seq.s32 s10, $0x1;
	s10 =	sld [smem:$0x3FBA]  }
0x3d: {  	_ =	shalt  }
0x3e: {  	_ =	shalt  }
0x3f: {  	_ =	shalt  }
0x40: {  	_ =	shalt  }
0x41: {  	_ =	shalt  }
0x42: {  	_ =	shalt  }
0x43: {  	_ =	shalt  }
0x44: {  	_ =	shalt  }
0x45: {  	_ =	shalt  }
0x46: {  	_ =	shalt  }
0x47: {  	_ =	shalt  }
0x48: {  	_ =	shalt  }
0x49: {  	_ =	shalt  }
0x4a: {  	_ =	shalt  }
0x4b: {  	_ =	shalt  }
0x4c: {  	_ =	shalt  }
0x4d: {  	_ =	shalt  }
0x4e: {  	_ =	shalt  }
0x4f: {  	_ =	shalt  }
0x50: {  	_ =	shalt  }
0x51: {  	_ =	shalt  }
0x52: {  	_ =	shalt  }
0x53: {  	_ =	shalt  }
0x54: {  	_ =	shalt  }
0x55: {  	_ =	shalt  }
0x56: {  	_ =	shalt  }
0x57: {  	_ =	shalt  }
0x58: {  	_ =	shalt  }
0x59: {  	_ =	shalt  }
0x5a: {  	_ =	shalt  }
0x5b: {  	_ =	shalt  }
0x5c: {  	_ =	shalt  }
0x5d: {  	_ =	shalt  }
0x5e: {  	_ =	shalt  }
0x5f: {  	_ =	shalt  }
0x60: {  	_ =	shalt  }
0x61: {  	_ =	shalt  }
0x62: {  	_ =	shalt  }
0x63: {  	_ =	shalt  }
0x64: {  	_ =	shalt  }
0x65: {  	_ =	shalt  }
0x66: {  	_ =	shalt  }
0x67: {  	_ =	shalt  }
0x68: {  	_ =	shalt  }
0x69: {  	_ =	shalt  }
0x6a: {  	_ =	shalt  }
0x6b: {  	_ =	shalt  }
0x6c: {  	_ =	shalt  }
0x6d: {  	_ =	shalt  }
0x6e: {  	_ =	shalt  }
0x6f: {  	_ =	shalt  }
0x70: {  	_ =	shalt  }
0x71: {  	_ =	shalt  }
0x72: {  	_ =	shalt  }
0x73: {  	_ =	shalt  }
0x74: {  	_ =	shalt  }
0x75: {  	_ =	shalt  }
0x76: {  	_ =	shalt  }
0x77: {  	_ =	shalt  }
0x78: {  	_ =	shalt  }
0x79: {  	_ =	shalt  }
0x7a: {  	_ =	shalt  }
0x7b: {  	_ =	shalt  }
0x7c: {  	_ =	shalt  }
0x7d: {  	_ =	shalt  }
0x7e: {  	_ =	shalt  }
0x7f: {  	_ =	shalt  }
0x80: {  	_ =	shalt  }
0x81: {  	_ =	shalt  }
0x82: {  	_ =	shalt  }
0x83: {  	_ =	shalt  }
0x84: {  	_ =	shalt  }
0x85: {  	_ =	shalt  }
0x86: {  	_ =	shalt  }
0x87: {  	_ =	shalt  }
.Lfunc_end0:
.L_simem_size_0:
called_computation_lowered:
.L_overlay_start_0:
0x88: {  	s2 =	sld [smem:$0x3FD9]  }
0x89: {  	s3 =	sld [smem:$0x3FFE];
	_ =	sdelay $0x1  }
0x8a: {  	s1 =	srdreg.scid  }
0x8b: {  	s0 =	sand.u32 $0x1, s1  }
0x8c: {  	s17 =	sshll.u32 s0, $0xA;
	s2 =	sadd.s32 s3, s2  }
0x8d: {  	s2 =	sadd.s32 s2, s17  }
0x8e: {  	[smem:$0x3FC6] =	sst s2  }
0x8f: {  	_ = 	snop  }
0x90: {  	s2 =	sld [smem:$0x3FC9]  }
0x91: {  	s18 =	sld [smem:$0x3FD0];
	(tm) =	ssettm $0x1  }
0x92: {  	s4 =	sld [smem:$0x3FFB];
	_ =	sdelay $0x3  }
0x93: {  	_ =	strace s4  }
0x94: {  	s4 =	sld [smem:$0x3FFC];
	_ =	sdelay $0x3  }
0x95: {  	_ =	strace s4  }
0x96: {  	s4 =	sld [smem:$0x3FFD];
	_ =	sdelay $0x3  }
0x97: {  	_ =	strace s4  }
0x98: {  	_ =	strace $0x8FFFFFFF  }
0x99: {  	s19 =	sld [smem:$0x3FDB];
	_ =	sdelay $0x1  }
0x9a: {  	s5 =	simm.s32 $_scs_section_size  }
0x9b: {  	s6 =	simm.s32 $_size__tile_overlayer_lowered;
	s7 =	simm.s32 $_tile_overlayer_lowered  }
0x9c: {  	s22 =	simm.s32 $0x1BFF;
	s21 =	sshll.u32 s7, $0x1;
	s4 =	sadd.s32 s5, s19  }
0x9d: {  	s8 =	simm.s32 $0x0;
	s20 =	sshll.u32 s6, $0x1;
	s6 =	sadd.s32 s21, s4  }
0x9e: {  	[timem:s8], [sflag:s22] =	dma.local [hbm:s6], s20  }
0x9f: {  	_ =	swait.ge [sflag:s22], s20  }
0xa0: {  	s5 =	ssub.s32 $0x0, s20;
	[sflag:s22] =	ssyncset.done $0x0  }
0xa1: {  	[sflag:s22] =	ssyncadd.s32 s5;
	_ =	sdelay $0x1  }
0xa2: {  	s23 =	simm.s32 $0x1B8B  }
0xa3: {  	_ =	swait.ge [sflag:s23], $0x1  }
0xa4: {  	[sflag:s23] =	ssyncset.done $0x0  }
0xa5: {  	s25 =	simm.s32 $0x1B8E;
	s24 =	sld [smem:$0x3FFE];
	[sflag:s23] =	ssyncadd.s32 $0xFFFFFFFF  }
0xa6: {  	s26 =	simm.s32 $execute0_lowered;
	[smem:$0x3FD2] =	sst s25  }
0xa7: {  	s6 =	sshll.u32 s26, $0x1;
	_ =	strace $0x80000046;
	[dreg:$0x1] =	wrdreg $0xFFFFFFFF  }
0xa8: {  	s28 =	simm.s32 $_size_execute0_lowered;
	s4 =	sadd.s32 s4, s6;
	[dreg:$0x0] =	wrdreg $0x0  }
0xa9: {  	s6 =	sshll.u32 s28, $0x1;
	[dreg:$0x2] =	wrdreg s4  }
0xaa: {  	[dreg:$0x3] =	wrdreg s6  }
0xab: {  	[dreg:$0x4] =	wrdreg $0xC0  }
0xac: {  	_ =	task [dreg:s8], $0x5FFFF  }
0xad: {  	[dreg:$0x1] =	wrdreg $0xFFFFFFFF  }
0xae: {  	[dreg:$0x0] =	wrdreg $0x60  }
0xaf: {  	[dreg:$0x2] =	wrdreg s2  }
0xb0: {  	[dreg:$0x3] =	wrdreg s24  }
0xb1: {  	[dreg:$0x4] =	wrdreg s18  }
0xb2: {  	[dreg:$0x5] =	wrdreg $0x9  }
0xb3: {  	_ =	task.clear_ibuf [dreg:s8], $0x6FFFF;
	_ =	strace $0x90000046  }
0xb4: {  	s29 =	simm.s32 $0x9;
	_ =	strace $0x80000048  }
0xb5: {  	_ =	swait.ge [sflag:s29], $0x1  }
0xb6: {  	[sflag:s29] =	ssyncadd.s32 $0xFFFFFFFF  }
0xb7: {  	_ =	strace $0x90000048  }
0xb8: {  	_ =	sfence  }
0xb9: {  	s30 =	sld [smem:$0x0];
	_ =	sdelay $0x2  }
0xba: {  	s31 =	sshll.u32 s1, $0xD;
	s1 =	sshrl.u32 s1, $0x2  }
0xbb: {  	s3 =	sand.u32 $0x4000, s31;
	s1 =	sadd.s32 s1, s30  }
0xbc: {  	s0 =	sor.u32 s3, s0;
	s1 =	sshll.u32 s1, $0x11  }
0xbd: {  	s0 =	sor.u32 s1, s0  }
0xbe: {  	s0 =	sadd.s32 $0x8F2B, s0  }
0xbf: {  	[sflag:s0] =	ssyncadd.remote.s32 $0x1  }
0xc0: {  	_ =	sfence.sel $0xFFFF  }
0xc1: {  	[dreg:$0x0] =	wrdreg $0xFFFFFFFF;
	(pc) =	sbr.abs _section_cstart, $3  }
0xc2: {  	[dreg:$0x1] =	wrdreg $0xFFFFFFFF  }
0xc3: {  	_ =	task.clear_ibuf [dreg:s8], $0x2FFFF;
	_ =	strace $0x9FFFFFFF  }
0xc4: {  	(tm) =	ssettm $0x7FFFFFFF  }
0xc5: {  	_ =	shalt  }
tec
execute0_lowered:
.L_overlay_start_1:
0x0: {  	(tag) =	ssettag $0x1  }
0x1: {  	s1 =	rddreg [dreg:$0x0]  }
0x2: {  	s0 =	rddreg [dreg:$0x1]  }
0x3: {  	s3 =	rddreg [dreg:$0x2]  }
0x4: {  	s4 =	simm.s32 $0x0;
	s2 =	srdreg.scid;
	s7 =	stileid.u32  }
0x5: {  	s28 =	simm.s32 $0x8680;
	s30 =	simm.s32 $0x3;
	[smem:$0x7FF] =	sst s4  }
0x6: {  	s2 =	sand.u32 $0x1, s2;
	s5 =	sshll.u32 s7, $0x1;
	s0 =	sadd.s32 $0x400, s0  }
0x7: {  	p0 =	slt.u32 s7, $0x4;
	s6 =	ssub.s32 $0x2, s2;
	s2 =	sor.u32 s2, s5  }
0x8: {  	s7 =	simm.s32 $0x306;
	_ =	strace $0x80000047;
	s5 =	smul.u32 $0x30D, s2  }
0x9: {  	[dreg:$0x4] =	wrdreg s0;
	s20 =	sshrl.u32 s6, $0x1;
	s2 =	smin.u32 s2, $0x8  }
0xa: {  	s7 =	simm.s32 @!p0 $0x305;
	s0 =	ssub.s32 s6, s20;
	s6 =	sadd.s32 s2, s5  }
0xb: {  	s31 =	simm.s32 $0x4;
	s0 =	smax.u32 s0, $0x1;
	s7 =	sadd.s32 s6, s7  }
0xc: {  	s2 =	sshll.u32 s6, $0x4;
	s8 =	sadd.s32 $0x8, s6;
	s9 =	sshll.u32 s6, $0x7  }
0xd: {  	s17 =	sadd.s32 $0x10, s6;
	s18 =	sadd.s32 $0x18, s6;
	[dreg:$0xd] =	wrdreg s0  }
0xe: {  	s21 =	sadd.s32 s1, s2;
	s22 =	sshll.u32 s8, $0x4;
	s10 =	sadd.s32 s3, s9  }
0xf: {  	s23 =	sadd.s32 $0x100, s2;
	s26 =	sshll.u32 s8, $0x7;
	s2 =	sadd.s32 $0x180, s2  }
0x10: {  	v0 =	vlaneseq.u32;
	[dreg:$0x5] =	wrdreg s21;
	s5 =	sand.u32 $0x1FFFFFF0, s22;
	s24 =	sadd.s32 $0x30D400, s10  }
0x11: {  	v1 =	vor.u32 $0xFFFFFC48, v0;
	[dreg:$0x6] =	wrdreg s10;
	s25 =	sand.u32 $0x1FFFFFF0, s23;
	s29 =	sand.u32 $0x1FFFFF80, s26  }
0x12: {  	v2 =	vor.u32 $0x80, v0;
	v3 =	vor.u32 $0x100, v0;
	v4 =	vor.u32 $0x180, v0;
	s2 =	sand.u32 $0x1FFFFFF0, s2;
	s5 =	sadd.s32 s1, s5;
	[dreg:$0x8] =	wrdreg s24  }
0x13: {  	v5 =	vor.u32 $0x200, v0;
	v6 =	vor.u32 $0x280, v0;
	v7 =	vor.u32 $0x300, v0;
	s22 =	simm.s32 $0x4280;
	s9 =	sadd.s32 s3, s29;
	[dreg:$0x7] =	wrdreg s5  }
0x14: {  	v8 =	vor.u32 $0x380, v0;
	v9 =	vor.u32 $0x2000, v0;
	v10 =	vor.u32 $0x2080, v0;
	s23 =	simm.s32 $0x1;
	s5 =	sadd.s32 s1, s25;
	[dreg:$0xa] =	wrdreg s9  }
0x15: {  	v11 =	vor.u32 $0x2100, v0;
	v12 =	vor.u32 $0x2180, v0;
	v13 =	vor.u32 $0x2200, v0;
	s2 =	sadd.s32 s1, s2;
	[dreg:$0x9] =	wrdreg s5;
	s5 =	sadd.s32 s3, s26  }
0x16: {  	v14 =	vor.u32 $0x2280, v0;
	v15 =	vor.u32 $0x2300, v0;
	v16 =	vor.u32 $0x2380, v0;
	s24 =	simm.s32 $0x4680;
	[dreg:$0xc] =	wrdreg s2;
	s5 =	sadd.s32 $0x30D400, s5  }
0x17: {  	v17 =	vor.u32 $0xFFFFFC58, v0;
	v18 =	vor.u32 $0xFFFFFC68, v0;
	v19 =	vor.u32 $0xFFFFFC78, v0;
	s2 =	simm.s32 $0x0;
	s26 =	simm.s32 $0x2;
	[dreg:$0xb] =	wrdreg s5  }
.LBB2_1:
0x18: {  	[dreg:$0xe] =	wrdreg s2  }
0x19: {  	s0 =	rddreg [dreg:$0x4];
	s11 =	simm.s32 $0x5  }
0x1a: {  	[tilespmem:s4], [sflag:$0x5] =	stream.linear.gather [hbm4b:s0+s4], $0x3E80, $0x38;
	[tilespmem:$0xC680] =	vst v63  }
0x1b: {  	_ =	swait.ge [sflag:s11], $0x3E80  }
0x1c: {  	[sflag:s11] =	ssyncset.done $0x0  }
0x1d: {  	s13 =	simm.s32 $0x3E80;
	s12 =	rddreg [dreg:$0x5];
	[sflag:s11] =	ssyncadd.s32 $0xFFFFC180  }
0x1e: {  	[tilespmem:s13], [sflag:$0x1] =	stream.linear.gather [hbm4b:s12+s4], $0x400, $0x38;
	[tilespmem:$0xC680] =	vst v63  }
0x1f: {  	s14 =	rddreg [dreg:$0x7]  }
0x20: {  	[tilespmem:s22], [sflag:$0x2] =	stream.linear.gather [hbm4b:s14+s4], $0x400, $0x38;
	[tilespmem:$0xC680] =	vst v63  }
0x21: {  	_ =	swait.ge [sflag:s23], $0x400  }
0x22: {  	[sflag:s23] =	ssyncset.done $0x0  }
0x23: {  	s15 =	simm.s32 $0x3EA0;
	[sflag:s23] =	ssyncadd.s32 $0xFFFFFC00  }
0x24: {  	v27 =	vld [tilespmem:s15+$0xFFFFFFE0];
	_ =	sdelay $0x1  }
0x25: {  	v25 =	vld [tilespmem:s15+$0x10];
	_ =	sdelay $0x1  }
0x26: {  	s16 =	simm.s32 $0x0;
	v26 =	vld [tilespmem:s15+$0xFFFFFFF0]  }
0x27: {  	s5 =	sand.u32 $0x1C00, s4;
	s2 =	sand.u32 $0x40, s16  }
0x28: {  	s9 =	simm.s32 $0x30;
	s2 =	sor.u32 s2, s5  }
0x29: {  	s19 =	sand.u32 $0x70, s9;
	v21 =	vor.u32 s2, v0;
	v20 =	vld [tilespmem:s15+$0x0]  }
0x2a: {  	s20 =	simm.s32 $0x10;
	s0 =	sor.u32 s5, s19;
	v21 =	vand.u32 v1, v21;
	v22 =	vld.idx.msk [tilespmem:v27+s4+$0x0], $0xffff  }
0x2b: {  	s9 =	sand.u32 $0x50, s20;
	v23 =	vor.u32 s0, v0;
	v24 =	vadd.s32 $0x3E8, v27  }
0x2c: {  	s16 =	sor.u32 s5, s9;
	v23 =	vand.u32 v19, v23;
	v28 =	vld.idx.msk [tilespmem:v25+s4+$0x0], $0xffff  }
0x2d: {  	s21 =	simm.s32 $0x20;
	v29 =	vor.u32 s16, v0;
	v30 =	vadd.s32 $0x3E8, v25  }
0x2e: {  	s9 =	sand.u32 $0x60, s21;
	v29 =	vand.u32 v17, v29;
	v31 =	vld.idx.msk [tilespmem:v26+s4+$0x0], $0xffff  }
0x2f: {  	s5 =	sor.u32 s5, s9;
	v32 =	vadd.s32 $0x3E8, v26;
	[tilespmem:v21+s24+$0x0] =	vst.idx.msk $0xffff, v22  }
0x30: {  	v21 =	vor.u32 s5, v0;
	v22 =	vld.idx.msk [tilespmem:v24+s4+$0x0], $0xffff;
	v24 =	vor.u32 s2, v2  }
0x31: {  	v33 =	vld.idx.msk [tilespmem:v20+s4+$0x0], $0xffff;
	[tilespmem:v23+s24+$0x0] =	vst.idx.msk $0xffff, v28;
	v23 =	vadd.s32 $0x7D0, v27;
	v21 =	vand.u32 v18, v21  }
0x32: {  	v34 =	vor.u32 s0, v2;
	v28 =	vadd.s32 $0x3E8, v20;
	v30 =	vld.idx.msk [tilespmem:v30+s4+$0x0], $0xffff  }
0x33: {  	[tilespmem:v29+s24+$0x0] =	vst.idx.msk $0xffff, v31;
	v29 =	vadd.s32 $0x7D0, v25  }
0x34: {  	v60 =	vor.u32 s16, v2;
	v31 =	vld.idx.msk [tilespmem:v32+s4+$0x0], $0xffff  }
0x35: {  	v35 =	vadd.s32 $0x7D0, v26;
	[tilespmem:v24+s24+$0x0] =	vst.idx.msk $0xffff, v22  }
0x36: {  	[tilespmem:v21+s24+$0x0] =	vst.idx.msk $0xffff, v33;
	v22 =	vor.u32 s2, v3;
	v21 =	vld.idx.msk [tilespmem:v23+s4+$0x0], $0xffff  }
0x37: {  	v24 =	vor.u32 s5, v2;
	[tilespmem:v34+s24+$0x0] =	vst.idx.msk $0xffff, v30;
	v23 =	vld.idx.msk [tilespmem:v28+s4+$0x0], $0xffff;
	v28 =	vadd.s32 $0xBB8, v27  }
0x38: {  	v61 =	vor.u32 s0, v3;
	v30 =	vadd.s32 $0x7D0, v20;
	v29 =	vld.idx.msk [tilespmem:v29+s4+$0x0], $0xffff  }
0x39: {  	[tilespmem:v60+s24+$0x0] =	vst.idx.msk $0xffff, v31;
	v31 =	vadd.s32 $0xBB8, v25  }
0x3a: {  	v62 =	vor.u32 s16, v3;
	v32 =	vld.idx.msk [tilespmem:v35+s4+$0x0], $0xffff  }
0x3b: {  	v63 =	vadd.s32 $0xBB8, v26;
	[tilespmem:v22+s24+$0x0] =	vst.idx.msk $0xffff, v21  }
0x3c: {  	[tilespmem:v24+s24+$0x0] =	vst.idx.msk $0xffff, v23;
	v22 =	vor.u32 s2, v4;
	v21 =	vld.idx.msk [tilespmem:v28+s4+$0x0], $0xffff  }
0x3d: {  	v24 =	vor.u32 s5, v3;
	[tilespmem:v61+s24+$0x0] =	vst.idx.msk $0xffff, v29;
	v23 =	vld.idx.msk [tilespmem:v30+s4+$0x0], $0xffff;
	v28 =	vadd.s32 $0xFA0, v27  }
0x3e: {  	v29 =	vadd.s32 $0xBB8, v20;
	v30 =	vld.idx.msk [tilespmem:v31+s4+$0x0], $0xffff;
	v31 =	vor.u32 s0, v4  }
0x3f: {  	v36 =	vadd.s32 $0xFA0, v25;
	[tilespmem:v62+s24+$0x0] =	vst.idx.msk $0xffff, v32  }
0x40: {  	v38 =	vor.u32 s16, v4;
	v37 =	vld.idx.msk [tilespmem:v63+s4+$0x0], $0xffff  }
0x41: {  	v39 =	vadd.s32 $0xFA0, v26;
	[tilespmem:v22+s24+$0x0] =	vst.idx.msk $0xffff, v21  }
0x42: {  	[tilespmem:v24+s24+$0x0] =	vst.idx.msk $0xffff, v23;
	v22 =	vor.u32 s2, v5;
	v21 =	vld.idx.msk [tilespmem:v28+s4+$0x0], $0xffff  }
0x43: {  	v24 =	vor.u32 s5, v4;
	[tilespmem:v31+s24+$0x0] =	vst.idx.msk $0xffff, v30;
	v23 =	vld.idx.msk [tilespmem:v29+s4+$0x0], $0xffff;
	v28 =	vadd.s32 $0x1388, v27  }
0x44: {  	v31 =	vor.u32 s0, v5;
	v29 =	vadd.s32 $0xFA0, v20;
	v30 =	vld.idx.msk [tilespmem:v36+s4+$0x0], $0xffff  }
0x45: {  	v40 =	vadd.s32 $0x1388, v25;
	[tilespmem:v38+s24+$0x0] =	vst.idx.msk $0xffff, v37  }
0x46: {  	v41 =	vor.u32 s16, v5;
	v33 =	vld.idx.msk [tilespmem:v39+s4+$0x0], $0xffff  }
0x47: {  	v42 =	vadd.s32 $0x1388, v26;
	[tilespmem:v22+s24+$0x0] =	vst.idx.msk $0xffff, v21  }
0x48: {  	[tilespmem:v24+s24+$0x0] =	vst.idx.msk $0xffff, v23;
	v22 =	vor.u32 s2, v6;
	v21 =	vld.idx.msk [tilespmem:v28+s4+$0x0], $0xffff  }
0x49: {  	v24 =	vor.u32 s5, v5;
	[tilespmem:v31+s24+$0x0] =	vst.idx.msk $0xffff, v30;
	v23 =	vld.idx.msk [tilespmem:v29+s4+$0x0], $0xffff;
	v28 =	vadd.s32 $0x1770, v27  }
0x4a: {  	v31 =	vor.u32 s0, v6;
	v29 =	vadd.s32 $0x1388, v20;
	v30 =	vld.idx.msk [tilespmem:v40+s4+$0x0], $0xffff  }
0x4b: {  	v43 =	vadd.s32 $0x1770, v25;
	[tilespmem:v41+s24+$0x0] =	vst.idx.msk $0xffff, v33  }
0x4c: {  	v44 =	vor.u32 s16, v6;
	v33 =	vld.idx.msk [tilespmem:v42+s4+$0x0], $0xffff  }
0x4d: {  	[tilespmem:v22+s24+$0x0] =	vst.idx.msk $0xffff, v21;
	v21 =	vadd.s32 $0x1770, v26  }
0x4e: {  	[tilespmem:v24+s24+$0x0] =	vst.idx.msk $0xffff, v23;
	v23 =	vor.u32 s2, v7;
	v22 =	vld.idx.msk [tilespmem:v28+s4+$0x0], $0xffff  }
0x4f: {  	[tilespmem:v31+s24+$0x0] =	vst.idx.msk $0xffff, v30;
	v24 =	vld.idx.msk [tilespmem:v29+s4+$0x0], $0xffff;
	v28 =	vor.u32 s5, v6;
	v29 =	vadd.s32 $0x1B58, v27  }
0x50: {  	v45 =	vor.u32 s0, v7;
	v31 =	vadd.s32 $0x1770, v20;
	v30 =	vld.idx.msk [tilespmem:v43+s4+$0x0], $0xffff  }
0x51: {  	v46 =	vadd.s32 $0x1B58, v25;
	[tilespmem:v44+s24+$0x0] =	vst.idx.msk $0xffff, v33  }
0x52: {  	v47 =	vor.u32 s16, v7;
	v21 =	vld.idx.msk [tilespmem:v21+s4+$0x0], $0xffff  }
0x53: {  	[tilespmem:v23+s24+$0x0] =	vst.idx.msk $0xffff, v22;
	v22 =	vadd.s32 $0x1B58, v26  }
0x54: {  	[tilespmem:v28+s24+$0x0] =	vst.idx.msk $0xffff, v24;
	v24 =	vor.u32 s2, v8;
	v23 =	vld.idx.msk [tilespmem:v29+s4+$0x0], $0xffff  }
0x55: {  	[tilespmem:v45+s24+$0x0] =	vst.idx.msk $0xffff, v30;
	v30 =	vor.u32 s5, v7;
	v28 =	vld.idx.msk [tilespmem:v31+s4+$0x0], $0xffff;
	v29 =	vadd.s32 $0x1F40, v27  }
0x56: {  	s14 =	simm.s32 $0x3EE0;
	v31 =	vld.idx.msk [tilespmem:v46+s4+$0x0], $0xffff  }
0x57: {  	v49 =	vor.u32 s0, v8;
	v48 =	vadd.s32 $0x1B58, v20;
	[tilespmem:v47+s24+$0x0] =	vst.idx.msk $0xffff, v21;
	v21 =	vld [tilespmem:s14+$0xFFFFFFF0]  }
0x58: {  	v50 =	vadd.s32 $0x1F40, v25;
	v51 =	vld.idx.msk [tilespmem:v22+s4+$0x0], $0xffff  }
0x59: {  	v36 =	vor.u32 s16, v8;
	v22 =	vld [tilespmem:s14+$0xFFFFFFE0];
	[tilespmem:v24+s24+$0x0] =	vst.idx.msk $0xffff, v23  }
0x5a: {  	[tilespmem:v30+s24+$0x0] =	vst.idx.msk $0xffff, v28;
	v28 =	vor.u32 s2, v9;
	v30 =	vadd.s32 $0x1F40, v26;
	v29 =	vld.idx.msk [tilespmem:v29+s4+$0x0], $0xffff  }
0x5b: {  	v24 =	vld [tilespmem:s14+$0x10]  }
0x5c: {  	v52 =	vor.u32 s5, v8;
	[tilespmem:v49+s24+$0x0] =	vst.idx.msk $0xffff, v31;
	v31 =	vadd.s32 $0x2328, v27;
	v32 =	vld.idx.msk [tilespmem:v48+s4+$0x0], $0xffff  }
0x5d: {  	v37 =	vadd.s32 $0x1F40, v20;
	v38 =	vor.u32 s0, v9;
	v33 =	vld.idx.msk [tilespmem:v50+s4+$0x0], $0xffff  }
0x5e: {  	v39 =	vadd.s32 $0x2328, v25;
	v23 =	vld [tilespmem:s14+$0x0];
	[tilespmem:v36+s24+$0x0] =	vst.idx.msk $0xffff, v51  }
0x5f: {  	[tilespmem:v28+s24+$0x0] =	vst.idx.msk $0xffff, v29;
	v28 =	vld.idx.msk [tilespmem:v30+s4+$0x0], $0xffff  }
0x60: {  	s25 =	simm.s32 $0x50;
	s15 =	simm.s32 $0x200;
	v30 =	vor.u32 s16, v9;
	v57 =	vld.idx.msk [tilespmem:v21+s4+$0x0], $0xffff  }
0x61: {  	s10 =	simm.s32 $0x70;
	s9 =	sand.u32 $0x50, s25;
	s13 =	sand.u32 $0x1C00, s15;
	[tilespmem:v52+s24+$0x0] =	vst.idx.msk $0xffff, v32;
	v29 =	vld.idx.msk [tilespmem:v31+s4+$0x0], $0xffff;
	v31 =	vor.u32 s2, v10  }
0x62: {  	s29 =	sand.u32 $0x70, s10;
	v54 =	vor.u32 s5, v9;
	s12 =	simm.s32 $0x40;
	s11 =	sor.u32 s13, s9;
	v53 =	vadd.s32 $0x2328, v26;
	[tilespmem:v38+s24+$0x0] =	vst.idx.msk $0xffff, v33;
	v34 =	vld.idx.msk [tilespmem:v37+s4+$0x0], $0xffff  }
0x63: {  	v59 =	vor.u32 s0, v10;
	s12 =	sand.u32 $0x40, s12;
	s9 =	sor.u32 s13, s29;
	v56 =	vor.u32 s11, v0;
	v58 =	vadd.s32 $0x2328, v20;
	v55 =	vld.idx.msk [tilespmem:v39+s4+$0x0], $0xffff  }
0x64: {  	s19 =	simm.s32 $0x60;
	s12 =	sor.u32 s12, s13;
	v40 =	vor.u32 s9, v0;
	v42 =	vadd.s32 $0x2710, v25;
	v36 =	vand.u32 v17, v56;
	v44 =	vld.idx.msk [tilespmem:v22+s4+$0x0], $0xffff  }
0x65: {  	s19 =	sand.u32 $0x60, s19;
	v40 =	vand.u32 v19, v40;
	v43 =	vor.u32 s12, v0;
	v45 =	vadd.s32 $0x2710, v27;
	v41 =	vld.idx.msk [tilespmem:v24+s4+$0x0], $0xffff;
	[tilespmem:v30+s24+$0x0] =	vst.idx.msk $0xffff, v28  }
0x66: {  	s13 =	sor.u32 s13, s19;
	v61 =	vld.idx.msk [tilespmem:v23+s4+$0x0], $0xffff;
	v28 =	vand.u32 v1, v43;
	v30 =	vadd.s32 $0x3E8, v21;
	[tilespmem:v31+s24+$0x0] =	vst.idx.msk $0xffff, v29  }
0x67: {  	v60 =	vor.u32 s13, v0;
	v46 =	vor.u32 s16, v10;
	v63 =	vadd.s32 $0x3E8, v24;
	v29 =	vld.idx.msk [tilespmem:v53+s4+$0x0], $0xffff;
	[tilespmem:v54+s24+$0x0] =	vst.idx.msk $0xffff, v34  }
0x68: {  	v32 =	vand.u32 v18, v60;
	v31 =	vadd.s32 $0x3E8, v22;
	[tilespmem:v59+s24+$0x0] =	vst.idx.msk $0xffff, v55;
	v34 =	vld.idx.msk [tilespmem:v58+s4+$0x0], $0xffff  }
0x69: {  	v48 =	vor.u32 s5, v10;
	[tilespmem:v36+s24+$0x0] =	vst.idx.msk $0xffff, v57;
	v53 =	vadd.s32 $0x3E8, v23;
	v49 =	vld.idx.msk [tilespmem:v42+s4+$0x0], $0xffff  }
0x6a: {  	v62 =	vadd.s32 $0x2710, v26;
	v52 =	vor.u32 s0, v11;
	[tilespmem:v40+s24+$0x0] =	vst.idx.msk $0xffff, v41;
	v50 =	vld.idx.msk [tilespmem:v45+s4+$0x0], $0xffff  }
0x6b: {  	v51 =	vadd.s32 $0x2710, v20;
	[tilespmem:v28+s24+$0x0] =	vst.idx.msk $0xffff, v44;
	v28 =	vld.idx.msk [tilespmem:v30+s4+$0x0], $0xffff;
	v30 =	vor.u32 s2, v11  }
0x6c: {  	v54 =	vor.u32 s11, v2;
	v35 =	vld.idx.msk [tilespmem:v63+s4+$0x0], $0xffff;
	[tilespmem:v46+s24+$0x0] =	vst.idx.msk $0xffff, v29;
	v29 =	vadd.s32 $0x2AF8, v25  }
0x6d: {  	v56 =	vadd.s32 $0x2AF8, v27;
	v55 =	vor.u32 s12, v2;
	[tilespmem:v32+s24+$0x0] =	vst.idx.msk $0xffff, v61;
	v31 =	vld.idx.msk [tilespmem:v31+s4+$0x0], $0xffff  }
0x6e: {  	v57 =	vadd.s32 $0x7D0, v22;
	v59 =	vor.u32 s9, v2;
	v61 =	vld.idx.msk [tilespmem:v53+s4+$0x0], $0xffff;
	[tilespmem:v48+s24+$0x0] =	vst.idx.msk $0xffff, v34  }
0x6f: {  	v58 =	vor.u32 s16, v11;
	v33 =	vld.idx.msk [tilespmem:v62+s4+$0x0], $0xffff;
	[tilespmem:v52+s24+$0x0] =	vst.idx.msk $0xffff, v49;
	v62 =	vadd.s32 $0x7D0, v24  }
0x70: {  	v60 =	vadd.s32 $0x2AF8, v26;
	v63 =	vor.u32 s13, v2;
	v39 =	vld.idx.msk [tilespmem:v51+s4+$0x0], $0xffff;
	[tilespmem:v30+s24+$0x0] =	vst.idx.msk $0xffff, v50  }
0x71: {  	v30 =	vor.u32 s5, v11;
	[tilespmem:v54+s24+$0x0] =	vst.idx.msk $0xffff, v28;
	v28 =	vadd.s32 $0x7D0, v21;
	v29 =	vld.idx.msk [tilespmem:v29+s4+$0x0], $0xffff  }
0x72: {  	v48 =	vor.u32 s0, v12;
	[tilespmem:v55+s24+$0x0] =	vst.idx.msk $0xffff, v31;
	v31 =	vadd.s32 $0x7D0, v23;
	v32 =	vld.idx.msk [tilespmem:v56+s4+$0x0], $0xffff  }
0x73: {  	v49 =	vadd.s32 $0x2AF8, v20;
	[tilespmem:v59+s24+$0x0] =	vst.idx.msk $0xffff, v35;
	v50 =	vor.u32 s2, v12;
	v43 =	vld.idx.msk [tilespmem:v57+s4+$0x0], $0xffff  }
0x74: {  	v53 =	vadd.s32 $0x2EE0, v25;
	v51 =	vor.u32 s12, v3;
	[tilespmem:v58+s24+$0x0] =	vst.idx.msk $0xffff, v33;
	v40 =	vld.idx.msk [tilespmem:v62+s4+$0x0], $0xffff  }
0x75: {  	v54 =	vadd.s32 $0xBB8, v22;
	v55 =	vor.u32 s16, v12;
	[tilespmem:v63+s24+$0x0] =	vst.idx.msk $0xffff, v61;
	v52 =	vld.idx.msk [tilespmem:v60+s4+$0x0], $0xffff  }
0x76: {  	v56 =	vadd.s32 $0x2EE0, v26;
	[tilespmem:v30+s24+$0x0] =	vst.idx.msk $0xffff, v39;
	v28 =	vld.idx.msk [tilespmem:v28+s4+$0x0], $0xffff;
	v30 =	vor.u32 s9, v3  }
0x77: {  	v57 =	vor.u32 s11, v3;
	v58 =	vadd.s32 $0xBB8, v24;
	v31 =	vld.idx.msk [tilespmem:v31+s4+$0x0], $0xffff;
	[tilespmem:v48+s24+$0x0] =	vst.idx.msk $0xffff, v29  }
0x78: {  	v59 =	vor.u32 s13, v3;
	v29 =	vadd.s32 $0xBB8, v21;
	[tilespmem:v50+s24+$0x0] =	vst.idx.msk $0xffff, v32;
	v60 =	vld.idx.msk [tilespmem:v49+s4+$0x0], $0xffff  }
0x79: {  	v61 =	vor.u32 s5, v12;
	v62 =	vadd.s32 $0xBB8, v23;
	[tilespmem:v51+s24+$0x0] =	vst.idx.msk $0xffff, v43;
	v35 =	vld.idx.msk [tilespmem:v53+s4+$0x0], $0xffff  }
0x7a: {  	v63 =	vadd.s32 $0x2EE0, v20;
	v48 =	vor.u32 s0, v13;
	v36 =	vld.idx.msk [tilespmem:v54+s4+$0x0], $0xffff;
	[tilespmem:v55+s24+$0x0] =	vst.idx.msk $0xffff, v52  }
0x7b: {  	v49 =	vor.u32 s12, v4;
	v50 =	vadd.s32 $0x32C8, v25;
	[tilespmem:v30+s24+$0x0] =	vst.idx.msk $0xffff, v40;
	v30 =	vld.idx.msk [tilespmem:v56+s4+$0x0], $0xffff  }
0x7c: {  	v51 =	vadd.s32 $0xFA0, v22;
	v52 =	vor.u32 s16, v13;
	[tilespmem:v57+s24+$0x0] =	vst.idx.msk $0xffff, v28;
	v28 =	vld.idx.msk [tilespmem:v58+s4+$0x0], $0xffff  }
0x7d: {  	v53 =	vadd.s32 $0x32C8, v26;
	v29 =	vld.idx.msk [tilespmem:v29+s4+$0x0], $0xffff;
	[tilespmem:v59+s24+$0x0] =	vst.idx.msk $0xffff, v31;
	v31 =	vor.u32 s9, v4  }
0x7e: {  	v54 =	vor.u32 s11, v4;
	v55 =	vadd.s32 $0xFA0, v24;
	[tilespmem:v61+s24+$0x0] =	vst.idx.msk $0xffff, v60;
	v33 =	vld.idx.msk [tilespmem:v62+s4+$0x0], $0xffff  }
0x7f: {  	v56 =	vadd.s32 $0xFA0, v21;
	v57 =	vor.u32 s13, v4;
	v34 =	vld.idx.msk [tilespmem:v63+s4+$0x0], $0xffff;
	[tilespmem:v48+s24+$0x0] =	vst.idx.msk $0xffff, v35  }
0x80: {  	v58 =	vor.u32 s5, v13;
	v59 =	vadd.s32 $0xFA0, v23;
	[tilespmem:v49+s24+$0x0] =	vst.idx.msk $0xffff, v36;
	v37 =	vld.idx.msk [tilespmem:v50+s4+$0x0], $0xffff  }
0x81: {  	v61 =	vor.u32 s12, v5;
	v40 =	vld.idx.msk [tilespmem:v51+s4+$0x0], $0xffff;
	[tilespmem:v52+s24+$0x0] =	vst.idx.msk $0xffff, v30;
	v30 =	vadd.s32 $0x32C8, v20  }
0x82: {  	v60 =	vor.u32 s0, v14;
	v62 =	vadd.s32 $0x1388, v22;
	[tilespmem:v31+s24+$0x0] =	vst.idx.msk $0xffff, v28;
	v28 =	vld.idx.msk [tilespmem:v53+s4+$0x0], $0xffff  }
0x83: {  	v63 =	vor.u32 s16, v14;
	v31 =	vadd.s32 $0x36B0, v25;
	[tilespmem:v54+s24+$0x0] =	vst.idx.msk $0xffff, v29;
	v29 =	vld.idx.msk [tilespmem:v55+s4+$0x0], $0xffff  }
0x84: {  	v48 =	vor.u32 s9, v5;
	v49 =	vadd.s32 $0x36B0, v26;
	v32 =	vld.idx.msk [tilespmem:v56+s4+$0x0], $0xffff;
	[tilespmem:v57+s24+$0x0] =	vst.idx.msk $0xffff, v33  }
0x85: {  	v50 =	vor.u32 s11, v5;
	[tilespmem:v58+s24+$0x0] =	vst.idx.msk $0xffff, v34;
	v56 =	vadd.s32 $0x2EE0, v27;
	v36 =	vld.idx.msk [tilespmem:v59+s4+$0x0], $0xffff  }
0x86: {  	v51 =	vadd.s32 $0x1388, v24;
	v53 =	vor.u32 s13, v5;
	[tilespmem:v61+s24+$0x0] =	vst.idx.msk $0xffff, v40;
	v30 =	vld.idx.msk [tilespmem:v30+s4+$0x0], $0xffff  }
0x87: {  	v52 =	vadd.s32 $0x1388, v21;
	v54 =	vor.u32 s5, v14;
	[tilespmem:v60+s24+$0x0] =	vst.idx.msk $0xffff, v37;
	v39 =	vld.idx.msk [tilespmem:v62+s4+$0x0], $0xffff  }
0x88: {  	v55 =	vadd.s32 $0x1388, v23;
	v57 =	vor.u32 s12, v6;
	v31 =	vld.idx.msk [tilespmem:v31+s4+$0x0], $0xffff;
	[tilespmem:v63+s24+$0x0] =	vst.idx.msk $0xffff, v28  }
0x89: {  	v59 =	vadd.s32 $0x1770, v22;
	v28 =	vor.u32 s0, v15;
	[tilespmem:v48+s24+$0x0] =	vst.idx.msk $0xffff, v29;
	v29 =	vld.idx.msk [tilespmem:v49+s4+$0x0], $0xffff  }
0x8a: {  	v58 =	vadd.s32 $0x3A98, v25;
	v61 =	vor.u32 s16, v15;
	[tilespmem:v50+s24+$0x0] =	vst.idx.msk $0xffff, v32;
	v32 =	vld.idx.msk [tilespmem:v56+s4+$0x0], $0xffff  }
0x8b: {  	v47 =	vadd.s32 $0x36B0, v20;
	v63 =	vor.u32 s9, v6;
	v60 =	vld.idx.msk [tilespmem:v51+s4+$0x0], $0xffff;
	[tilespmem:v53+s24+$0x0] =	vst.idx.msk $0xffff, v36  }
0x8c: {  	v48 =	vor.u32 s11, v6;
	v62 =	vld.idx.msk [tilespmem:v52+s4+$0x0], $0xffff;
	v52 =	vadd.s32 $0x3A98, v26;
	[tilespmem:v54+s24+$0x0] =	vst.idx.msk $0xffff, v30  }
0x8d: {  	v41 =	vor.u32 s12, v7;
	v50 =	vadd.s32 $0x1770, v24;
	v51 =	vor.u32 s13, v6;
	v49 =	vld.idx.msk [tilespmem:v55+s4+$0x0], $0xffff;
	[tilespmem:v57+s24+$0x0] =	vst.idx.msk $0xffff, v39  }
0x8e: {  	v42 =	vadd.s32 $0x1B58, v22;
	v44 =	vadd.s32 $0x1770, v21;
	v36 =	vor.u32 s2, v13;
	[tilespmem:v28+s24+$0x0] =	vst.idx.msk $0xffff, v31;
	v40 =	vld.idx.msk [tilespmem:v59+s4+$0x0], $0xffff  }
0x8f: {  	v45 =	vor.u32 s9, v7;
	v35 =	vadd.s32 $0x32C8, v27;
	v39 =	vor.u32 s0, v16;
	v38 =	vld.idx.msk [tilespmem:v58+s4+$0x0], $0xffff;
	[tilespmem:v61+s24+$0x0] =	vst.idx.msk $0xffff, v29  }
0x90: {  	v46 =	vadd.s32 $0x1770, v23;
	v25 =	vor.u32 s16, v16;
	v34 =	vor.u32 s2, v14;
	v37 =	vld.idx.msk [tilespmem:v47+s4+$0x0], $0xffff;
	[tilespmem:v63+s24+$0x0] =	vst.idx.msk $0xffff, v60  }
0x91: {  	v33 =	vadd.s32 $0x36B0, v27;
	v31 =	vadd.s32 $0x3A98, v27;
	v29 =	vor.u32 s5, v15;
	[tilespmem:v48+s24+$0x0] =	vst.idx.msk $0xffff, v62;
	v27 =	vld.idx.msk [tilespmem:v52+s4+$0x0], $0xffff  }
0x92: {  	s16 =	simm.s32 $0x4;
	v26 =	vor.u32 s11, v16;
	v30 =	vor.u32 s2, v15;
	v28 =	vadd.s32 $0x1B58, v24;
	v43 =	vld.idx.msk [tilespmem:v50+s4+$0x0], $0xffff;
	[tilespmem:v51+s24+$0x0] =	vst.idx.msk $0xffff, v49  }
.LBB2_2:
0x93: {  	s16 =	sadd.s32 $0x4, s16;
	v44 =	vld.idx.msk [tilespmem:v44+s4+$0x0], $0xffff;
	[tilespmem:v36+s24+$0x0] =	vst.idx.msk $0xffff, v32  }
0x94: {  	v32 =	vor.u32 s11, v7;
	s14 =	sadd.s32 $0x40, s14;
	v36 =	vadd.s32 $0x3A98, v20;
	v20 =	vmov v23;
	p0 =	slt.u32 s16, $0x3C;
	v35 =	vld.idx.msk [tilespmem:v35+s4+$0x0], $0xffff;
	[tilespmem:v39+s24+$0x0] =	vst.idx.msk $0xffff, v38  }
0x95: {  	v38 =	vadd.s32 $0x1B58, v21;
	v23 =	vld [tilespmem:s14+$0x0];
	[tilespmem:v41+s24+$0x0] =	vst.idx.msk $0xffff, v40  }
0x96: {  	v40 =	vor.u32 s2, v16;
	s2 =	smov.u32 s12;
	v39 =	vld.idx.msk [tilespmem:v42+s4+$0x0], $0xffff;
	[tilespmem:v29+s24+$0x0] =	vst.idx.msk $0xffff, v37  }
0x97: {  	v29 =	vor.u32 s2, v8;
	v37 =	vld.idx.msk [tilespmem:v46+s4+$0x0], $0xffff;
	[tilespmem:v45+s24+$0x0] =	vst.idx.msk $0xffff, v43  }
0x98: {  	v41 =	vadd.s32 $0x1F40, v22;
	v42 =	vor.u32 s13, v7;
	v28 =	vld.idx.msk [tilespmem:v28+s4+$0x0], $0xffff;
	[tilespmem:v25+s24+$0x0] =	vst.idx.msk $0xffff, v27;
	v25 =	vmov v26  }
0x99: {  	v26 =	vadd.s32 $0x1B58, v20;
	[tilespmem:v32+s24+$0x0] =	vst.idx.msk $0xffff, v44;
	v32 =	vor.u32 s9, v8;
	v36 =	vld.idx.msk [tilespmem:v36+s4+$0x0], $0xffff  }
0x9a: {  	v43 =	vadd.s32 $0x1F40, v24;
	v38 =	vld.idx.msk [tilespmem:v38+s4+$0x0], $0xffff;
	[tilespmem:v34+s24+$0x0] =	vst.idx.msk $0xffff, v35;
	v34 =	vor.u32 s5, v16;
	s5 =	smov.u32 s13  }
0x9b: {  	v35 =	vor.u32 s11, v8;
	v33 =	vld.idx.msk [tilespmem:v33+s4+$0x0], $0xffff  }
0x9c: {  	v27 =	vld [tilespmem:s14+$0xFFFFFFF0];
	[tilespmem:v29+s24+$0x0] =	vst.idx.msk $0xffff, v39  }
0x9d: {  	v39 =	vld.idx.msk [tilespmem:v41+s4+$0x0], $0xffff;
	[tilespmem:v42+s24+$0x0] =	vst.idx.msk $0xffff, v37  }
0x9e: {  	v37 =	vor.u32 s2, v9;
	v41 =	vadd.s32 $0x1F40, v21;
	v26 =	vld.idx.msk [tilespmem:v26+s4+$0x0], $0xffff;
	[tilespmem:v32+s24+$0x0] =	vst.idx.msk $0xffff, v28  }
0x9f: {  	v42 =	vor.u32 s5, v8;
	v28 =	vadd.s32 $0x2328, v22;
	v43 =	vld.idx.msk [tilespmem:v43+s4+$0x0], $0xffff;
	[tilespmem:v34+s24+$0x0] =	vst.idx.msk $0xffff, v36  }
0xa0: {  	v34 =	vadd.s32 $0x1F40, v20;
	v32 =	vld [tilespmem:s14+$0x10];
	[tilespmem:v35+s24+$0x0] =	vst.idx.msk $0xffff, v38;
	v35 =	vor.u32 s9, v9  }
0xa1: {  	v36 =	vadd.s32 $0x2328, v24;
	v29 =	vld [tilespmem:s14+$0xFFFFFFE0];
	[tilespmem:v30+s24+$0x0] =	vst.idx.msk $0xffff, v33  }
0xa2: {  	v30 =	vld.idx.msk [tilespmem:v31+s4+$0x0], $0xffff  }
0xa3: {  	s10 =	sadd.s32 $0x40, s10;
	[tilespmem:v37+s24+$0x0] =	vst.idx.msk $0xffff, v39;
	v31 =	vld.idx.msk [tilespmem:v41+s4+$0x0], $0xffff  }
0xa4: {  	s15 =	sadd.s32 $0x200, s15;
	s0 =	sadd.s32 $0xFFFFFFE0, s10;
	v37 =	vor.u32 s11, v9;
	v33 =	vld.idx.msk [tilespmem:v28+s4+$0x0], $0xffff;
	[tilespmem:v42+s24+$0x0] =	vst.idx.msk $0xffff, v26  }
0xa5: {  	s0 =	sand.u32 $0x50, s0;
	s13 =	sand.u32 $0x1C00, s15;
	v38 =	vor.u32 s2, v10;
	v39 =	vadd.s32 $0x2328, v21;
	v28 =	vadd.s32 $0x1B58, v32;
	v34 =	vld.idx.msk [tilespmem:v34+s4+$0x0], $0xffff;
	[tilespmem:v35+s24+$0x0] =	vst.idx.msk $0xffff, v43  }
0xa6: {  	s12 =	sadd.s32 $0xFFFFFFD0, s10;
	s19 =	sor.u32 s13, s0;
	s0 =	sand.u32 $0x70, s10;
	v35 =	vor.u32 s5, v9;
	v36 =	vld.idx.msk [tilespmem:v36+s4+$0x0], $0xffff  }
0xa7: {  	s12 =	sand.u32 $0x40, s12;
	s0 =	sor.u32 s13, s0;
	v26 =	vor.u32 s19, v0;
	v42 =	vadd.s32 $0x2328, v20;
	v43 =	vor.u32 s9, v10;
	v41 =	vld.idx.msk [tilespmem:v27+s4+$0x0], $0xffff  }
0xa8: {  	s20 =	sadd.s32 $0xFFFFFFF0, s10;
	v46 =	vadd.s32 $0x2710, v24;
	s12 =	sor.u32 s12, s13;
	v44 =	vand.u32 v17, v26;
	v26 =	vor.u32 s0, v0;
	v45 =	vld.idx.msk [tilespmem:v32+s4+$0x0], $0xffff;
	[tilespmem:v40+s24+$0x0] =	vst.idx.msk $0xffff, v30  }
0xa9: {  	v48 =	vadd.s32 $0x2710, v22;
	s20 =	sand.u32 $0x60, s20;
	v47 =	vand.u32 v19, v26;
	v30 =	vor.u32 s12, v0;
	v40 =	vld.idx.msk [tilespmem:v29+s4+$0x0], $0xffff;
	[tilespmem:v37+s24+$0x0] =	vst.idx.msk $0xffff, v31  }
0xaa: {  	s13 =	sor.u32 s13, s20;
	v26 =	vor.u32 s19, v16;
	v30 =	vand.u32 v1, v30;
	v31 =	vadd.s32 $0x3E8, v27;
	[tilespmem:v38+s24+$0x0] =	vst.idx.msk $0xffff, v33;
	v33 =	vld.idx.msk [tilespmem:v39+s4+$0x0], $0xffff  }
0xab: {  	v49 =	vor.u32 s11, v10;
	v37 =	vadd.s32 $0x3E8, v29;
	v38 =	vor.u32 s13, v0;
	v39 =	vld.idx.msk [tilespmem:v23+s4+$0x0], $0xffff;
	[tilespmem:v35+s24+$0x0] =	vst.idx.msk $0xffff, v34  }
0xac: {  	v34 =	vand.u32 v18, v38;
	v35 =	vadd.s32 $0x3E8, v32;
	v38 =	vadd.s32 $0x2710, v21;
	v42 =	vld.idx.msk [tilespmem:v42+s4+$0x0], $0xffff;
	[tilespmem:v43+s24+$0x0] =	vst.idx.msk $0xffff, v36  }
0xad: {  	v36 =	vadd.s32 $0x3E8, v23;
	[tilespmem:v44+s24+$0x0] =	vst.idx.msk $0xffff, v41;
	v41 =	vor.u32 s5, v10;
	v43 =	vld.idx.msk [tilespmem:v46+s4+$0x0], $0xffff  }
0xae: {  	v46 =	vor.u32 s9, v11;
	[tilespmem:v47+s24+$0x0] =	vst.idx.msk $0xffff, v45;
	v44 =	vld.idx.msk [tilespmem:v48+s4+$0x0], $0xffff;
	v45 =	vadd.s32 $0x2710, v20  }
0xaf: {  	[tilespmem:v30+s24+$0x0] =	vst.idx.msk $0xffff, v40;
	v30 =	vld.idx.msk [tilespmem:v31+s4+$0x0], $0xffff;
	v31 =	vor.u32 s2, v11  }
0xb0: {  	v40 =	vor.u32 s19, v2;
	v37 =	vld.idx.msk [tilespmem:v37+s4+$0x0], $0xffff;
	[tilespmem:v49+s24+$0x0] =	vst.idx.msk $0xffff, v33;
	v33 =	vadd.s32 $0x2AF8, v24  }
0xb1: {  	v47 =	vor.u32 s12, v2;
	[tilespmem:v34+s24+$0x0] =	vst.idx.msk $0xffff, v39;
	v34 =	vadd.s32 $0x2AF8, v22;
	v38 =	vld.idx.msk [tilespmem:v38+s4+$0x0], $0xffff  }
0xb2: {  	v48 =	vor.u32 s11, v11;
	v39 =	vadd.s32 $0x7D0, v29;
	v35 =	vld.idx.msk [tilespmem:v35+s4+$0x0], $0xffff;
	[tilespmem:v41+s24+$0x0] =	vst.idx.msk $0xffff, v42  }
0xb3: {  	v41 =	vor.u32 s0, v2;
	v42 =	vadd.s32 $0x2AF8, v21;
	v45 =	vld.idx.msk [tilespmem:v45+s4+$0x0], $0xffff;
	[tilespmem:v46+s24+$0x0] =	vst.idx.msk $0xffff, v43  }
0xb4: {  	v43 =	vadd.s32 $0x7D0, v32;
	v36 =	vld.idx.msk [tilespmem:v36+s4+$0x0], $0xffff;
	[tilespmem:v31+s24+$0x0] =	vst.idx.msk $0xffff, v44;
	v31 =	vor.u32 s5, v11  }
0xb5: {  	[tilespmem:v40+s24+$0x0] =	vst.idx.msk $0xffff, v30;
	v30 =	vadd.s32 $0x7D0, v27;
	v40 =	vor.u32 s13, v2;
	v33 =	vld.idx.msk [tilespmem:v33+s4+$0x0], $0xffff  }
0xb6: {  	v46 =	vor.u32 s9, v12;
	v44 =	vadd.s32 $0x2AF8, v20;
	[tilespmem:v47+s24+$0x0] =	vst.idx.msk $0xffff, v37;
	v37 =	vadd.s32 $0x7D0, v23;
	v34 =	vld.idx.msk [tilespmem:v34+s4+$0x0], $0xffff  }
0xb7: {  	v47 =	vor.u32 s2, v12;
	v39 =	vld.idx.msk [tilespmem:v39+s4+$0x0], $0xffff;
	[tilespmem:v48+s24+$0x0] =	vst.idx.msk $0xffff, v38  }
0xb8: {  	v38 =	vor.u32 s12, v3;
	[tilespmem:v41+s24+$0x0] =	vst.idx.msk $0xffff, v35;
	v35 =	vld.idx.msk [tilespmem:v42+s4+$0x0], $0xffff;
	v41 =	vadd.s32 $0x2EE0, v24  }
0xb9: {  	v48 =	vor.u32 s11, v12;
	v42 =	vadd.s32 $0xBB8, v29;
	v43 =	vld.idx.msk [tilespmem:v43+s4+$0x0], $0xffff;
	[tilespmem:v31+s24+$0x0] =	vst.idx.msk $0xffff, v45  }
0xba: {  	v31 =	vor.u32 s0, v3;
	v30 =	vld.idx.msk [tilespmem:v30+s4+$0x0], $0xffff;
	[tilespmem:v40+s24+$0x0] =	vst.idx.msk $0xffff, v36;
	v36 =	vadd.s32 $0x2EE0, v21  }
0xbb: {  	v45 =	vadd.s32 $0xBB8, v32;
	v40 =	vor.u32 s19, v3;
	v37 =	vld.idx.msk [tilespmem:v37+s4+$0x0], $0xffff;
	[tilespmem:v46+s24+$0x0] =	vst.idx.msk $0xffff, v33  }
0xbc: {  	v33 =	vadd.s32 $0xBB8, v27;
	v46 =	vor.u32 s13, v3;
	[tilespmem:v47+s24+$0x0] =	vst.idx.msk $0xffff, v34;
	v34 =	vld.idx.msk [tilespmem:v44+s4+$0x0], $0xffff;
	v44 =	vor.u32 s5, v12  }
0xbd: {  	[tilespmem:v38+s24+$0x0] =	vst.idx.msk $0xffff, v39;
	v38 =	vadd.s32 $0xBB8, v23;
	v39 =	vld.idx.msk [tilespmem:v41+s4+$0x0], $0xffff  }
0xbe: {  	v41 =	vld.idx.msk [tilespmem:v42+s4+$0x0], $0xffff;
	[tilespmem:v48+s24+$0x0] =	vst.idx.msk $0xffff, v35;
	v35 =	vadd.s32 $0x2EE0, v20;
	v42 =	vor.u32 s9, v13  }
0xbf: {  	v47 =	vor.u32 s12, v4;
	[tilespmem:v31+s24+$0x0] =	vst.idx.msk $0xffff, v43;
	v31 =	vld.idx.msk [tilespmem:v36+s4+$0x0], $0xffff;
	v36 =	vadd.s32 $0x32C8, v24  }
0xc0: {  	v43 =	vadd.s32 $0xFA0, v29;
	[tilespmem:v40+s24+$0x0] =	vst.idx.msk $0xffff, v30;
	v30 =	vld.idx.msk [tilespmem:v45+s4+$0x0], $0xffff;
	v40 =	vor.u32 s11, v13  }
0xc1: {  	v45 =	vadd.s32 $0x32C8, v21;
	v33 =	vld.idx.msk [tilespmem:v33+s4+$0x0], $0xffff;
	[tilespmem:v46+s24+$0x0] =	vst.idx.msk $0xffff, v37;
	v37 =	vor.u32 s0, v4  }
0xc2: {  	v48 =	vadd.s32 $0xFA0, v32;
	v46 =	vor.u32 s19, v4;
	v38 =	vld.idx.msk [tilespmem:v38+s4+$0x0], $0xffff;
	[tilespmem:v44+s24+$0x0] =	vst.idx.msk $0xffff, v34  }
0xc3: {  	v50 =	vor.u32 s5, v13;
	v34 =	vadd.s32 $0xFA0, v27;
	v44 =	vor.u32 s13, v4;
	v49 =	vld.idx.msk [tilespmem:v35+s4+$0x0], $0xffff;
	[tilespmem:v42+s24+$0x0] =	vst.idx.msk $0xffff, v39  }
0xc4: {  	v39 =	vadd.s32 $0xFA0, v23;
	[tilespmem:v47+s24+$0x0] =	vst.idx.msk $0xffff, v41;
	v41 =	vld.idx.msk [tilespmem:v36+s4+$0x0], $0xffff  }
0xc5: {  	v36 =	vor.u32 s2, v13;
	v42 =	vld.idx.msk [tilespmem:v43+s4+$0x0], $0xffff;
	[tilespmem:v40+s24+$0x0] =	vst.idx.msk $0xffff, v31;
	v31 =	vadd.s32 $0x32C8, v20;
	v40 =	vor.u32 s9, v14  }
0xc6: {  	v35 =	vadd.s32 $0x32C8, v22;
	v43 =	vor.u32 s12, v5;
	[tilespmem:v37+s24+$0x0] =	vst.idx.msk $0xffff, v30;
	v30 =	vld.idx.msk [tilespmem:v45+s4+$0x0], $0xffff;
	v37 =	vadd.s32 $0x36B0, v24  }
0xc7: {  	v45 =	vadd.s32 $0x1388, v29;
	[tilespmem:v46+s24+$0x0] =	vst.idx.msk $0xffff, v33;
	v33 =	vld.idx.msk [tilespmem:v48+s4+$0x0], $0xffff;
	v46 =	vor.u32 s11, v14  }
0xc8: {  	v47 =	vld.idx.msk [tilespmem:v34+s4+$0x0], $0xffff;
	[tilespmem:v44+s24+$0x0] =	vst.idx.msk $0xffff, v38;
	v38 =	vor.u32 s0, v5;
	v44 =	vadd.s32 $0x36B0, v21  }
0xc9: {  	v51 =	vadd.s32 $0x1388, v32;
	v48 =	vor.u32 s19, v5;
	v39 =	vld.idx.msk [tilespmem:v39+s4+$0x0], $0xffff;
	[tilespmem:v50+s24+$0x0] =	vst.idx.msk $0xffff, v49  }
0xca: {  	v52 =	vor.u32 s5, v14;
	v49 =	vadd.s32 $0x1388, v27;
	v50 =	vor.u32 s13, v5;
	v31 =	vld.idx.msk [tilespmem:v31+s4+$0x0], $0xffff;
	[tilespmem:v40+s24+$0x0] =	vst.idx.msk $0xffff, v41  }
0xcb: {  	v40 =	vadd.s32 $0x1388, v23;
	v41 =	vadd.s32 $0x2EE0, v22;
	[tilespmem:v43+s24+$0x0] =	vst.idx.msk $0xffff, v42;
	v37 =	vld.idx.msk [tilespmem:v37+s4+$0x0], $0xffff  }
0xcc: {  	v34 =	vor.u32 s2, v14;
	v42 =	vld.idx.msk [tilespmem:v45+s4+$0x0], $0xffff;
	[tilespmem:v46+s24+$0x0] =	vst.idx.msk $0xffff, v30;
	v30 =	vor.u32 s9, v15  }
0xcd: {  	v43 =	vor.u32 s12, v6;
	[tilespmem:v38+s24+$0x0] =	vst.idx.msk $0xffff, v33;
	v33 =	vadd.s32 $0x36B0, v22;
	v45 =	vld.idx.msk [tilespmem:v44+s4+$0x0], $0xffff;
	v38 =	vadd.s32 $0x3A98, v24;
	v24 =	vmovc v32  }
0xce: {  	v46 =	vadd.s32 $0x1770, v29;
	[tilespmem:v48+s24+$0x0] =	vst.idx.msk $0xffff, v47;
	v47 =	vld.idx.msk [tilespmem:v51+s4+$0x0], $0xffff;
	v48 =	vor.u32 s11, v15;
	s11 =	smov.u32 s19  }
0xcf: {  	v51 =	vadd.s32 $0x36B0, v20;
	v49 =	vld.idx.msk [tilespmem:v49+s4+$0x0], $0xffff;
	[tilespmem:v50+s24+$0x0] =	vst.idx.msk $0xffff, v39;
	v50 =	vor.u32 s0, v6  }
0xd0: {  	v55 =	vadd.s32 $0x1770, v24;
	v53 =	vor.u32 s11, v6;
	v54 =	vld.idx.msk [tilespmem:v40+s4+$0x0], $0xffff;
	[tilespmem:v52+s24+$0x0] =	vst.idx.msk $0xffff, v31  }
0xd1: {  	v56 =	vadd.s32 $0x3A98, v21;
	v21 =	vmov v27;
	v52 =	vor.u32 s13, v6;
	v32 =	vld.idx.msk [tilespmem:v41+s4+$0x0], $0xffff;
	[tilespmem:v30+s24+$0x0] =	vst.idx.msk $0xffff, v37  }
.Ltmp0:
0xd2: {  	v44 =	vadd.s32 $0x1770, v21;
	[tilespmem:v43+s24+$0x0] =	vst.idx.msk $0xffff, v42;
	v38 =	vld.idx.msk [tilespmem:v38+s4+$0x0], $0xffff;
	(pc) =	sbr.rel @p0 .LBB2_2-.Ltmp0, $4  }
0xd3: {  	v39 =	vor.u32 s9, v16;
	s9 =	smov.u32 s0;
	v30 =	vor.u32 s2, v15;
	v40 =	vld.idx.msk [tilespmem:v46+s4+$0x0], $0xffff;
	[tilespmem:v48+s24+$0x0] =	vst.idx.msk $0xffff, v45  }
0xd4: {  	v31 =	vadd.s32 $0x3A98, v22;
	v22 =	vmov v29;
	v41 =	vor.u32 s12, v7;
	[tilespmem:v50+s24+$0x0] =	vst.idx.msk $0xffff, v47;
	v37 =	vld.idx.msk [tilespmem:v51+s4+$0x0], $0xffff  }
0xd5: {  	v29 =	vor.u32 s5, v15;
	v42 =	vadd.s32 $0x1B58, v22;
	[tilespmem:v53+s24+$0x0] =	vst.idx.msk $0xffff, v49;
	v43 =	vld.idx.msk [tilespmem:v55+s4+$0x0], $0xffff  }
0xd6: {  	v46 =	vadd.s32 $0x1770, v23;
	v45 =	vor.u32 s9, v7;
	[tilespmem:v52+s24+$0x0] =	vst.idx.msk $0xffff, v54;
	v27 =	vld.idx.msk [tilespmem:v56+s4+$0x0], $0xffff  }
0xd7: {  	_ =	sdelay $0x3  }
0xd8: {  	v44 =	vld.idx.msk [tilespmem:v44+s4+$0x0], $0xffff;
	v47 =	vor.u32 s11, v7  }
0xd9: {  	v48 =	vadd.s32 $0x1B58, v21;
	v46 =	vld.idx.msk [tilespmem:v46+s4+$0x0], $0xffff;
	v49 =	vor.u32 s13, v7  }
0xda: {  	v50 =	vadd.s32 $0x1B58, v23;
	_ =	sdelay $0x1  }
0xdb: {  	[tilespmem:v45+s24+$0x0] =	vst.idx.msk $0xffff, v43  }
0xdc: {  	v57 =	vor.u32 s9, v8;
	v28 =	vld.idx.msk [tilespmem:v28+s4+$0x0], $0xffff;
	[tilespmem:v47+s24+$0x0] =	vst.idx.msk $0xffff, v44  }
0xdd: {  	v58 =	vadd.s32 $0x1F40, v24;
	v59 =	vor.u32 s11, v8;
	[tilespmem:v49+s24+$0x0] =	vst.idx.msk $0xffff, v46;
	v44 =	vld.idx.msk [tilespmem:v48+s4+$0x0], $0xffff  }
0xde: {  	v60 =	vadd.s32 $0x1F40, v21;
	v62 =	vor.u32 s13, v8;
	[tilespmem:v41+s24+$0x0] =	vst.idx.msk $0xffff, v40;
	v61 =	vld.idx.msk [tilespmem:v50+s4+$0x0], $0xffff  }
0xdf: {  	v63 =	vor.u32 s12, v8;
	v52 =	vadd.s32 $0x1F40, v23;
	v42 =	vld.idx.msk [tilespmem:v42+s4+$0x0], $0xffff  }
0xe0: {  	v53 =	vadd.s32 $0x1F40, v22  }
0xe1: {  	[tilespmem:v57+s24+$0x0] =	vst.idx.msk $0xffff, v28  }
0xe2: {  	v54 =	vor.u32 s9, v9;
	v28 =	vld.idx.msk [tilespmem:v58+s4+$0x0], $0xffff;
	[tilespmem:v59+s24+$0x0] =	vst.idx.msk $0xffff, v44  }
0xe3: {  	v55 =	vadd.s32 $0x2328, v24;
	v56 =	vor.u32 s11, v9;
	[tilespmem:v62+s24+$0x0] =	vst.idx.msk $0xffff, v61;
	v40 =	vld.idx.msk [tilespmem:v60+s4+$0x0], $0xffff  }
0xe4: {  	[tilespmem:v63+s24+$0x0] =	vst.idx.msk $0xffff, v42;
	v57 =	vadd.s32 $0x2328, v21;
	v59 =	vor.u32 s13, v9;
	v58 =	vld.idx.msk [tilespmem:v52+s4+$0x0], $0xffff  }
0xe5: {  	v61 =	vor.u32 s12, v9;
	v62 =	vadd.s32 $0x2328, v23;
	v60 =	vld.idx.msk [tilespmem:v53+s4+$0x0], $0xffff  }
0xe6: {  	v63 =	vadd.s32 $0x2328, v22  }
0xe7: {  	[tilespmem:v54+s24+$0x0] =	vst.idx.msk $0xffff, v28  }
0xe8: {  	v52 =	vor.u32 s9, v10;
	v28 =	vld.idx.msk [tilespmem:v55+s4+$0x0], $0xffff;
	[tilespmem:v56+s24+$0x0] =	vst.idx.msk $0xffff, v40  }
0xe9: {  	v53 =	vadd.s32 $0x2710, v24;
	v54 =	vor.u32 s11, v10;
	[tilespmem:v59+s24+$0x0] =	vst.idx.msk $0xffff, v58;
	v41 =	vld.idx.msk [tilespmem:v57+s4+$0x0], $0xffff  }
0xea: {  	v55 =	vadd.s32 $0x2710, v21;
	[tilespmem:v61+s24+$0x0] =	vst.idx.msk $0xffff, v60;
	v56 =	vld.idx.msk [tilespmem:v62+s4+$0x0], $0xffff;
	v57 =	vor.u32 s13, v10  }
0xeb: {  	v58 =	vor.u32 s12, v10;
	v59 =	vadd.s32 $0x2710, v23;
	v47 =	vld.idx.msk [tilespmem:v63+s4+$0x0], $0xffff  }
0xec: {  	v60 =	vadd.s32 $0x2710, v22  }
0xed: {  	[tilespmem:v52+s24+$0x0] =	vst.idx.msk $0xffff, v28  }
0xee: {  	v61 =	vor.u32 s9, v11;
	v28 =	vld.idx.msk [tilespmem:v53+s4+$0x0], $0xffff;
	[tilespmem:v54+s24+$0x0] =	vst.idx.msk $0xffff, v41  }
0xef: {  	v62 =	vadd.s32 $0x2AF8, v24;
	v63 =	vor.u32 s11, v11;
	[tilespmem:v57+s24+$0x0] =	vst.idx.msk $0xffff, v56;
	v42 =	vld.idx.msk [tilespmem:v55+s4+$0x0], $0xffff  }
0xf0: {  	v52 =	vadd.s32 $0x2AF8, v21;
	v53 =	vor.u32 s13, v11;
	[tilespmem:v58+s24+$0x0] =	vst.idx.msk $0xffff, v47;
	v45 =	vld.idx.msk [tilespmem:v59+s4+$0x0], $0xffff  }
0xf1: {  	v54 =	vor.u32 s12, v11;
	v47 =	vld.idx.msk [tilespmem:v60+s4+$0x0], $0xffff;
	v55 =	vadd.s32 $0x2AF8, v23  }
0xf2: {  	v56 =	vadd.s32 $0x2AF8, v22  }
0xf3: {  	[tilespmem:v61+s24+$0x0] =	vst.idx.msk $0xffff, v28  }
0xf4: {  	v57 =	vor.u32 s9, v12;
	v28 =	vld.idx.msk [tilespmem:v62+s4+$0x0], $0xffff;
	[tilespmem:v63+s24+$0x0] =	vst.idx.msk $0xffff, v42  }
0xf5: {  	v59 =	vadd.s32 $0x2EE0, v24;
	v60 =	vor.u32 s11, v12;
	[tilespmem:v53+s24+$0x0] =	vst.idx.msk $0xffff, v45;
	v58 =	vld.idx.msk [tilespmem:v52+s4+$0x0], $0xffff  }
0xf6: {  	v61 =	vadd.s32 $0x2EE0, v21;
	v62 =	vor.u32 s13, v12;
	[tilespmem:v54+s24+$0x0] =	vst.idx.msk $0xffff, v47;
	v45 =	vld.idx.msk [tilespmem:v55+s4+$0x0], $0xffff  }
0xf7: {  	v63 =	vor.u32 s12, v12;
	v47 =	vld.idx.msk [tilespmem:v56+s4+$0x0], $0xffff;
	v52 =	vadd.s32 $0x2EE0, v23  }
0xf8: {  	v53 =	vadd.s32 $0x2EE0, v22  }
0xf9: {  	[tilespmem:v57+s24+$0x0] =	vst.idx.msk $0xffff, v28  }
0xfa: {  	v54 =	vor.u32 s9, v13;
	v28 =	vld.idx.msk [tilespmem:v59+s4+$0x0], $0xffff;
	[tilespmem:v60+s24+$0x0] =	vst.idx.msk $0xffff, v58  }
0xfb: {  	v55 =	vadd.s32 $0x32C8, v24;
	v56 =	vor.u32 s11, v13;
	[tilespmem:v62+s24+$0x0] =	vst.idx.msk $0xffff, v45;
	v41 =	vld.idx.msk [tilespmem:v61+s4+$0x0], $0xffff  }
0xfc: {  	v57 =	vadd.s32 $0x32C8, v21;
	[tilespmem:v63+s24+$0x0] =	vst.idx.msk $0xffff, v47;
	v58 =	vor.u32 s13, v13;
	v45 =	vld.idx.msk [tilespmem:v52+s4+$0x0], $0xffff  }
0xfd: {  	[tilespmem:v36+s24+$0x0] =	vst.idx.msk $0xffff, v32;
	v59 =	vor.u32 s12, v13;
	v60 =	vadd.s32 $0x32C8, v23;
	v47 =	vld.idx.msk [tilespmem:v53+s4+$0x0], $0xffff  }
0xfe: {  	[tilespmem:v39+s24+$0x0] =	vst.idx.msk $0xffff, v38;
	v61 =	vadd.s32 $0x32C8, v22  }
0xff: {  	v35 =	vld.idx.msk [tilespmem:v35+s4+$0x0], $0xffff;
	[tilespmem:v54+s24+$0x0] =	vst.idx.msk $0xffff, v28  }
0x100: {  	v62 =	vor.u32 s9, v14;
	v28 =	vld.idx.msk [tilespmem:v55+s4+$0x0], $0xffff;
	[tilespmem:v56+s24+$0x0] =	vst.idx.msk $0xffff, v41  }
0x101: {  	v49 =	vor.u32 s11, v14;
	v48 =	vadd.s32 $0x36B0, v24;
	[tilespmem:v58+s24+$0x0] =	vst.idx.msk $0xffff, v45;
	v63 =	vld.idx.msk [tilespmem:v57+s4+$0x0], $0xffff  }
0x102: {  	v51 =	vor.u32 s13, v14;
	v50 =	vadd.s32 $0x36B0, v21;
	[tilespmem:v59+s24+$0x0] =	vst.idx.msk $0xffff, v47;
	v36 =	vld.idx.msk [tilespmem:v60+s4+$0x0], $0xffff  }
0x103: {  	[tilespmem:v29+s24+$0x0] =	vst.idx.msk $0xffff, v37;
	v29 =	vor.u32 s12, v14;
	v52 =	vadd.s32 $0x36B0, v23;
	v53 =	vld.idx.msk [tilespmem:v61+s4+$0x0], $0xffff  }
0x104: {  	[tilespmem:v34+s24+$0x0] =	vst.idx.msk $0xffff, v35;
	v54 =	vadd.s32 $0x36B0, v22  }
0x105: {  	v20 =	vadd.s32 $0x3A98, v20;
	v33 =	vld.idx.msk [tilespmem:v33+s4+$0x0], $0xffff;
	[tilespmem:v62+s24+$0x0] =	vst.idx.msk $0xffff, v28  }
0x106: {  	v55 =	vor.u32 s9, v15;
	v28 =	vld.idx.msk [tilespmem:v48+s4+$0x0], $0xffff;
	[tilespmem:v49+s24+$0x0] =	vst.idx.msk $0xffff, v63  }
0x107: {  	v24 =	vadd.s32 $0x3A98, v24;
	v57 =	vor.u32 s11, v15;
	[tilespmem:v51+s24+$0x0] =	vst.idx.msk $0xffff, v36;
	v56 =	vld.idx.msk [tilespmem:v50+s4+$0x0], $0xffff  }
0x108: {  	v21 =	vadd.s32 $0x3A98, v21;
	v58 =	vor.u32 s13, v15;
	[tilespmem:v29+s24+$0x0] =	vst.idx.msk $0xffff, v53;
	v32 =	vld.idx.msk [tilespmem:v52+s4+$0x0], $0xffff  }
0x109: {  	[tilespmem:v25+s24+$0x0] =	vst.idx.msk $0xffff, v27;
	v25 =	vor.u32 s12, v15;
	v23 =	vadd.s32 $0x3A98, v23;
	v27 =	vld.idx.msk [tilespmem:v54+s4+$0x0], $0xffff  }
0x10a: {  	v20 =	vld.idx.msk [tilespmem:v20+s4+$0x0], $0xffff;
	[tilespmem:v30+s24+$0x0] =	vst.idx.msk $0xffff, v33;
	v22 =	vadd.s32 $0x3A98, v22;
	v29 =	vor.u32 s5, v16  }
0x10b: {  	v30 =	vor.u32 s2, v16;
	v31 =	vld.idx.msk [tilespmem:v31+s4+$0x0], $0xffff;
	[tilespmem:v55+s24+$0x0] =	vst.idx.msk $0xffff, v28  }
0x10c: {  	v28 =	vor.u32 s9, v16;
	v24 =	vld.idx.msk [tilespmem:v24+s4+$0x0], $0xffff;
	[tilespmem:v57+s24+$0x0] =	vst.idx.msk $0xffff, v56  }
0x10d: {  	[tilespmem:v58+s24+$0x0] =	vst.idx.msk $0xffff, v32;
	v21 =	vld.idx.msk [tilespmem:v21+s4+$0x0], $0xffff  }
0x10e: {  	v59 =	vor.u32 s13, v16;
	[tilespmem:v25+s24+$0x0] =	vst.idx.msk $0xffff, v27;
	v23 =	vld.idx.msk [tilespmem:v23+s4+$0x0], $0xffff  }
0x10f: {  	[tilespmem:v29+s24+$0x0] =	vst.idx.msk $0xffff, v20;
	v20 =	vor.u32 s12, v16;
	v22 =	vld.idx.msk [tilespmem:v22+s4+$0x0], $0xffff  }
0x110: {  	[tilespmem:v30+s24+$0x0] =	vst.idx.msk $0xffff, v31  }
0x111: {  	[tilespmem:v28+s24+$0x0] =	vst.idx.msk $0xffff, v24  }
0x112: {  	[tilespmem:v26+s24+$0x0] =	vst.idx.msk $0xffff, v21  }
0x113: {  	[tilespmem:v59+s24+$0x0] =	vst.idx.msk $0xffff, v23  }
0x114: {  	[tilespmem:v20+s24+$0x0] =	vst.idx.msk $0xffff, v22  }
0x115: {  	s0 =	simm.s32 $0x0;
	s21 =	rddreg [dreg:$0x6]  }
0x116: {  	[hbm4b:s21+s0] =	stream.linear.scatter [tilespmem:s24], [sflag:$0x3], $0x2000, $0x38;
	[tilespmem:$0xC680] =	vst v63  }
0x117: {  	s29 =	simm.s32 $0x6680;
	s25 =	rddreg [dreg:$0x8]  }
0x118: {  	[hbm4b:s25+s0] =	stream.linear.scatter [tilespmem:s29], [sflag:$0x3], $0x2000, $0x38;
	[tilespmem:$0xC680] =	vst v63  }
0x119: {  	s10 =	simm.s32 $0x3E80;
	s9 =	rddreg [dreg:$0x9]  }
0x11a: {  	[tilespmem:s10], [sflag:$0x1] =	stream.linear.gather [hbm4b:s9+s0], $0x400, $0x38;
	[tilespmem:$0xC680] =	vst v63  }
0x11b: {  	_ =	swait.ge [sflag:s26], $0x400  }
0x11c: {  	[sflag:s26] =	ssyncset.done $0x0  }
0x11d: {  	s11 =	simm.s32 $0x42A0;
	[sflag:s26] =	ssyncadd.s32 $0xFFFFFC00  }
0x11e: {  	v27 =	vld [tilespmem:s11+$0xFFFFFFE0];
	_ =	sdelay $0x1  }
0x11f: {  	v25 =	vld [tilespmem:s11+$0x10];
	_ =	sdelay $0x1  }
0x120: {  	s12 =	simm.s32 $0x0;
	v26 =	vld [tilespmem:s11+$0xFFFFFFF0]  }
0x121: {  	s13 =	sand.u32 $0x1C00, s0;
	s14 =	sand.u32 $0x40, s12  }
0x122: {  	s2 =	sor.u32 s14, s13;
	s10 =	simm.s32 $0x30  }
0x123: {  	v21 =	vor.u32 s2, v0;
	s15 =	sand.u32 $0x70, s10;
	v20 =	vld [tilespmem:s11+$0x0]  }
0x124: {  	s16 =	simm.s32 $0x10;
	v21 =	vand.u32 v1, v21;
	s0 =	sor.u32 s13, s15;
	v22 =	vld.idx.msk [tilespmem:v27+s4+$0x0], $0xffff  }
0x125: {  	s5 =	sand.u32 $0x50, s16;
	v23 =	vor.u32 s0, v0;
	v24 =	vadd.s32 $0x3E8, v27  }
0x126: {  	s16 =	sor.u32 s13, s5;
	v23 =	vand.u32 v19, v23;
	v28 =	vld.idx.msk [tilespmem:v25+s4+$0x0], $0xffff  }
0x127: {  	s19 =	simm.s32 $0x20;
	v29 =	vor.u32 s16, v0;
	v30 =	vadd.s32 $0x3E8, v25  }
0x128: {  	s5 =	sand.u32 $0x60, s19;
	v29 =	vand.u32 v17, v29;
	v31 =	vld.idx.msk [tilespmem:v26+s4+$0x0], $0xffff  }
0x129: {  	s5 =	sor.u32 s13, s5;
	v60 =	vadd.s32 $0x3E8, v26;
	[tilespmem:v21+s28+$0x0] =	vst.idx.msk $0xffff, v22  }
0x12a: {  	v21 =	vor.u32 s5, v0;
	v22 =	vld.idx.msk [tilespmem:v24+s4+$0x0], $0xffff;
	v24 =	vor.u32 s2, v2  }
0x12b: {  	v61 =	vld.idx.msk [tilespmem:v20+s4+$0x0], $0xffff;
	[tilespmem:v23+s28+$0x0] =	vst.idx.msk $0xffff, v28;
	v23 =	vadd.s32 $0x7D0, v27;
	v21 =	vand.u32 v18, v21  }
0x12c: {  	v62 =	vor.u32 s0, v2;
	v28 =	vadd.s32 $0x3E8, v20;
	v30 =	vld.idx.msk [tilespmem:v30+s4+$0x0], $0xffff  }
0x12d: {  	[tilespmem:v29+s28+$0x0] =	vst.idx.msk $0xffff, v31;
	v29 =	vadd.s32 $0x7D0, v25  }
0x12e: {  	v63 =	vor.u32 s16, v2;
	v31 =	vld.idx.msk [tilespmem:v60+s4+$0x0], $0xffff  }
0x12f: {  	v36 =	vadd.s32 $0x7D0, v26;
	[tilespmem:v24+s28+$0x0] =	vst.idx.msk $0xffff, v22  }
0x130: {  	[tilespmem:v21+s28+$0x0] =	vst.idx.msk $0xffff, v61;
	v22 =	vor.u32 s2, v3;
	v21 =	vld.idx.msk [tilespmem:v23+s4+$0x0], $0xffff  }
0x131: {  	v24 =	vor.u32 s5, v2;
	[tilespmem:v62+s28+$0x0] =	vst.idx.msk $0xffff, v30;
	v23 =	vld.idx.msk [tilespmem:v28+s4+$0x0], $0xffff;
	v28 =	vadd.s32 $0xBB8, v27  }
0x132: {  	v37 =	vor.u32 s0, v3;
	v30 =	vadd.s32 $0x7D0, v20;
	v29 =	vld.idx.msk [tilespmem:v29+s4+$0x0], $0xffff  }
0x133: {  	[tilespmem:v63+s28+$0x0] =	vst.idx.msk $0xffff, v31;
	v31 =	vadd.s32 $0xBB8, v25  }
0x134: {  	v38 =	vor.u32 s16, v3;
	v32 =	vld.idx.msk [tilespmem:v36+s4+$0x0], $0xffff  }
0x135: {  	v39 =	vadd.s32 $0xBB8, v26;
	[tilespmem:v22+s28+$0x0] =	vst.idx.msk $0xffff, v21  }
0x136: {  	[tilespmem:v24+s28+$0x0] =	vst.idx.msk $0xffff, v23;
	v22 =	vor.u32 s2, v4;
	v21 =	vld.idx.msk [tilespmem:v28+s4+$0x0], $0xffff  }
0x137: {  	v24 =	vor.u32 s5, v3;
	[tilespmem:v37+s28+$0x0] =	vst.idx.msk $0xffff, v29;
	v23 =	vld.idx.msk [tilespmem:v30+s4+$0x0], $0xffff;
	v28 =	vadd.s32 $0xFA0, v27  }
0x138: {  	v29 =	vadd.s32 $0xBB8, v20;
	v30 =	vld.idx.msk [tilespmem:v31+s4+$0x0], $0xffff;
	v31 =	vor.u32 s0, v4  }
0x139: {  	v40 =	vadd.s32 $0xFA0, v25;
	[tilespmem:v38+s28+$0x0] =	vst.idx.msk $0xffff, v32  }
0x13a: {  	v42 =	vor.u32 s16, v4;
	v41 =	vld.idx.msk [tilespmem:v39+s4+$0x0], $0xffff  }
0x13b: {  	v43 =	vadd.s32 $0xFA0, v26;
	[tilespmem:v22+s28+$0x0] =	vst.idx.msk $0xffff, v21  }
0x13c: {  	[tilespmem:v24+s28+$0x0] =	vst.idx.msk $0xffff, v23;
	v22 =	vor.u32 s2, v5;
	v21 =	vld.idx.msk [tilespmem:v28+s4+$0x0], $0xffff  }
0x13d: {  	v24 =	vor.u32 s5, v4;
	[tilespmem:v31+s28+$0x0] =	vst.idx.msk $0xffff, v30;
	v23 =	vld.idx.msk [tilespmem:v29+s4+$0x0], $0xffff;
	v28 =	vadd.s32 $0x1388, v27  }
0x13e: {  	v31 =	vor.u32 s0, v5;
	v29 =	vadd.s32 $0xFA0, v20;
	v30 =	vld.idx.msk [tilespmem:v40+s4+$0x0], $0xffff  }
0x13f: {  	v44 =	vadd.s32 $0x1388, v25;
	[tilespmem:v42+s28+$0x0] =	vst.idx.msk $0xffff, v41  }
0x140: {  	v45 =	vor.u32 s16, v5;
	v33 =	vld.idx.msk [tilespmem:v43+s4+$0x0], $0xffff  }
0x141: {  	v46 =	vadd.s32 $0x1388, v26;
	[tilespmem:v22+s28+$0x0] =	vst.idx.msk $0xffff, v21  }
0x142: {  	[tilespmem:v24+s28+$0x0] =	vst.idx.msk $0xffff, v23;
	v22 =	vor.u32 s2, v6;
	v21 =	vld.idx.msk [tilespmem:v28+s4+$0x0], $0xffff  }
0x143: {  	v24 =	vor.u32 s5, v5;
	[tilespmem:v31+s28+$0x0] =	vst.idx.msk $0xffff, v30;
	v23 =	vld.idx.msk [tilespmem:v29+s4+$0x0], $0xffff;
	v28 =	vadd.s32 $0x1770, v27  }
0x144: {  	v31 =	vor.u32 s0, v6;
	v29 =	vadd.s32 $0x1388, v20;
	v30 =	vld.idx.msk [tilespmem:v44+s4+$0x0], $0xffff  }
0x145: {  	v47 =	vadd.s32 $0x1770, v25;
	[tilespmem:v45+s28+$0x0] =	vst.idx.msk $0xffff, v33  }
0x146: {  	v48 =	vor.u32 s16, v6;
	v33 =	vld.idx.msk [tilespmem:v46+s4+$0x0], $0xffff  }
0x147: {  	[tilespmem:v22+s28+$0x0] =	vst.idx.msk $0xffff, v21;
	v21 =	vadd.s32 $0x1770, v26  }
0x148: {  	[tilespmem:v24+s28+$0x0] =	vst.idx.msk $0xffff, v23;
	v23 =	vor.u32 s2, v7;
	v22 =	vld.idx.msk [tilespmem:v28+s4+$0x0], $0xffff  }
0x149: {  	[tilespmem:v31+s28+$0x0] =	vst.idx.msk $0xffff, v30;
	v24 =	vld.idx.msk [tilespmem:v29+s4+$0x0], $0xffff;
	v28 =	vor.u32 s5, v6;
	v29 =	vadd.s32 $0x1B58, v27  }
0x14a: {  	v49 =	vor.u32 s0, v7;
	v31 =	vadd.s32 $0x1770, v20;
	v30 =	vld.idx.msk [tilespmem:v47+s4+$0x0], $0xffff  }
0x14b: {  	v50 =	vadd.s32 $0x1B58, v25;
	[tilespmem:v48+s28+$0x0] =	vst.idx.msk $0xffff, v33  }
0x14c: {  	v51 =	vor.u32 s16, v7;
	v21 =	vld.idx.msk [tilespmem:v21+s4+$0x0], $0xffff  }
0x14d: {  	[tilespmem:v23+s28+$0x0] =	vst.idx.msk $0xffff, v22;
	v22 =	vadd.s32 $0x1B58, v26  }
0x14e: {  	[tilespmem:v28+s28+$0x0] =	vst.idx.msk $0xffff, v24;
	v24 =	vor.u32 s2, v8;
	v23 =	vld.idx.msk [tilespmem:v29+s4+$0x0], $0xffff  }
0x14f: {  	[tilespmem:v49+s28+$0x0] =	vst.idx.msk $0xffff, v30;
	v30 =	vor.u32 s5, v7;
	v28 =	vld.idx.msk [tilespmem:v31+s4+$0x0], $0xffff;
	v29 =	vadd.s32 $0x1F40, v27  }
0x150: {  	s14 =	simm.s32 $0x42E0;
	v31 =	vld.idx.msk [tilespmem:v50+s4+$0x0], $0xffff  }
0x151: {  	v53 =	vor.u32 s0, v8;
	v52 =	vadd.s32 $0x1B58, v20;
	[tilespmem:v51+s28+$0x0] =	vst.idx.msk $0xffff, v21;
	v21 =	vld [tilespmem:s14+$0xFFFFFFF0]  }
0x152: {  	v54 =	vadd.s32 $0x1F40, v25;
	v55 =	vld.idx.msk [tilespmem:v22+s4+$0x0], $0xffff  }
0x153: {  	v56 =	vor.u32 s16, v8;
	v22 =	vld [tilespmem:s14+$0xFFFFFFE0];
	[tilespmem:v24+s28+$0x0] =	vst.idx.msk $0xffff, v23  }
0x154: {  	[tilespmem:v30+s28+$0x0] =	vst.idx.msk $0xffff, v28;
	v28 =	vor.u32 s2, v9;
	v30 =	vadd.s32 $0x1F40, v26;
	v29 =	vld.idx.msk [tilespmem:v29+s4+$0x0], $0xffff  }
0x155: {  	v24 =	vld [tilespmem:s14+$0x10]  }
0x156: {  	v57 =	vor.u32 s5, v8;
	[tilespmem:v53+s28+$0x0] =	vst.idx.msk $0xffff, v31;
	v31 =	vadd.s32 $0x2328, v27;
	v32 =	vld.idx.msk [tilespmem:v52+s4+$0x0], $0xffff  }
0x157: {  	v59 =	vor.u32 s0, v9;
	v58 =	vadd.s32 $0x1F40, v20;
	v33 =	vld.idx.msk [tilespmem:v54+s4+$0x0], $0xffff  }
0x158: {  	v60 =	vadd.s32 $0x2328, v25;
	v23 =	vld [tilespmem:s14+$0x0];
	[tilespmem:v56+s28+$0x0] =	vst.idx.msk $0xffff, v55  }
0x159: {  	[tilespmem:v28+s28+$0x0] =	vst.idx.msk $0xffff, v29;
	v28 =	vld.idx.msk [tilespmem:v30+s4+$0x0], $0xffff  }
0x15a: {  	s20 =	simm.s32 $0x50;
	s15 =	simm.s32 $0x200;
	v30 =	vor.u32 s16, v9;
	v49 =	vld.idx.msk [tilespmem:v21+s4+$0x0], $0xffff  }
0x15b: {  	s9 =	sand.u32 $0x50, s20;
	s10 =	simm.s32 $0x70;
	s21 =	sand.u32 $0x1C00, s15;
	[tilespmem:v57+s28+$0x0] =	vst.idx.msk $0xffff, v32;
	v29 =	vld.idx.msk [tilespmem:v31+s4+$0x0], $0xffff;
	v31 =	vor.u32 s2, v10  }
0x15c: {  	s25 =	simm.s32 $0x40;
	s29 =	sand.u32 $0x70, s10;
	s11 =	sor.u32 s21, s9;
	v61 =	vadd.s32 $0x2328, v26;
	v62 =	vor.u32 s5, v9;
	[tilespmem:v59+s28+$0x0] =	vst.idx.msk $0xffff, v33;
	v34 =	vld.idx.msk [tilespmem:v58+s4+$0x0], $0xffff  }
0x15d: {  	s12 =	sand.u32 $0x40, s25;
	s9 =	sor.u32 s21, s29;
	v48 =	vor.u32 s11, v0;
	v50 =	vadd.s32 $0x2328, v20;
	v51 =	vor.u32 s0, v10;
	v63 =	vld.idx.msk [tilespmem:v60+s4+$0x0], $0xffff  }
0x15e: {  	s19 =	simm.s32 $0x60;
	s12 =	sor.u32 s12, s21;
	v36 =	vand.u32 v17, v48;
	v52 =	vor.u32 s9, v0;
	v54 =	vadd.s32 $0x2710, v25;
	v56 =	vld.idx.msk [tilespmem:v22+s4+$0x0], $0xffff  }
0x15f: {  	s19 =	sand.u32 $0x60, s19;
	v40 =	vand.u32 v19, v52;
	v55 =	vor.u32 s12, v0;
	v57 =	vadd.s32 $0x2710, v27;
	v53 =	vld.idx.msk [tilespmem:v24+s4+$0x0], $0xffff;
	[tilespmem:v30+s28+$0x0] =	vst.idx.msk $0xffff, v28  }
0x160: {  	s13 =	sor.u32 s21, s19;
	v59 =	vld.idx.msk [tilespmem:v23+s4+$0x0], $0xffff;
	v28 =	vand.u32 v1, v55;
	v30 =	vadd.s32 $0x3E8, v21;
	[tilespmem:v31+s28+$0x0] =	vst.idx.msk $0xffff, v29  }
0x161: {  	v58 =	vor.u32 s13, v0;
	v60 =	vor.u32 s16, v10;
	v29 =	vld.idx.msk [tilespmem:v61+s4+$0x0], $0xffff;
	v31 =	vadd.s32 $0x3E8, v22;
	[tilespmem:v62+s28+$0x0] =	vst.idx.msk $0xffff, v34  }
0x162: {  	v32 =	vand.u32 v18, v58;
	[tilespmem:v51+s28+$0x0] =	vst.idx.msk $0xffff, v63;
	v62 =	vadd.s32 $0x3E8, v24;
	v34 =	vld.idx.msk [tilespmem:v50+s4+$0x0], $0xffff  }
0x163: {  	v52 =	vadd.s32 $0x3E8, v23;
	[tilespmem:v36+s28+$0x0] =	vst.idx.msk $0xffff, v49;
	v63 =	vor.u32 s5, v10;
	v48 =	vld.idx.msk [tilespmem:v54+s4+$0x0], $0xffff  }
0x164: {  	v61 =	vadd.s32 $0x2710, v26;
	v51 =	vor.u32 s0, v11;
	[tilespmem:v40+s28+$0x0] =	vst.idx.msk $0xffff, v53;
	v49 =	vld.idx.msk [tilespmem:v57+s4+$0x0], $0xffff  }
0x165: {  	v50 =	vadd.s32 $0x2710, v20;
	[tilespmem:v28+s28+$0x0] =	vst.idx.msk $0xffff, v56;
	v28 =	vld.idx.msk [tilespmem:v30+s4+$0x0], $0xffff;
	v30 =	vor.u32 s2, v11  }
0x166: {  	v53 =	vor.u32 s11, v2;
	v31 =	vld.idx.msk [tilespmem:v31+s4+$0x0], $0xffff;
	[tilespmem:v60+s28+$0x0] =	vst.idx.msk $0xffff, v29;
	v29 =	vadd.s32 $0x2AF8, v25  }
0x167: {  	v55 =	vadd.s32 $0x2AF8, v27;
	v54 =	vor.u32 s12, v2;
	[tilespmem:v32+s28+$0x0] =	vst.idx.msk $0xffff, v59;
	v35 =	vld.idx.msk [tilespmem:v62+s4+$0x0], $0xffff  }
0x168: {  	v58 =	vor.u32 s9, v2;
	v56 =	vadd.s32 $0x7D0, v22;
	v60 =	vld.idx.msk [tilespmem:v52+s4+$0x0], $0xffff;
	[tilespmem:v63+s28+$0x0] =	vst.idx.msk $0xffff, v34  }
0x169: {  	v57 =	vor.u32 s16, v11;
	v33 =	vld.idx.msk [tilespmem:v61+s4+$0x0], $0xffff;
	[tilespmem:v51+s28+$0x0] =	vst.idx.msk $0xffff, v48;
	v61 =	vadd.s32 $0x7D0, v24  }
0x16a: {  	v59 =	vadd.s32 $0x2AF8, v26;
	v62 =	vor.u32 s13, v2;
	v39 =	vld.idx.msk [tilespmem:v50+s4+$0x0], $0xffff;
	[tilespmem:v30+s28+$0x0] =	vst.idx.msk $0xffff, v49  }
0x16b: {  	v30 =	vor.u32 s5, v11;
	[tilespmem:v53+s28+$0x0] =	vst.idx.msk $0xffff, v28;
	v28 =	vadd.s32 $0x7D0, v21;
	v29 =	vld.idx.msk [tilespmem:v29+s4+$0x0], $0xffff  }
0x16c: {  	v63 =	vor.u32 s0, v12;
	[tilespmem:v54+s28+$0x0] =	vst.idx.msk $0xffff, v31;
	v31 =	vadd.s32 $0x7D0, v23;
	v32 =	vld.idx.msk [tilespmem:v55+s4+$0x0], $0xffff  }
0x16d: {  	v48 =	vadd.s32 $0x2AF8, v20;
	v49 =	vor.u32 s2, v12;
	[tilespmem:v58+s28+$0x0] =	vst.idx.msk $0xffff, v35;
	v43 =	vld.idx.msk [tilespmem:v56+s4+$0x0], $0xffff  }
0x16e: {  	v52 =	vadd.s32 $0x2EE0, v25;
	v50 =	vor.u32 s12, v3;
	[tilespmem:v57+s28+$0x0] =	vst.idx.msk $0xffff, v33;
	v40 =	vld.idx.msk [tilespmem:v61+s4+$0x0], $0xffff  }
0x16f: {  	v53 =	vadd.s32 $0xBB8, v22;
	v54 =	vor.u32 s16, v12;
	[tilespmem:v62+s28+$0x0] =	vst.idx.msk $0xffff, v60;
	v51 =	vld.idx.msk [tilespmem:v59+s4+$0x0], $0xffff  }
0x170: {  	v55 =	vadd.s32 $0x2EE0, v26;
	[tilespmem:v30+s28+$0x0] =	vst.idx.msk $0xffff, v39;
	v28 =	vld.idx.msk [tilespmem:v28+s4+$0x0], $0xffff;
	v30 =	vor.u32 s9, v3  }
0x171: {  	v56 =	vor.u32 s11, v3;
	v57 =	vadd.s32 $0xBB8, v24;
	v31 =	vld.idx.msk [tilespmem:v31+s4+$0x0], $0xffff;
	[tilespmem:v63+s28+$0x0] =	vst.idx.msk $0xffff, v29  }
0x172: {  	v58 =	vor.u32 s13, v3;
	v29 =	vadd.s32 $0xBB8, v21;
	[tilespmem:v49+s28+$0x0] =	vst.idx.msk $0xffff, v32;
	v59 =	vld.idx.msk [tilespmem:v48+s4+$0x0], $0xffff  }
0x173: {  	v60 =	vor.u32 s5, v12;
	v61 =	vadd.s32 $0xBB8, v23;
	[tilespmem:v50+s28+$0x0] =	vst.idx.msk $0xffff, v43;
	v35 =	vld.idx.msk [tilespmem:v52+s4+$0x0], $0xffff  }
0x174: {  	v62 =	vadd.s32 $0x2EE0, v20;
	v63 =	vor.u32 s0, v13;
	v36 =	vld.idx.msk [tilespmem:v53+s4+$0x0], $0xffff;
	[tilespmem:v54+s28+$0x0] =	vst.idx.msk $0xffff, v51  }
0x175: {  	v48 =	vor.u32 s12, v4;
	v49 =	vadd.s32 $0x32C8, v25;
	[tilespmem:v30+s28+$0x0] =	vst.idx.msk $0xffff, v40;
	v30 =	vld.idx.msk [tilespmem:v55+s4+$0x0], $0xffff  }
0x176: {  	v50 =	vadd.s32 $0xFA0, v22;
	v51 =	vor.u32 s16, v13;
	[tilespmem:v56+s28+$0x0] =	vst.idx.msk $0xffff, v28;
	v28 =	vld.idx.msk [tilespmem:v57+s4+$0x0], $0xffff  }
0x177: {  	v52 =	vadd.s32 $0x32C8, v26;
	v29 =	vld.idx.msk [tilespmem:v29+s4+$0x0], $0xffff;
	[tilespmem:v58+s28+$0x0] =	vst.idx.msk $0xffff, v31;
	v31 =	vor.u32 s9, v4  }
0x178: {  	v53 =	vor.u32 s11, v4;
	v54 =	vadd.s32 $0xFA0, v24;
	[tilespmem:v60+s28+$0x0] =	vst.idx.msk $0xffff, v59;
	v33 =	vld.idx.msk [tilespmem:v61+s4+$0x0], $0xffff  }
0x179: {  	v55 =	vadd.s32 $0xFA0, v21;
	v56 =	vor.u32 s13, v4;
	v34 =	vld.idx.msk [tilespmem:v62+s4+$0x0], $0xffff;
	[tilespmem:v63+s28+$0x0] =	vst.idx.msk $0xffff, v35  }
0x17a: {  	v57 =	vor.u32 s5, v13;
	v58 =	vadd.s32 $0xFA0, v23;
	[tilespmem:v48+s28+$0x0] =	vst.idx.msk $0xffff, v36;
	v37 =	vld.idx.msk [tilespmem:v49+s4+$0x0], $0xffff  }
0x17b: {  	v60 =	vor.u32 s12, v5;
	v40 =	vld.idx.msk [tilespmem:v50+s4+$0x0], $0xffff;
	[tilespmem:v51+s28+$0x0] =	vst.idx.msk $0xffff, v30;
	v30 =	vadd.s32 $0x32C8, v20  }
0x17c: {  	v59 =	vor.u32 s0, v14;
	v61 =	vadd.s32 $0x1388, v22;
	[tilespmem:v31+s28+$0x0] =	vst.idx.msk $0xffff, v28;
	v28 =	vld.idx.msk [tilespmem:v52+s4+$0x0], $0xffff  }
0x17d: {  	v62 =	vor.u32 s16, v14;
	v31 =	vadd.s32 $0x36B0, v25;
	[tilespmem:v53+s28+$0x0] =	vst.idx.msk $0xffff, v29;
	v29 =	vld.idx.msk [tilespmem:v54+s4+$0x0], $0xffff  }
0x17e: {  	v63 =	vor.u32 s9, v5;
	v48 =	vadd.s32 $0x36B0, v26;
	v32 =	vld.idx.msk [tilespmem:v55+s4+$0x0], $0xffff;
	[tilespmem:v56+s28+$0x0] =	vst.idx.msk $0xffff, v33  }
0x17f: {  	v49 =	vor.u32 s11, v5;
	[tilespmem:v57+s28+$0x0] =	vst.idx.msk $0xffff, v34;
	v55 =	vadd.s32 $0x2EE0, v27;
	v36 =	vld.idx.msk [tilespmem:v58+s4+$0x0], $0xffff  }
0x180: {  	v50 =	vadd.s32 $0x1388, v24;
	v52 =	vor.u32 s13, v5;
	[tilespmem:v60+s28+$0x0] =	vst.idx.msk $0xffff, v40;
	v30 =	vld.idx.msk [tilespmem:v30+s4+$0x0], $0xffff  }
0x181: {  	v51 =	vadd.s32 $0x1388, v21;
	v53 =	vor.u32 s5, v14;
	[tilespmem:v59+s28+$0x0] =	vst.idx.msk $0xffff, v37;
	v39 =	vld.idx.msk [tilespmem:v61+s4+$0x0], $0xffff  }
0x182: {  	v41 =	vor.u32 s12, v6;
	v54 =	vadd.s32 $0x1388, v23;
	v31 =	vld.idx.msk [tilespmem:v31+s4+$0x0], $0xffff;
	[tilespmem:v62+s28+$0x0] =	vst.idx.msk $0xffff, v28  }
0x183: {  	v42 =	vadd.s32 $0x1770, v22;
	v28 =	vor.u32 s0, v15;
	[tilespmem:v63+s28+$0x0] =	vst.idx.msk $0xffff, v29;
	v29 =	vld.idx.msk [tilespmem:v48+s4+$0x0], $0xffff  }
0x184: {  	v33 =	vadd.s32 $0x3A98, v25;
	v57 =	vor.u32 s16, v15;
	[tilespmem:v49+s28+$0x0] =	vst.idx.msk $0xffff, v32;
	v32 =	vld.idx.msk [tilespmem:v55+s4+$0x0], $0xffff  }
0x185: {  	v59 =	vor.u32 s9, v6;
	v60 =	vadd.s32 $0x36B0, v20;
	v56 =	vld.idx.msk [tilespmem:v50+s4+$0x0], $0xffff;
	[tilespmem:v52+s28+$0x0] =	vst.idx.msk $0xffff, v36  }
0x186: {  	v61 =	vor.u32 s11, v6;
	v58 =	vld.idx.msk [tilespmem:v51+s4+$0x0], $0xffff;
	v52 =	vadd.s32 $0x3A98, v26;
	[tilespmem:v53+s28+$0x0] =	vst.idx.msk $0xffff, v30  }
0x187: {  	v45 =	vor.u32 s9, v7;
	v63 =	vadd.s32 $0x1770, v24;
	v51 =	vor.u32 s13, v6;
	v62 =	vld.idx.msk [tilespmem:v54+s4+$0x0], $0xffff;
	[tilespmem:v41+s28+$0x0] =	vst.idx.msk $0xffff, v39  }
0x188: {  	v44 =	vadd.s32 $0x1770, v21;
	v46 =	vadd.s32 $0x1770, v23;
	v36 =	vor.u32 s2, v13;
	[tilespmem:v28+s28+$0x0] =	vst.idx.msk $0xffff, v31;
	v40 =	vld.idx.msk [tilespmem:v42+s4+$0x0], $0xffff  }
0x189: {  	v35 =	vadd.s32 $0x32C8, v27;
	v25 =	vor.u32 s16, v16;
	v39 =	vor.u32 s0, v16;
	v38 =	vld.idx.msk [tilespmem:v33+s4+$0x0], $0xffff;
	[tilespmem:v57+s28+$0x0] =	vst.idx.msk $0xffff, v29  }
0x18a: {  	v34 =	vor.u32 s2, v14;
	v41 =	vor.u32 s12, v7;
	v37 =	vld.idx.msk [tilespmem:v60+s4+$0x0], $0xffff;
	v31 =	vadd.s32 $0x3A98, v27;
	[tilespmem:v59+s28+$0x0] =	vst.idx.msk $0xffff, v56  }
0x18b: {  	v42 =	vadd.s32 $0x1B58, v22;
	v33 =	vadd.s32 $0x36B0, v27;
	v29 =	vor.u32 s5, v15;
	[tilespmem:v61+s28+$0x0] =	vst.idx.msk $0xffff, v58;
	v27 =	vld.idx.msk [tilespmem:v52+s4+$0x0], $0xffff  }
0x18c: {  	s16 =	simm.s32 $0x4;
	v26 =	vor.u32 s11, v16;
	v30 =	vor.u32 s2, v15;
	v28 =	vadd.s32 $0x1B58, v24;
	v43 =	vld.idx.msk [tilespmem:v63+s4+$0x0], $0xffff;
	[tilespmem:v51+s28+$0x0] =	vst.idx.msk $0xffff, v62  }
.LBB2_4:
0x18d: {  	s16 =	sadd.s32 $0x4, s16;
	v44 =	vld.idx.msk [tilespmem:v44+s4+$0x0], $0xffff;
	[tilespmem:v36+s28+$0x0] =	vst.idx.msk $0xffff, v32  }
0x18e: {  	v32 =	vor.u32 s11, v7;
	s14 =	sadd.s32 $0x40, s14;
	v36 =	vadd.s32 $0x3A98, v20;
	v20 =	vmov v23;
	p0 =	slt.u32 s16, $0x3C;
	v35 =	vld.idx.msk [tilespmem:v35+s4+$0x0], $0xffff;
	[tilespmem:v39+s28+$0x0] =	vst.idx.msk $0xffff, v38  }
0x18f: {  	v38 =	vadd.s32 $0x1B58, v21;
	v23 =	vld [tilespmem:s14+$0x0];
	[tilespmem:v41+s28+$0x0] =	vst.idx.msk $0xffff, v40  }
0x190: {  	v40 =	vor.u32 s2, v16;
	s2 =	smov.u32 s12;
	v39 =	vld.idx.msk [tilespmem:v42+s4+$0x0], $0xffff;
	[tilespmem:v29+s28+$0x0] =	vst.idx.msk $0xffff, v37  }
0x191: {  	v29 =	vor.u32 s2, v8;
	v37 =	vld.idx.msk [tilespmem:v46+s4+$0x0], $0xffff;
	[tilespmem:v45+s28+$0x0] =	vst.idx.msk $0xffff, v43  }
0x192: {  	v41 =	vadd.s32 $0x1F40, v22;
	v42 =	vor.u32 s13, v7;
	v28 =	vld.idx.msk [tilespmem:v28+s4+$0x0], $0xffff;
	[tilespmem:v25+s28+$0x0] =	vst.idx.msk $0xffff, v27;
	v25 =	vmov v26  }
0x193: {  	v26 =	vadd.s32 $0x1B58, v20;
	[tilespmem:v32+s28+$0x0] =	vst.idx.msk $0xffff, v44;
	v32 =	vor.u32 s9, v8;
	v36 =	vld.idx.msk [tilespmem:v36+s4+$0x0], $0xffff  }
0x194: {  	v43 =	vadd.s32 $0x1F40, v24;
	v38 =	vld.idx.msk [tilespmem:v38+s4+$0x0], $0xffff;
	[tilespmem:v34+s28+$0x0] =	vst.idx.msk $0xffff, v35;
	v34 =	vor.u32 s5, v16;
	s5 =	smov.u32 s13  }
0x195: {  	v35 =	vor.u32 s11, v8;
	v33 =	vld.idx.msk [tilespmem:v33+s4+$0x0], $0xffff  }
0x196: {  	v27 =	vld [tilespmem:s14+$0xFFFFFFF0];
	[tilespmem:v29+s28+$0x0] =	vst.idx.msk $0xffff, v39  }
0x197: {  	v39 =	vld.idx.msk [tilespmem:v41+s4+$0x0], $0xffff;
	[tilespmem:v42+s28+$0x0] =	vst.idx.msk $0xffff, v37  }
0x198: {  	v37 =	vor.u32 s2, v9;
	v41 =	vadd.s32 $0x1F40, v21;
	v26 =	vld.idx.msk [tilespmem:v26+s4+$0x0], $0xffff;
	[tilespmem:v32+s28+$0x0] =	vst.idx.msk $0xffff, v28  }
0x199: {  	v42 =	vor.u32 s5, v8;
	v28 =	vadd.s32 $0x2328, v22;
	v43 =	vld.idx.msk [tilespmem:v43+s4+$0x0], $0xffff;
	[tilespmem:v34+s28+$0x0] =	vst.idx.msk $0xffff, v36  }
0x19a: {  	v34 =	vadd.s32 $0x1F40, v20;
	v32 =	vld [tilespmem:s14+$0x10];
	[tilespmem:v35+s28+$0x0] =	vst.idx.msk $0xffff, v38;
	v35 =	vor.u32 s9, v9  }
0x19b: {  	v36 =	vadd.s32 $0x2328, v24;
	v29 =	vld [tilespmem:s14+$0xFFFFFFE0];
	[tilespmem:v30+s28+$0x0] =	vst.idx.msk $0xffff, v33  }
0x19c: {  	v30 =	vld.idx.msk [tilespmem:v31+s4+$0x0], $0xffff  }
0x19d: {  	s10 =	sadd.s32 $0x40, s10;
	[tilespmem:v37+s28+$0x0] =	vst.idx.msk $0xffff, v39;
	v31 =	vld.idx.msk [tilespmem:v41+s4+$0x0], $0xffff  }
0x19e: {  	s15 =	sadd.s32 $0x200, s15;
	s0 =	sadd.s32 $0xFFFFFFE0, s10;
	v37 =	vor.u32 s11, v9;
	v33 =	vld.idx.msk [tilespmem:v28+s4+$0x0], $0xffff;
	[tilespmem:v42+s28+$0x0] =	vst.idx.msk $0xffff, v26  }
0x19f: {  	s0 =	sand.u32 $0x50, s0;
	s13 =	sand.u32 $0x1C00, s15;
	v38 =	vor.u32 s2, v10;
	v39 =	vadd.s32 $0x2328, v21;
	v28 =	vadd.s32 $0x1B58, v32;
	v34 =	vld.idx.msk [tilespmem:v34+s4+$0x0], $0xffff;
	[tilespmem:v35+s28+$0x0] =	vst.idx.msk $0xffff, v43  }
0x1a0: {  	s12 =	sadd.s32 $0xFFFFFFD0, s10;
	s19 =	sor.u32 s13, s0;
	s0 =	sand.u32 $0x70, s10;
	v35 =	vor.u32 s5, v9;
	v36 =	vld.idx.msk [tilespmem:v36+s4+$0x0], $0xffff  }
0x1a1: {  	s12 =	sand.u32 $0x40, s12;
	s0 =	sor.u32 s13, s0;
	v26 =	vor.u32 s19, v0;
	v42 =	vadd.s32 $0x2328, v20;
	v43 =	vor.u32 s9, v10;
	v41 =	vld.idx.msk [tilespmem:v27+s4+$0x0], $0xffff  }
0x1a2: {  	s20 =	sadd.s32 $0xFFFFFFF0, s10;
	v46 =	vadd.s32 $0x2710, v24;
	s12 =	sor.u32 s12, s13;
	v44 =	vand.u32 v17, v26;
	v26 =	vor.u32 s0, v0;
	v45 =	vld.idx.msk [tilespmem:v32+s4+$0x0], $0xffff;
	[tilespmem:v40+s28+$0x0] =	vst.idx.msk $0xffff, v30  }
0x1a3: {  	v48 =	vadd.s32 $0x2710, v22;
	s20 =	sand.u32 $0x60, s20;
	v47 =	vand.u32 v19, v26;
	v30 =	vor.u32 s12, v0;
	v40 =	vld.idx.msk [tilespmem:v29+s4+$0x0], $0xffff;
	[tilespmem:v37+s28+$0x0] =	vst.idx.msk $0xffff, v31  }
0x1a4: {  	s13 =	sor.u32 s13, s20;
	v26 =	vor.u32 s19, v16;
	v30 =	vand.u32 v1, v30;
	v31 =	vadd.s32 $0x3E8, v27;
	[tilespmem:v38+s28+$0x0] =	vst.idx.msk $0xffff, v33;
	v33 =	vld.idx.msk [tilespmem:v39+s4+$0x0], $0xffff  }
0x1a5: {  	v49 =	vor.u32 s11, v10;
	v37 =	vadd.s32 $0x3E8, v29;
	v38 =	vor.u32 s13, v0;
	v39 =	vld.idx.msk [tilespmem:v23+s4+$0x0], $0xffff;
	[tilespmem:v35+s28+$0x0] =	vst.idx.msk $0xffff, v34  }
0x1a6: {  	v34 =	vand.u32 v18, v38;
	v35 =	vadd.s32 $0x3E8, v32;
	v38 =	vadd.s32 $0x2710, v21;
	v42 =	vld.idx.msk [tilespmem:v42+s4+$0x0], $0xffff;
	[tilespmem:v43+s28+$0x0] =	vst.idx.msk $0xffff, v36  }
0x1a7: {  	v36 =	vadd.s32 $0x3E8, v23;
	[tilespmem:v44+s28+$0x0] =	vst.idx.msk $0xffff, v41;
	v41 =	vor.u32 s5, v10;
	v43 =	vld.idx.msk [tilespmem:v46+s4+$0x0], $0xffff  }
0x1a8: {  	v46 =	vor.u32 s9, v11;
	[tilespmem:v47+s28+$0x0] =	vst.idx.msk $0xffff, v45;
	v44 =	vld.idx.msk [tilespmem:v48+s4+$0x0], $0xffff;
	v45 =	vadd.s32 $0x2710, v20  }
0x1a9: {  	[tilespmem:v30+s28+$0x0] =	vst.idx.msk $0xffff, v40;
	v30 =	vld.idx.msk [tilespmem:v31+s4+$0x0], $0xffff;
	v31 =	vor.u32 s2, v11  }
0x1aa: {  	v40 =	vor.u32 s19, v2;
	v37 =	vld.idx.msk [tilespmem:v37+s4+$0x0], $0xffff;
	[tilespmem:v49+s28+$0x0] =	vst.idx.msk $0xffff, v33;
	v33 =	vadd.s32 $0x2AF8, v24  }
0x1ab: {  	v47 =	vor.u32 s12, v2;
	[tilespmem:v34+s28+$0x0] =	vst.idx.msk $0xffff, v39;
	v34 =	vadd.s32 $0x2AF8, v22;
	v38 =	vld.idx.msk [tilespmem:v38+s4+$0x0], $0xffff  }
0x1ac: {  	v48 =	vor.u32 s11, v11;
	v39 =	vadd.s32 $0x7D0, v29;
	v35 =	vld.idx.msk [tilespmem:v35+s4+$0x0], $0xffff;
	[tilespmem:v41+s28+$0x0] =	vst.idx.msk $0xffff, v42  }
0x1ad: {  	v41 =	vor.u32 s0, v2;
	v42 =	vadd.s32 $0x2AF8, v21;
	v45 =	vld.idx.msk [tilespmem:v45+s4+$0x0], $0xffff;
	[tilespmem:v46+s28+$0x0] =	vst.idx.msk $0xffff, v43  }
0x1ae: {  	v43 =	vadd.s32 $0x7D0, v32;
	v36 =	vld.idx.msk [tilespmem:v36+s4+$0x0], $0xffff;
	[tilespmem:v31+s28+$0x0] =	vst.idx.msk $0xffff, v44;
	v31 =	vor.u32 s5, v11  }
0x1af: {  	[tilespmem:v40+s28+$0x0] =	vst.idx.msk $0xffff, v30;
	v30 =	vadd.s32 $0x7D0, v27;
	v40 =	vor.u32 s13, v2;
	v33 =	vld.idx.msk [tilespmem:v33+s4+$0x0], $0xffff  }
0x1b0: {  	v46 =	vor.u32 s9, v12;
	v44 =	vadd.s32 $0x2AF8, v20;
	[tilespmem:v47+s28+$0x0] =	vst.idx.msk $0xffff, v37;
	v37 =	vadd.s32 $0x7D0, v23;
	v34 =	vld.idx.msk [tilespmem:v34+s4+$0x0], $0xffff  }
0x1b1: {  	v47 =	vor.u32 s2, v12;
	v39 =	vld.idx.msk [tilespmem:v39+s4+$0x0], $0xffff;
	[tilespmem:v48+s28+$0x0] =	vst.idx.msk $0xffff, v38  }
0x1b2: {  	v38 =	vor.u32 s12, v3;
	[tilespmem:v41+s28+$0x0] =	vst.idx.msk $0xffff, v35;
	v35 =	vld.idx.msk [tilespmem:v42+s4+$0x0], $0xffff;
	v41 =	vadd.s32 $0x2EE0, v24  }
0x1b3: {  	v48 =	vor.u32 s11, v12;
	v42 =	vadd.s32 $0xBB8, v29;
	v43 =	vld.idx.msk [tilespmem:v43+s4+$0x0], $0xffff;
	[tilespmem:v31+s28+$0x0] =	vst.idx.msk $0xffff, v45  }
0x1b4: {  	v31 =	vor.u32 s0, v3;
	v30 =	vld.idx.msk [tilespmem:v30+s4+$0x0], $0xffff;
	[tilespmem:v40+s28+$0x0] =	vst.idx.msk $0xffff, v36;
	v36 =	vadd.s32 $0x2EE0, v21  }
0x1b5: {  	v45 =	vadd.s32 $0xBB8, v32;
	v40 =	vor.u32 s19, v3;
	v37 =	vld.idx.msk [tilespmem:v37+s4+$0x0], $0xffff;
	[tilespmem:v46+s28+$0x0] =	vst.idx.msk $0xffff, v33  }
0x1b6: {  	v33 =	vadd.s32 $0xBB8, v27;
	v46 =	vor.u32 s13, v3;
	[tilespmem:v47+s28+$0x0] =	vst.idx.msk $0xffff, v34;
	v34 =	vld.idx.msk [tilespmem:v44+s4+$0x0], $0xffff;
	v44 =	vor.u32 s5, v12  }
0x1b7: {  	[tilespmem:v38+s28+$0x0] =	vst.idx.msk $0xffff, v39;
	v38 =	vadd.s32 $0xBB8, v23;
	v39 =	vld.idx.msk [tilespmem:v41+s4+$0x0], $0xffff  }
0x1b8: {  	v41 =	vld.idx.msk [tilespmem:v42+s4+$0x0], $0xffff;
	[tilespmem:v48+s28+$0x0] =	vst.idx.msk $0xffff, v35;
	v35 =	vadd.s32 $0x2EE0, v20;
	v42 =	vor.u32 s9, v13  }
0x1b9: {  	v47 =	vor.u32 s12, v4;
	[tilespmem:v31+s28+$0x0] =	vst.idx.msk $0xffff, v43;
	v31 =	vld.idx.msk [tilespmem:v36+s4+$0x0], $0xffff;
	v36 =	vadd.s32 $0x32C8, v24  }
0x1ba: {  	v43 =	vadd.s32 $0xFA0, v29;
	[tilespmem:v40+s28+$0x0] =	vst.idx.msk $0xffff, v30;
	v30 =	vld.idx.msk [tilespmem:v45+s4+$0x0], $0xffff;
	v40 =	vor.u32 s11, v13  }
0x1bb: {  	v45 =	vadd.s32 $0x32C8, v21;
	v33 =	vld.idx.msk [tilespmem:v33+s4+$0x0], $0xffff;
	[tilespmem:v46+s28+$0x0] =	vst.idx.msk $0xffff, v37;
	v37 =	vor.u32 s0, v4  }
0x1bc: {  	v48 =	vadd.s32 $0xFA0, v32;
	v46 =	vor.u32 s19, v4;
	v38 =	vld.idx.msk [tilespmem:v38+s4+$0x0], $0xffff;
	[tilespmem:v44+s28+$0x0] =	vst.idx.msk $0xffff, v34  }
0x1bd: {  	v50 =	vor.u32 s5, v13;
	v34 =	vadd.s32 $0xFA0, v27;
	v44 =	vor.u32 s13, v4;
	v49 =	vld.idx.msk [tilespmem:v35+s4+$0x0], $0xffff;
	[tilespmem:v42+s28+$0x0] =	vst.idx.msk $0xffff, v39  }
0x1be: {  	v39 =	vadd.s32 $0xFA0, v23;
	[tilespmem:v47+s28+$0x0] =	vst.idx.msk $0xffff, v41;
	v41 =	vld.idx.msk [tilespmem:v36+s4+$0x0], $0xffff  }
0x1bf: {  	v36 =	vor.u32 s2, v13;
	v42 =	vld.idx.msk [tilespmem:v43+s4+$0x0], $0xffff;
	[tilespmem:v40+s28+$0x0] =	vst.idx.msk $0xffff, v31;
	v31 =	vadd.s32 $0x32C8, v20;
	v40 =	vor.u32 s9, v14  }
0x1c0: {  	v35 =	vadd.s32 $0x32C8, v22;
	v43 =	vor.u32 s12, v5;
	[tilespmem:v37+s28+$0x0] =	vst.idx.msk $0xffff, v30;
	v30 =	vld.idx.msk [tilespmem:v45+s4+$0x0], $0xffff;
	v37 =	vadd.s32 $0x36B0, v24  }
0x1c1: {  	v45 =	vadd.s32 $0x1388, v29;
	[tilespmem:v46+s28+$0x0] =	vst.idx.msk $0xffff, v33;
	v33 =	vld.idx.msk [tilespmem:v48+s4+$0x0], $0xffff;
	v46 =	vor.u32 s11, v14  }
0x1c2: {  	v47 =	vld.idx.msk [tilespmem:v34+s4+$0x0], $0xffff;
	[tilespmem:v44+s28+$0x0] =	vst.idx.msk $0xffff, v38;
	v38 =	vor.u32 s0, v5;
	v44 =	vadd.s32 $0x36B0, v21  }
0x1c3: {  	v51 =	vadd.s32 $0x1388, v32;
	v48 =	vor.u32 s19, v5;
	v39 =	vld.idx.msk [tilespmem:v39+s4+$0x0], $0xffff;
	[tilespmem:v50+s28+$0x0] =	vst.idx.msk $0xffff, v49  }
0x1c4: {  	v52 =	vor.u32 s5, v14;
	v49 =	vadd.s32 $0x1388, v27;
	v50 =	vor.u32 s13, v5;
	v31 =	vld.idx.msk [tilespmem:v31+s4+$0x0], $0xffff;
	[tilespmem:v40+s28+$0x0] =	vst.idx.msk $0xffff, v41  }
0x1c5: {  	v40 =	vadd.s32 $0x1388, v23;
	v41 =	vadd.s32 $0x2EE0, v22;
	[tilespmem:v43+s28+$0x0] =	vst.idx.msk $0xffff, v42;
	v37 =	vld.idx.msk [tilespmem:v37+s4+$0x0], $0xffff  }
0x1c6: {  	v34 =	vor.u32 s2, v14;
	v42 =	vld.idx.msk [tilespmem:v45+s4+$0x0], $0xffff;
	[tilespmem:v46+s28+$0x0] =	vst.idx.msk $0xffff, v30;
	v30 =	vor.u32 s9, v15  }
0x1c7: {  	v43 =	vor.u32 s12, v6;
	[tilespmem:v38+s28+$0x0] =	vst.idx.msk $0xffff, v33;
	v33 =	vadd.s32 $0x36B0, v22;
	v45 =	vld.idx.msk [tilespmem:v44+s4+$0x0], $0xffff;
	v38 =	vadd.s32 $0x3A98, v24;
	v24 =	vmovc v32  }
0x1c8: {  	v46 =	vadd.s32 $0x1770, v29;
	[tilespmem:v48+s28+$0x0] =	vst.idx.msk $0xffff, v47;
	v47 =	vld.idx.msk [tilespmem:v51+s4+$0x0], $0xffff;
	v48 =	vor.u32 s11, v15;
	s11 =	smov.u32 s19  }
0x1c9: {  	v51 =	vadd.s32 $0x36B0, v20;
	v49 =	vld.idx.msk [tilespmem:v49+s4+$0x0], $0xffff;
	[tilespmem:v50+s28+$0x0] =	vst.idx.msk $0xffff, v39;
	v50 =	vor.u32 s0, v6  }
0x1ca: {  	v55 =	vadd.s32 $0x1770, v24;
	v53 =	vor.u32 s11, v6;
	v54 =	vld.idx.msk [tilespmem:v40+s4+$0x0], $0xffff;
	[tilespmem:v52+s28+$0x0] =	vst.idx.msk $0xffff, v31  }
0x1cb: {  	v56 =	vadd.s32 $0x3A98, v21;
	v21 =	vmov v27;
	v52 =	vor.u32 s13, v6;
	v32 =	vld.idx.msk [tilespmem:v41+s4+$0x0], $0xffff;
	[tilespmem:v30+s28+$0x0] =	vst.idx.msk $0xffff, v37  }
.Ltmp1:
0x1cc: {  	v44 =	vadd.s32 $0x1770, v21;
	[tilespmem:v43+s28+$0x0] =	vst.idx.msk $0xffff, v42;
	v38 =	vld.idx.msk [tilespmem:v38+s4+$0x0], $0xffff;
	(pc) =	sbr.rel @p0 .LBB2_4-.Ltmp1, $4  }
0x1cd: {  	v39 =	vor.u32 s9, v16;
	s9 =	smov.u32 s0;
	v30 =	vor.u32 s2, v15;
	v40 =	vld.idx.msk [tilespmem:v46+s4+$0x0], $0xffff;
	[tilespmem:v48+s28+$0x0] =	vst.idx.msk $0xffff, v45  }
0x1ce: {  	v31 =	vadd.s32 $0x3A98, v22;
	v22 =	vmov v29;
	v41 =	vor.u32 s12, v7;
	[tilespmem:v50+s28+$0x0] =	vst.idx.msk $0xffff, v47;
	v37 =	vld.idx.msk [tilespmem:v51+s4+$0x0], $0xffff  }
0x1cf: {  	v29 =	vor.u32 s5, v15;
	v42 =	vadd.s32 $0x1B58, v22;
	[tilespmem:v53+s28+$0x0] =	vst.idx.msk $0xffff, v49;
	v43 =	vld.idx.msk [tilespmem:v55+s4+$0x0], $0xffff  }
0x1d0: {  	v46 =	vadd.s32 $0x1770, v23;
	v45 =	vor.u32 s9, v7;
	[tilespmem:v52+s28+$0x0] =	vst.idx.msk $0xffff, v54;
	v27 =	vld.idx.msk [tilespmem:v56+s4+$0x0], $0xffff  }
0x1d1: {  	_ =	sdelay $0x3  }
0x1d2: {  	v44 =	vld.idx.msk [tilespmem:v44+s4+$0x0], $0xffff;
	v47 =	vor.u32 s11, v7  }
0x1d3: {  	v48 =	vadd.s32 $0x1B58, v21;
	v46 =	vld.idx.msk [tilespmem:v46+s4+$0x0], $0xffff;
	v49 =	vor.u32 s13, v7  }
0x1d4: {  	v50 =	vadd.s32 $0x1B58, v23;
	_ =	sdelay $0x1  }
0x1d5: {  	[tilespmem:v45+s28+$0x0] =	vst.idx.msk $0xffff, v43  }
0x1d6: {  	v54 =	vor.u32 s9, v8;
	v28 =	vld.idx.msk [tilespmem:v28+s4+$0x0], $0xffff;
	[tilespmem:v47+s28+$0x0] =	vst.idx.msk $0xffff, v44  }
0x1d7: {  	v55 =	vadd.s32 $0x1F40, v24;
	v56 =	vor.u32 s11, v8;
	[tilespmem:v49+s28+$0x0] =	vst.idx.msk $0xffff, v46;
	v44 =	vld.idx.msk [tilespmem:v48+s4+$0x0], $0xffff  }
0x1d8: {  	v57 =	vadd.s32 $0x1F40, v21;
	v59 =	vor.u32 s13, v8;
	[tilespmem:v41+s28+$0x0] =	vst.idx.msk $0xffff, v40;
	v58 =	vld.idx.msk [tilespmem:v50+s4+$0x0], $0xffff  }
0x1d9: {  	v60 =	vor.u32 s12, v8;
	v61 =	vadd.s32 $0x1F40, v23;
	v42 =	vld.idx.msk [tilespmem:v42+s4+$0x0], $0xffff  }
0x1da: {  	v62 =	vadd.s32 $0x1F40, v22  }
0x1db: {  	[tilespmem:v54+s28+$0x0] =	vst.idx.msk $0xffff, v28  }
0x1dc: {  	v63 =	vor.u32 s9, v9;
	v28 =	vld.idx.msk [tilespmem:v55+s4+$0x0], $0xffff;
	[tilespmem:v56+s28+$0x0] =	vst.idx.msk $0xffff, v44  }
0x1dd: {  	v52 =	vadd.s32 $0x2328, v24;
	v53 =	vor.u32 s11, v9;
	[tilespmem:v59+s28+$0x0] =	vst.idx.msk $0xffff, v58;
	v40 =	vld.idx.msk [tilespmem:v57+s4+$0x0], $0xffff  }
0x1de: {  	[tilespmem:v60+s28+$0x0] =	vst.idx.msk $0xffff, v42;
	v54 =	vadd.s32 $0x2328, v21;
	v56 =	vor.u32 s13, v9;
	v55 =	vld.idx.msk [tilespmem:v61+s4+$0x0], $0xffff  }
0x1df: {  	v58 =	vor.u32 s12, v9;
	v59 =	vadd.s32 $0x2328, v23;
	v57 =	vld.idx.msk [tilespmem:v62+s4+$0x0], $0xffff  }
0x1e0: {  	v60 =	vadd.s32 $0x2328, v22  }
0x1e1: {  	[tilespmem:v63+s28+$0x0] =	vst.idx.msk $0xffff, v28  }
0x1e2: {  	v61 =	vor.u32 s9, v10;
	v28 =	vld.idx.msk [tilespmem:v52+s4+$0x0], $0xffff;
	[tilespmem:v53+s28+$0x0] =	vst.idx.msk $0xffff, v40  }
0x1e3: {  	v62 =	vadd.s32 $0x2710, v24;
	v63 =	vor.u32 s11, v10;
	[tilespmem:v56+s28+$0x0] =	vst.idx.msk $0xffff, v55;
	v41 =	vld.idx.msk [tilespmem:v54+s4+$0x0], $0xffff  }
0x1e4: {  	v52 =	vadd.s32 $0x2710, v21;
	[tilespmem:v58+s28+$0x0] =	vst.idx.msk $0xffff, v57;
	v53 =	vld.idx.msk [tilespmem:v59+s4+$0x0], $0xffff;
	v54 =	vor.u32 s13, v10  }
0x1e5: {  	v55 =	vor.u32 s12, v10;
	v56 =	vadd.s32 $0x2710, v23;
	v47 =	vld.idx.msk [tilespmem:v60+s4+$0x0], $0xffff  }
0x1e6: {  	v57 =	vadd.s32 $0x2710, v22  }
0x1e7: {  	[tilespmem:v61+s28+$0x0] =	vst.idx.msk $0xffff, v28  }
0x1e8: {  	v58 =	vor.u32 s9, v11;
	v28 =	vld.idx.msk [tilespmem:v62+s4+$0x0], $0xffff;
	[tilespmem:v63+s28+$0x0] =	vst.idx.msk $0xffff, v41  }
0x1e9: {  	v59 =	vadd.s32 $0x2AF8, v24;
	v60 =	vor.u32 s11, v11;
	[tilespmem:v54+s28+$0x0] =	vst.idx.msk $0xffff, v53;
	v42 =	vld.idx.msk [tilespmem:v52+s4+$0x0], $0xffff  }
0x1ea: {  	v61 =	vadd.s32 $0x2AF8, v21;
	v62 =	vor.u32 s13, v11;
	[tilespmem:v55+s28+$0x0] =	vst.idx.msk $0xffff, v47;
	v45 =	vld.idx.msk [tilespmem:v56+s4+$0x0], $0xffff  }
0x1eb: {  	v63 =	vor.u32 s12, v11;
	v47 =	vld.idx.msk [tilespmem:v57+s4+$0x0], $0xffff;
	v52 =	vadd.s32 $0x2AF8, v23  }
0x1ec: {  	v53 =	vadd.s32 $0x2AF8, v22  }
0x1ed: {  	[tilespmem:v58+s28+$0x0] =	vst.idx.msk $0xffff, v28  }
0x1ee: {  	v54 =	vor.u32 s9, v12;
	v28 =	vld.idx.msk [tilespmem:v59+s4+$0x0], $0xffff;
	[tilespmem:v60+s28+$0x0] =	vst.idx.msk $0xffff, v42  }
0x1ef: {  	v56 =	vadd.s32 $0x2EE0, v24;
	v57 =	vor.u32 s11, v12;
	[tilespmem:v62+s28+$0x0] =	vst.idx.msk $0xffff, v45;
	v55 =	vld.idx.msk [tilespmem:v61+s4+$0x0], $0xffff  }
0x1f0: {  	v58 =	vadd.s32 $0x2EE0, v21;
	v59 =	vor.u32 s13, v12;
	[tilespmem:v63+s28+$0x0] =	vst.idx.msk $0xffff, v47;
	v45 =	vld.idx.msk [tilespmem:v52+s4+$0x0], $0xffff  }
0x1f1: {  	v60 =	vor.u32 s12, v12;
	v47 =	vld.idx.msk [tilespmem:v53+s4+$0x0], $0xffff;
	v61 =	vadd.s32 $0x2EE0, v23  }
0x1f2: {  	v62 =	vadd.s32 $0x2EE0, v22  }
0x1f3: {  	[tilespmem:v54+s28+$0x0] =	vst.idx.msk $0xffff, v28  }
0x1f4: {  	v63 =	vor.u32 s9, v13;
	v28 =	vld.idx.msk [tilespmem:v56+s4+$0x0], $0xffff;
	[tilespmem:v57+s28+$0x0] =	vst.idx.msk $0xffff, v55  }
0x1f5: {  	v51 =	vadd.s32 $0x32C8, v24;
	v52 =	vor.u32 s11, v13;
	[tilespmem:v59+s28+$0x0] =	vst.idx.msk $0xffff, v45;
	v41 =	vld.idx.msk [tilespmem:v58+s4+$0x0], $0xffff  }
0x1f6: {  	v53 =	vadd.s32 $0x32C8, v21;
	v54 =	vor.u32 s13, v13;
	[tilespmem:v60+s28+$0x0] =	vst.idx.msk $0xffff, v47;
	v45 =	vld.idx.msk [tilespmem:v61+s4+$0x0], $0xffff  }
0x1f7: {  	[tilespmem:v36+s28+$0x0] =	vst.idx.msk $0xffff, v32;
	v56 =	vadd.s32 $0x32C8, v23;
	v55 =	vor.u32 s12, v13;
	v47 =	vld.idx.msk [tilespmem:v62+s4+$0x0], $0xffff  }
0x1f8: {  	[tilespmem:v39+s28+$0x0] =	vst.idx.msk $0xffff, v38;
	v57 =	vadd.s32 $0x32C8, v22  }
0x1f9: {  	v35 =	vld.idx.msk [tilespmem:v35+s4+$0x0], $0xffff;
	[tilespmem:v63+s28+$0x0] =	vst.idx.msk $0xffff, v28  }
0x1fa: {  	v58 =	vor.u32 s9, v14;
	v28 =	vld.idx.msk [tilespmem:v51+s4+$0x0], $0xffff;
	[tilespmem:v52+s28+$0x0] =	vst.idx.msk $0xffff, v41  }
0x1fb: {  	v60 =	vadd.s32 $0x36B0, v24;
	v61 =	vor.u32 s11, v14;
	[tilespmem:v54+s28+$0x0] =	vst.idx.msk $0xffff, v45;
	v59 =	vld.idx.msk [tilespmem:v53+s4+$0x0], $0xffff  }
0x1fc: {  	v62 =	vadd.s32 $0x36B0, v21;
	v63 =	vor.u32 s13, v14;
	[tilespmem:v55+s28+$0x0] =	vst.idx.msk $0xffff, v47;
	v36 =	vld.idx.msk [tilespmem:v56+s4+$0x0], $0xffff  }
0x1fd: {  	[tilespmem:v29+s28+$0x0] =	vst.idx.msk $0xffff, v37;
	v46 =	vor.u32 s12, v14;
	v47 =	vadd.s32 $0x36B0, v23;
	v48 =	vld.idx.msk [tilespmem:v57+s4+$0x0], $0xffff  }
0x1fe: {  	v49 =	vadd.s32 $0x36B0, v22;
	[tilespmem:v34+s28+$0x0] =	vst.idx.msk $0xffff, v35  }
0x1ff: {  	v20 =	vadd.s32 $0x3A98, v20;
	v33 =	vld.idx.msk [tilespmem:v33+s4+$0x0], $0xffff;
	[tilespmem:v58+s28+$0x0] =	vst.idx.msk $0xffff, v28  }
0x200: {  	v50 =	vor.u32 s9, v15;
	v28 =	vld.idx.msk [tilespmem:v60+s4+$0x0], $0xffff;
	[tilespmem:v61+s28+$0x0] =	vst.idx.msk $0xffff, v59  }
0x201: {  	v52 =	vadd.s32 $0x3A98, v24;
	v53 =	vor.u32 s11, v15;
	[tilespmem:v63+s28+$0x0] =	vst.idx.msk $0xffff, v36;
	v51 =	vld.idx.msk [tilespmem:v62+s4+$0x0], $0xffff  }
0x202: {  	v54 =	vadd.s32 $0x3A98, v21;
	v55 =	vor.u32 s13, v15;
	[tilespmem:v46+s28+$0x0] =	vst.idx.msk $0xffff, v48;
	v32 =	vld.idx.msk [tilespmem:v47+s4+$0x0], $0xffff  }
0x203: {  	[tilespmem:v25+s28+$0x0] =	vst.idx.msk $0xffff, v27;
	v56 =	vor.u32 s12, v15;
	v57 =	vadd.s32 $0x3A98, v23;
	v58 =	vld.idx.msk [tilespmem:v49+s4+$0x0], $0xffff  }
0x204: {  	v20 =	vld.idx.msk [tilespmem:v20+s4+$0x0], $0xffff;
	[tilespmem:v30+s28+$0x0] =	vst.idx.msk $0xffff, v33;
	v60 =	vadd.s32 $0x3A98, v22;
	v59 =	vor.u32 s5, v16  }
0x205: {  	v31 =	vld.idx.msk [tilespmem:v31+s4+$0x0], $0xffff;
	v61 =	vor.u32 s2, v16;
	[tilespmem:v50+s28+$0x0] =	vst.idx.msk $0xffff, v28  }
0x206: {  	v62 =	vor.u32 s9, v16;
	v24 =	vld.idx.msk [tilespmem:v52+s4+$0x0], $0xffff;
	[tilespmem:v53+s28+$0x0] =	vst.idx.msk $0xffff, v51  }
0x207: {  	[tilespmem:v55+s28+$0x0] =	vst.idx.msk $0xffff, v32;
	v21 =	vld.idx.msk [tilespmem:v54+s4+$0x0], $0xffff  }
0x208: {  	v63 =	vor.u32 s13, v16;
	[tilespmem:v56+s28+$0x0] =	vst.idx.msk $0xffff, v58;
	v23 =	vld.idx.msk [tilespmem:v57+s4+$0x0], $0xffff  }
0x209: {  	[tilespmem:v59+s28+$0x0] =	vst.idx.msk $0xffff, v20;
	v20 =	vor.u32 s12, v16;
	v22 =	vld.idx.msk [tilespmem:v60+s4+$0x0], $0xffff  }
0x20a: {  	[tilespmem:v61+s28+$0x0] =	vst.idx.msk $0xffff, v31  }
0x20b: {  	[tilespmem:v62+s28+$0x0] =	vst.idx.msk $0xffff, v24  }
0x20c: {  	[tilespmem:v26+s28+$0x0] =	vst.idx.msk $0xffff, v21  }
0x20d: {  	[tilespmem:v63+s28+$0x0] =	vst.idx.msk $0xffff, v23  }
0x20e: {  	[tilespmem:v20+s28+$0x0] =	vst.idx.msk $0xffff, v22  }
0x20f: {  	s0 =	rddreg [dreg:$0xa]  }
0x210: {  	[hbm4b:s0+s4] =	stream.linear.scatter [tilespmem:s28], [sflag:$0x4], $0x2000, $0x38;
	[tilespmem:$0xC680] =	vst v63  }
0x211: {  	s25 =	simm.s32 $0xA680;
	s21 =	rddreg [dreg:$0xb]  }
0x212: {  	[hbm4b:s21+s4] =	stream.linear.scatter [tilespmem:s25], [sflag:$0x4], $0x2000, $0x38;
	[tilespmem:$0xC680] =	vst v63  }
0x213: {  	s2 =	simm.s32 $0x1;
	s29 =	rddreg [dreg:$0xc]  }
0x214: {  	[tilespmem:s22], [sflag:$0x2] =	stream.linear.gather [hbm4b:s29+s4], $0x400, $0x38;
	[tilespmem:$0xC680] =	vst v63  }
.LBB2_6:
0x215: {  	_ =	swait.ge [sflag:s23], $0x400  }
0x216: {  	[sflag:s23] =	ssyncset.done $0x0  }
0x217: {  	[sflag:s23] =	ssyncadd.s32 $0xFFFFFC00  }
0x218: {  	_ =	swait.ge [sflag:s30], $0x2000  }
0x219: {  	[sflag:s30] =	ssyncset.done $0x0  }
0x21a: {  	[sflag:s30] =	ssyncadd.s32 $0xFFFFE000  }
0x21b: {  	_ =	swait.ge [sflag:s30], $0x2000  }
0x21c: {  	[sflag:s30] =	ssyncset.done $0x0  }
0x21d: {  	s0 =	simm.s32 $0x3EA0;
	[sflag:s30] =	ssyncadd.s32 $0xFFFFE000  }
0x21e: {  	v27 =	vld [tilespmem:s0+$0xFFFFFFE0];
	_ =	sdelay $0x1  }
0x21f: {  	v25 =	vld [tilespmem:s0+$0x10];
	_ =	sdelay $0x1  }
0x220: {  	s5 =	simm.s32 $0x0;
	s9 =	simm.s32 $0x0;
	v26 =	vld [tilespmem:s0+$0xFFFFFFF0]  }
0x221: {  	s10 =	sand.u32 $0x1C00, s5;
	s16 =	sand.u32 $0x40, s9  }
0x222: {  	s19 =	simm.s32 $0x30;
	s5 =	sor.u32 s16, s10  }
0x223: {  	s20 =	sand.u32 $0x70, s19;
	v21 =	vor.u32 s5, v0;
	v20 =	vld [tilespmem:s0+$0x0]  }
0x224: {  	s21 =	simm.s32 $0x10;
	v21 =	vand.u32 v1, v21;
	s0 =	sor.u32 s10, s20;
	v22 =	vld.idx.msk [tilespmem:v27+s4+$0x0], $0xffff  }
0x225: {  	s9 =	sand.u32 $0x50, s21;
	v23 =	vor.u32 s0, v0;
	v24 =	vadd.s32 $0x3E8, v27  }
0x226: {  	s19 =	sor.u32 s10, s9;
	v23 =	vand.u32 v19, v23;
	v28 =	vld.idx.msk [tilespmem:v25+s4+$0x0], $0xffff  }
0x227: {  	s25 =	simm.s32 $0x20;
	v29 =	vor.u32 s19, v0;
	v30 =	vadd.s32 $0x3E8, v25  }
0x228: {  	s9 =	sand.u32 $0x60, s25;
	v29 =	vand.u32 v17, v29;
	v31 =	vld.idx.msk [tilespmem:v26+s4+$0x0], $0xffff  }
0x229: {  	s9 =	sor.u32 s10, s9;
	v32 =	vadd.s32 $0x3E8, v26;
	[tilespmem:v21+s24+$0x0] =	vst.idx.msk $0xffff, v22  }
0x22a: {  	v21 =	vor.u32 s9, v0;
	v22 =	vld.idx.msk [tilespmem:v24+s4+$0x0], $0xffff;
	v24 =	vor.u32 s5, v2  }
0x22b: {  	v33 =	vld.idx.msk [tilespmem:v20+s4+$0x0], $0xffff;
	[tilespmem:v23+s24+$0x0] =	vst.idx.msk $0xffff, v28;
	v23 =	vadd.s32 $0x7D0, v27;
	v21 =	vand.u32 v18, v21  }
0x22c: {  	v34 =	vor.u32 s0, v2;
	v28 =	vadd.s32 $0x3E8, v20;
	v30 =	vld.idx.msk [tilespmem:v30+s4+$0x0], $0xffff  }
0x22d: {  	[tilespmem:v29+s24+$0x0] =	vst.idx.msk $0xffff, v31;
	v29 =	vadd.s32 $0x7D0, v25  }
0x22e: {  	v60 =	vor.u32 s19, v2;
	v31 =	vld.idx.msk [tilespmem:v32+s4+$0x0], $0xffff  }
0x22f: {  	v35 =	vadd.s32 $0x7D0, v26;
	[tilespmem:v24+s24+$0x0] =	vst.idx.msk $0xffff, v22  }
0x230: {  	[tilespmem:v21+s24+$0x0] =	vst.idx.msk $0xffff, v33;
	v22 =	vor.u32 s5, v3;
	v21 =	vld.idx.msk [tilespmem:v23+s4+$0x0], $0xffff  }
0x231: {  	v24 =	vor.u32 s9, v2;
	[tilespmem:v34+s24+$0x0] =	vst.idx.msk $0xffff, v30;
	v23 =	vld.idx.msk [tilespmem:v28+s4+$0x0], $0xffff;
	v28 =	vadd.s32 $0xBB8, v27  }
0x232: {  	v61 =	vor.u32 s0, v3;
	v30 =	vadd.s32 $0x7D0, v20;
	v29 =	vld.idx.msk [tilespmem:v29+s4+$0x0], $0xffff  }
0x233: {  	[tilespmem:v60+s24+$0x0] =	vst.idx.msk $0xffff, v31;
	v31 =	vadd.s32 $0xBB8, v25  }
0x234: {  	v62 =	vor.u32 s19, v3;
	v32 =	vld.idx.msk [tilespmem:v35+s4+$0x0], $0xffff  }
0x235: {  	v63 =	vadd.s32 $0xBB8, v26;
	[tilespmem:v22+s24+$0x0] =	vst.idx.msk $0xffff, v21  }
0x236: {  	[tilespmem:v24+s24+$0x0] =	vst.idx.msk $0xffff, v23;
	v22 =	vor.u32 s5, v4;
	v21 =	vld.idx.msk [tilespmem:v28+s4+$0x0], $0xffff  }
0x237: {  	v24 =	vor.u32 s9, v3;
	[tilespmem:v61+s24+$0x0] =	vst.idx.msk $0xffff, v29;
	v23 =	vld.idx.msk [tilespmem:v30+s4+$0x0], $0xffff;
	v28 =	vadd.s32 $0xFA0, v27  }
0x238: {  	v29 =	vadd.s32 $0xBB8, v20;
	v30 =	vld.idx.msk [tilespmem:v31+s4+$0x0], $0xffff;
	v31 =	vor.u32 s0, v4  }
0x239: {  	v36 =	vadd.s32 $0xFA0, v25;
	[tilespmem:v62+s24+$0x0] =	vst.idx.msk $0xffff, v32  }
0x23a: {  	v38 =	vor.u32 s19, v4;
	v37 =	vld.idx.msk [tilespmem:v63+s4+$0x0], $0xffff  }
0x23b: {  	v39 =	vadd.s32 $0xFA0, v26;
	[tilespmem:v22+s24+$0x0] =	vst.idx.msk $0xffff, v21  }
0x23c: {  	[tilespmem:v24+s24+$0x0] =	vst.idx.msk $0xffff, v23;
	v22 =	vor.u32 s5, v5;
	v21 =	vld.idx.msk [tilespmem:v28+s4+$0x0], $0xffff  }
0x23d: {  	v24 =	vor.u32 s9, v4;
	[tilespmem:v31+s24+$0x0] =	vst.idx.msk $0xffff, v30;
	v23 =	vld.idx.msk [tilespmem:v29+s4+$0x0], $0xffff;
	v28 =	vadd.s32 $0x1388, v27  }
0x23e: {  	v31 =	vor.u32 s0, v5;
	v29 =	vadd.s32 $0xFA0, v20;
	v30 =	vld.idx.msk [tilespmem:v36+s4+$0x0], $0xffff  }
0x23f: {  	v40 =	vadd.s32 $0x1388, v25;
	[tilespmem:v38+s24+$0x0] =	vst.idx.msk $0xffff, v37  }
0x240: {  	v41 =	vor.u32 s19, v5;
	v33 =	vld.idx.msk [tilespmem:v39+s4+$0x0], $0xffff  }
0x241: {  	v42 =	vadd.s32 $0x1388, v26;
	[tilespmem:v22+s24+$0x0] =	vst.idx.msk $0xffff, v21  }
0x242: {  	[tilespmem:v24+s24+$0x0] =	vst.idx.msk $0xffff, v23;
	v22 =	vor.u32 s5, v6;
	v21 =	vld.idx.msk [tilespmem:v28+s4+$0x0], $0xffff  }
0x243: {  	v24 =	vor.u32 s9, v5;
	[tilespmem:v31+s24+$0x0] =	vst.idx.msk $0xffff, v30;
	v23 =	vld.idx.msk [tilespmem:v29+s4+$0x0], $0xffff;
	v28 =	vadd.s32 $0x1770, v27  }
0x244: {  	v31 =	vor.u32 s0, v6;
	v29 =	vadd.s32 $0x1388, v20;
	v30 =	vld.idx.msk [tilespmem:v40+s4+$0x0], $0xffff  }
0x245: {  	v43 =	vadd.s32 $0x1770, v25;
	[tilespmem:v41+s24+$0x0] =	vst.idx.msk $0xffff, v33  }
0x246: {  	v44 =	vor.u32 s19, v6;
	v33 =	vld.idx.msk [tilespmem:v42+s4+$0x0], $0xffff  }
0x247: {  	[tilespmem:v22+s24+$0x0] =	vst.idx.msk $0xffff, v21;
	v21 =	vadd.s32 $0x1770, v26  }
0x248: {  	[tilespmem:v24+s24+$0x0] =	vst.idx.msk $0xffff, v23;
	v23 =	vor.u32 s5, v7;
	v22 =	vld.idx.msk [tilespmem:v28+s4+$0x0], $0xffff  }
0x249: {  	[tilespmem:v31+s24+$0x0] =	vst.idx.msk $0xffff, v30;
	v24 =	vld.idx.msk [tilespmem:v29+s4+$0x0], $0xffff;
	v28 =	vor.u32 s9, v6;
	v29 =	vadd.s32 $0x1B58, v27  }
0x24a: {  	v45 =	vor.u32 s0, v7;
	v31 =	vadd.s32 $0x1770, v20;
	v30 =	vld.idx.msk [tilespmem:v43+s4+$0x0], $0xffff  }
0x24b: {  	v46 =	vadd.s32 $0x1B58, v25;
	[tilespmem:v44+s24+$0x0] =	vst.idx.msk $0xffff, v33  }
0x24c: {  	v47 =	vor.u32 s19, v7;
	v21 =	vld.idx.msk [tilespmem:v21+s4+$0x0], $0xffff  }
0x24d: {  	[tilespmem:v23+s24+$0x0] =	vst.idx.msk $0xffff, v22;
	v22 =	vadd.s32 $0x1B58, v26  }
0x24e: {  	[tilespmem:v28+s24+$0x0] =	vst.idx.msk $0xffff, v24;
	v24 =	vor.u32 s5, v8;
	v23 =	vld.idx.msk [tilespmem:v29+s4+$0x0], $0xffff  }
0x24f: {  	[tilespmem:v45+s24+$0x0] =	vst.idx.msk $0xffff, v30;
	v30 =	vor.u32 s9, v7;
	v28 =	vld.idx.msk [tilespmem:v31+s4+$0x0], $0xffff;
	v29 =	vadd.s32 $0x1F40, v27  }
0x250: {  	s15 =	simm.s32 $0x3EE0;
	v31 =	vld.idx.msk [tilespmem:v46+s4+$0x0], $0xffff  }
0x251: {  	v49 =	vor.u32 s0, v8;
	v48 =	vadd.s32 $0x1B58, v20;
	[tilespmem:v47+s24+$0x0] =	vst.idx.msk $0xffff, v21;
	v21 =	vld [tilespmem:s15+$0xFFFFFFF0]  }
0x252: {  	v50 =	vadd.s32 $0x1F40, v25;
	v51 =	vld.idx.msk [tilespmem:v22+s4+$0x0], $0xffff  }
0x253: {  	v36 =	vor.u32 s19, v8;
	v22 =	vld [tilespmem:s15+$0xFFFFFFE0];
	[tilespmem:v24+s24+$0x0] =	vst.idx.msk $0xffff, v23  }
0x254: {  	[tilespmem:v30+s24+$0x0] =	vst.idx.msk $0xffff, v28;
	v28 =	vor.u32 s5, v9;
	v30 =	vadd.s32 $0x1F40, v26;
	v29 =	vld.idx.msk [tilespmem:v29+s4+$0x0], $0xffff  }
0x255: {  	v24 =	vld [tilespmem:s15+$0x10]  }
0x256: {  	v52 =	vor.u32 s9, v8;
	[tilespmem:v49+s24+$0x0] =	vst.idx.msk $0xffff, v31;
	v31 =	vadd.s32 $0x2328, v27;
	v32 =	vld.idx.msk [tilespmem:v48+s4+$0x0], $0xffff  }
0x257: {  	v37 =	vadd.s32 $0x1F40, v20;
	v38 =	vor.u32 s0, v9;
	v33 =	vld.idx.msk [tilespmem:v50+s4+$0x0], $0xffff  }
0x258: {  	v39 =	vadd.s32 $0x2328, v25;
	v23 =	vld [tilespmem:s15+$0x0];
	[tilespmem:v36+s24+$0x0] =	vst.idx.msk $0xffff, v51  }
0x259: {  	[tilespmem:v28+s24+$0x0] =	vst.idx.msk $0xffff, v29;
	v28 =	vld.idx.msk [tilespmem:v30+s4+$0x0], $0xffff  }
0x25a: {  	s11 =	simm.s32 $0x50;
	s16 =	simm.s32 $0x200;
	v30 =	vor.u32 s19, v9;
	v57 =	vld.idx.msk [tilespmem:v21+s4+$0x0], $0xffff  }
0x25b: {  	s11 =	sand.u32 $0x50, s11;
	s14 =	sand.u32 $0x1C00, s16;
	s10 =	simm.s32 $0x70;
	[tilespmem:v52+s24+$0x0] =	vst.idx.msk $0xffff, v32;
	v29 =	vld.idx.msk [tilespmem:v31+s4+$0x0], $0xffff;
	v31 =	vor.u32 s5, v10  }
0x25c: {  	s13 =	simm.s32 $0x40;
	s12 =	sor.u32 s14, s11;
	v54 =	vor.u32 s9, v9;
	s29 =	sand.u32 $0x70, s10;
	v53 =	vadd.s32 $0x2328, v26;
	[tilespmem:v38+s24+$0x0] =	vst.idx.msk $0xffff, v33;
	v34 =	vld.idx.msk [tilespmem:v37+s4+$0x0], $0xffff  }
0x25d: {  	s13 =	sand.u32 $0x40, s13;
	v56 =	vor.u32 s12, v0;
	v59 =	vor.u32 s0, v10;
	s11 =	sor.u32 s14, s29;
	v58 =	vadd.s32 $0x2328, v20;
	v55 =	vld.idx.msk [tilespmem:v39+s4+$0x0], $0xffff  }
0x25e: {  	s13 =	sor.u32 s13, s14;
	s20 =	simm.s32 $0x60;
	v40 =	vor.u32 s11, v0;
	v42 =	vadd.s32 $0x2710, v25;
	v36 =	vand.u32 v17, v56;
	v44 =	vld.idx.msk [tilespmem:v22+s4+$0x0], $0xffff  }
0x25f: {  	s20 =	sand.u32 $0x60, s20;
	v40 =	vand.u32 v19, v40;
	v43 =	vor.u32 s13, v0;
	v45 =	vadd.s32 $0x2710, v27;
	v41 =	vld.idx.msk [tilespmem:v24+s4+$0x0], $0xffff;
	[tilespmem:v30+s24+$0x0] =	vst.idx.msk $0xffff, v28  }
0x260: {  	s14 =	sor.u32 s14, s20;
	v61 =	vld.idx.msk [tilespmem:v23+s4+$0x0], $0xffff;
	v28 =	vand.u32 v1, v43;
	v30 =	vadd.s32 $0x3E8, v21;
	[tilespmem:v31+s24+$0x0] =	vst.idx.msk $0xffff, v29  }
0x261: {  	v60 =	vor.u32 s14, v0;
	v46 =	vor.u32 s19, v10;
	v63 =	vadd.s32 $0x3E8, v24;
	v29 =	vld.idx.msk [tilespmem:v53+s4+$0x0], $0xffff;
	[tilespmem:v54+s24+$0x0] =	vst.idx.msk $0xffff, v34  }
0x262: {  	v32 =	vand.u32 v18, v60;
	v31 =	vadd.s32 $0x3E8, v22;
	[tilespmem:v59+s24+$0x0] =	vst.idx.msk $0xffff, v55;
	v34 =	vld.idx.msk [tilespmem:v58+s4+$0x0], $0xffff  }
0x263: {  	v48 =	vor.u32 s9, v10;
	[tilespmem:v36+s24+$0x0] =	vst.idx.msk $0xffff, v57;
	v53 =	vadd.s32 $0x3E8, v23;
	v49 =	vld.idx.msk [tilespmem:v42+s4+$0x0], $0xffff  }
0x264: {  	v62 =	vadd.s32 $0x2710, v26;
	v52 =	vor.u32 s0, v11;
	[tilespmem:v40+s24+$0x0] =	vst.idx.msk $0xffff, v41;
	v50 =	vld.idx.msk [tilespmem:v45+s4+$0x0], $0xffff  }
0x265: {  	v51 =	vadd.s32 $0x2710, v20;
	[tilespmem:v28+s24+$0x0] =	vst.idx.msk $0xffff, v44;
	v28 =	vld.idx.msk [tilespmem:v30+s4+$0x0], $0xffff;
	v30 =	vor.u32 s5, v11  }
0x266: {  	v54 =	vor.u32 s12, v2;
	v35 =	vld.idx.msk [tilespmem:v63+s4+$0x0], $0xffff;
	[tilespmem:v46+s24+$0x0] =	vst.idx.msk $0xffff, v29;
	v29 =	vadd.s32 $0x2AF8, v25  }
0x267: {  	v56 =	vadd.s32 $0x2AF8, v27;
	v55 =	vor.u32 s13, v2;
	[tilespmem:v32+s24+$0x0] =	vst.idx.msk $0xffff, v61;
	v31 =	vld.idx.msk [tilespmem:v31+s4+$0x0], $0xffff  }
0x268: {  	v57 =	vadd.s32 $0x7D0, v22;
	v59 =	vor.u32 s11, v2;
	v61 =	vld.idx.msk [tilespmem:v53+s4+$0x0], $0xffff;
	[tilespmem:v48+s24+$0x0] =	vst.idx.msk $0xffff, v34  }
0x269: {  	v58 =	vor.u32 s19, v11;
	v33 =	vld.idx.msk [tilespmem:v62+s4+$0x0], $0xffff;
	[tilespmem:v52+s24+$0x0] =	vst.idx.msk $0xffff, v49;
	v62 =	vadd.s32 $0x7D0, v24  }
0x26a: {  	v60 =	vadd.s32 $0x2AF8, v26;
	v63 =	vor.u32 s14, v2;
	v39 =	vld.idx.msk [tilespmem:v51+s4+$0x0], $0xffff;
	[tilespmem:v30+s24+$0x0] =	vst.idx.msk $0xffff, v50  }
0x26b: {  	v30 =	vor.u32 s9, v11;
	[tilespmem:v54+s24+$0x0] =	vst.idx.msk $0xffff, v28;
	v28 =	vadd.s32 $0x7D0, v21;
	v29 =	vld.idx.msk [tilespmem:v29+s4+$0x0], $0xffff  }
0x26c: {  	v48 =	vor.u32 s0, v12;
	[tilespmem:v55+s24+$0x0] =	vst.idx.msk $0xffff, v31;
	v31 =	vadd.s32 $0x7D0, v23;
	v32 =	vld.idx.msk [tilespmem:v56+s4+$0x0], $0xffff  }
0x26d: {  	v49 =	vadd.s32 $0x2AF8, v20;
	[tilespmem:v59+s24+$0x0] =	vst.idx.msk $0xffff, v35;
	v50 =	vor.u32 s5, v12;
	v43 =	vld.idx.msk [tilespmem:v57+s4+$0x0], $0xffff  }
0x26e: {  	v53 =	vadd.s32 $0x2EE0, v25;
	v51 =	vor.u32 s13, v3;
	[tilespmem:v58+s24+$0x0] =	vst.idx.msk $0xffff, v33;
	v40 =	vld.idx.msk [tilespmem:v62+s4+$0x0], $0xffff  }
0x26f: {  	v54 =	vadd.s32 $0xBB8, v22;
	v55 =	vor.u32 s19, v12;
	[tilespmem:v63+s24+$0x0] =	vst.idx.msk $0xffff, v61;
	v52 =	vld.idx.msk [tilespmem:v60+s4+$0x0], $0xffff  }
0x270: {  	v56 =	vadd.s32 $0x2EE0, v26;
	[tilespmem:v30+s24+$0x0] =	vst.idx.msk $0xffff, v39;
	v28 =	vld.idx.msk [tilespmem:v28+s4+$0x0], $0xffff;
	v30 =	vor.u32 s11, v3  }
0x271: {  	v57 =	vor.u32 s12, v3;
	v58 =	vadd.s32 $0xBB8, v24;
	v31 =	vld.idx.msk [tilespmem:v31+s4+$0x0], $0xffff;
	[tilespmem:v48+s24+$0x0] =	vst.idx.msk $0xffff, v29  }
0x272: {  	v59 =	vor.u32 s14, v3;
	v29 =	vadd.s32 $0xBB8, v21;
	[tilespmem:v50+s24+$0x0] =	vst.idx.msk $0xffff, v32;
	v60 =	vld.idx.msk [tilespmem:v49+s4+$0x0], $0xffff  }
0x273: {  	v61 =	vor.u32 s9, v12;
	v62 =	vadd.s32 $0xBB8, v23;
	[tilespmem:v51+s24+$0x0] =	vst.idx.msk $0xffff, v43;
	v35 =	vld.idx.msk [tilespmem:v53+s4+$0x0], $0xffff  }
0x274: {  	v63 =	vadd.s32 $0x2EE0, v20;
	v48 =	vor.u32 s0, v13;
	v36 =	vld.idx.msk [tilespmem:v54+s4+$0x0], $0xffff;
	[tilespmem:v55+s24+$0x0] =	vst.idx.msk $0xffff, v52  }
0x275: {  	v49 =	vor.u32 s13, v4;
	v50 =	vadd.s32 $0x32C8, v25;
	[tilespmem:v30+s24+$0x0] =	vst.idx.msk $0xffff, v40;
	v30 =	vld.idx.msk [tilespmem:v56+s4+$0x0], $0xffff  }
0x276: {  	v51 =	vadd.s32 $0xFA0, v22;
	v52 =	vor.u32 s19, v13;
	[tilespmem:v57+s24+$0x0] =	vst.idx.msk $0xffff, v28;
	v28 =	vld.idx.msk [tilespmem:v58+s4+$0x0], $0xffff  }
0x277: {  	v53 =	vadd.s32 $0x32C8, v26;
	v29 =	vld.idx.msk [tilespmem:v29+s4+$0x0], $0xffff;
	[tilespmem:v59+s24+$0x0] =	vst.idx.msk $0xffff, v31;
	v31 =	vor.u32 s11, v4  }
0x278: {  	v54 =	vor.u32 s12, v4;
	v55 =	vadd.s32 $0xFA0, v24;
	[tilespmem:v61+s24+$0x0] =	vst.idx.msk $0xffff, v60;
	v33 =	vld.idx.msk [tilespmem:v62+s4+$0x0], $0xffff  }
0x279: {  	v56 =	vadd.s32 $0xFA0, v21;
	v57 =	vor.u32 s14, v4;
	v34 =	vld.idx.msk [tilespmem:v63+s4+$0x0], $0xffff;
	[tilespmem:v48+s24+$0x0] =	vst.idx.msk $0xffff, v35  }
0x27a: {  	v58 =	vor.u32 s9, v13;
	v59 =	vadd.s32 $0xFA0, v23;
	[tilespmem:v49+s24+$0x0] =	vst.idx.msk $0xffff, v36;
	v37 =	vld.idx.msk [tilespmem:v50+s4+$0x0], $0xffff  }
0x27b: {  	v61 =	vor.u32 s13, v5;
	v40 =	vld.idx.msk [tilespmem:v51+s4+$0x0], $0xffff;
	[tilespmem:v52+s24+$0x0] =	vst.idx.msk $0xffff, v30;
	v30 =	vadd.s32 $0x32C8, v20  }
0x27c: {  	v60 =	vor.u32 s0, v14;
	v62 =	vadd.s32 $0x1388, v22;
	[tilespmem:v31+s24+$0x0] =	vst.idx.msk $0xffff, v28;
	v28 =	vld.idx.msk [tilespmem:v53+s4+$0x0], $0xffff  }
0x27d: {  	v63 =	vor.u32 s19, v14;
	v31 =	vadd.s32 $0x36B0, v25;
	[tilespmem:v54+s24+$0x0] =	vst.idx.msk $0xffff, v29;
	v29 =	vld.idx.msk [tilespmem:v55+s4+$0x0], $0xffff  }
0x27e: {  	v48 =	vor.u32 s11, v5;
	v49 =	vadd.s32 $0x36B0, v26;
	v32 =	vld.idx.msk [tilespmem:v56+s4+$0x0], $0xffff;
	[tilespmem:v57+s24+$0x0] =	vst.idx.msk $0xffff, v33  }
0x27f: {  	v50 =	vor.u32 s12, v5;
	[tilespmem:v58+s24+$0x0] =	vst.idx.msk $0xffff, v34;
	v56 =	vadd.s32 $0x2EE0, v27;
	v36 =	vld.idx.msk [tilespmem:v59+s4+$0x0], $0xffff  }
0x280: {  	v51 =	vadd.s32 $0x1388, v24;
	v53 =	vor.u32 s14, v5;
	[tilespmem:v61+s24+$0x0] =	vst.idx.msk $0xffff, v40;
	v30 =	vld.idx.msk [tilespmem:v30+s4+$0x0], $0xffff  }
0x281: {  	v52 =	vadd.s32 $0x1388, v21;
	v54 =	vor.u32 s9, v14;
	[tilespmem:v60+s24+$0x0] =	vst.idx.msk $0xffff, v37;
	v39 =	vld.idx.msk [tilespmem:v62+s4+$0x0], $0xffff  }
0x282: {  	v55 =	vadd.s32 $0x1388, v23;
	v57 =	vor.u32 s13, v6;
	v31 =	vld.idx.msk [tilespmem:v31+s4+$0x0], $0xffff;
	[tilespmem:v63+s24+$0x0] =	vst.idx.msk $0xffff, v28  }
0x283: {  	v59 =	vadd.s32 $0x1770, v22;
	v28 =	vor.u32 s0, v15;
	[tilespmem:v48+s24+$0x0] =	vst.idx.msk $0xffff, v29;
	v29 =	vld.idx.msk [tilespmem:v49+s4+$0x0], $0xffff  }
0x284: {  	v58 =	vadd.s32 $0x3A98, v25;
	v61 =	vor.u32 s19, v15;
	[tilespmem:v50+s24+$0x0] =	vst.idx.msk $0xffff, v32;
	v32 =	vld.idx.msk [tilespmem:v56+s4+$0x0], $0xffff  }
0x285: {  	v47 =	vadd.s32 $0x36B0, v20;
	v63 =	vor.u32 s11, v6;
	v60 =	vld.idx.msk [tilespmem:v51+s4+$0x0], $0xffff;
	[tilespmem:v53+s24+$0x0] =	vst.idx.msk $0xffff, v36  }
0x286: {  	v48 =	vor.u32 s12, v6;
	v62 =	vld.idx.msk [tilespmem:v52+s4+$0x0], $0xffff;
	v52 =	vadd.s32 $0x3A98, v26;
	[tilespmem:v54+s24+$0x0] =	vst.idx.msk $0xffff, v30  }
0x287: {  	v41 =	vor.u32 s13, v7;
	v50 =	vadd.s32 $0x1770, v24;
	v51 =	vor.u32 s14, v6;
	v49 =	vld.idx.msk [tilespmem:v55+s4+$0x0], $0xffff;
	[tilespmem:v57+s24+$0x0] =	vst.idx.msk $0xffff, v39  }
0x288: {  	v42 =	vadd.s32 $0x1B58, v22;
	v44 =	vadd.s32 $0x1770, v21;
	v36 =	vor.u32 s5, v13;
	[tilespmem:v28+s24+$0x0] =	vst.idx.msk $0xffff, v31;
	v40 =	vld.idx.msk [tilespmem:v59+s4+$0x0], $0xffff  }
0x289: {  	v45 =	vor.u32 s11, v7;
	v35 =	vadd.s32 $0x32C8, v27;
	v39 =	vor.u32 s0, v16;
	v38 =	vld.idx.msk [tilespmem:v58+s4+$0x0], $0xffff;
	[tilespmem:v61+s24+$0x0] =	vst.idx.msk $0xffff, v29  }
0x28a: {  	v46 =	vadd.s32 $0x1770, v23;
	v25 =	vor.u32 s19, v16;
	v34 =	vor.u32 s5, v14;
	v37 =	vld.idx.msk [tilespmem:v47+s4+$0x0], $0xffff;
	[tilespmem:v63+s24+$0x0] =	vst.idx.msk $0xffff, v60  }
0x28b: {  	v33 =	vadd.s32 $0x36B0, v27;
	v31 =	vadd.s32 $0x3A98, v27;
	v29 =	vor.u32 s9, v15;
	[tilespmem:v48+s24+$0x0] =	vst.idx.msk $0xffff, v62;
	v27 =	vld.idx.msk [tilespmem:v52+s4+$0x0], $0xffff  }
0x28c: {  	s19 =	simm.s32 $0x4;
	v26 =	vor.u32 s12, v16;
	v30 =	vor.u32 s5, v15;
	v28 =	vadd.s32 $0x1B58, v24;
	v43 =	vld.idx.msk [tilespmem:v50+s4+$0x0], $0xffff;
	[tilespmem:v51+s24+$0x0] =	vst.idx.msk $0xffff, v49  }
.LBB2_7:
0x28d: {  	s19 =	sadd.s32 $0x4, s19;
	v44 =	vld.idx.msk [tilespmem:v44+s4+$0x0], $0xffff;
	[tilespmem:v36+s24+$0x0] =	vst.idx.msk $0xffff, v32  }
0x28e: {  	v32 =	vor.u32 s12, v7;
	s15 =	sadd.s32 $0x40, s15;
	v36 =	vadd.s32 $0x3A98, v20;
	v20 =	vmov v23;
	p0 =	slt.u32 s19, $0x3C;
	v35 =	vld.idx.msk [tilespmem:v35+s4+$0x0], $0xffff;
	[tilespmem:v39+s24+$0x0] =	vst.idx.msk $0xffff, v38  }
0x28f: {  	v38 =	vadd.s32 $0x1B58, v21;
	v23 =	vld [tilespmem:s15+$0x0];
	[tilespmem:v41+s24+$0x0] =	vst.idx.msk $0xffff, v40  }
0x290: {  	v40 =	vor.u32 s5, v16;
	s5 =	smov.u32 s13;
	v39 =	vld.idx.msk [tilespmem:v42+s4+$0x0], $0xffff;
	[tilespmem:v29+s24+$0x0] =	vst.idx.msk $0xffff, v37  }
0x291: {  	v29 =	vor.u32 s5, v8;
	v37 =	vld.idx.msk [tilespmem:v46+s4+$0x0], $0xffff;
	[tilespmem:v45+s24+$0x0] =	vst.idx.msk $0xffff, v43  }
0x292: {  	v41 =	vadd.s32 $0x1F40, v22;
	v42 =	vor.u32 s14, v7;
	v28 =	vld.idx.msk [tilespmem:v28+s4+$0x0], $0xffff;
	[tilespmem:v25+s24+$0x0] =	vst.idx.msk $0xffff, v27;
	v25 =	vmov v26  }
0x293: {  	v26 =	vadd.s32 $0x1B58, v20;
	[tilespmem:v32+s24+$0x0] =	vst.idx.msk $0xffff, v44;
	v32 =	vor.u32 s11, v8;
	v36 =	vld.idx.msk [tilespmem:v36+s4+$0x0], $0xffff  }
0x294: {  	v43 =	vadd.s32 $0x1F40, v24;
	v38 =	vld.idx.msk [tilespmem:v38+s4+$0x0], $0xffff;
	[tilespmem:v34+s24+$0x0] =	vst.idx.msk $0xffff, v35;
	v34 =	vor.u32 s9, v16;
	s9 =	smov.u32 s14  }
0x295: {  	v35 =	vor.u32 s12, v8;
	v33 =	vld.idx.msk [tilespmem:v33+s4+$0x0], $0xffff  }
0x296: {  	v27 =	vld [tilespmem:s15+$0xFFFFFFF0];
	[tilespmem:v29+s24+$0x0] =	vst.idx.msk $0xffff, v39  }
0x297: {  	v39 =	vld.idx.msk [tilespmem:v41+s4+$0x0], $0xffff;
	[tilespmem:v42+s24+$0x0] =	vst.idx.msk $0xffff, v37  }
0x298: {  	v37 =	vor.u32 s5, v9;
	v41 =	vadd.s32 $0x1F40, v21;
	v26 =	vld.idx.msk [tilespmem:v26+s4+$0x0], $0xffff;
	[tilespmem:v32+s24+$0x0] =	vst.idx.msk $0xffff, v28  }
0x299: {  	v42 =	vor.u32 s9, v8;
	v28 =	vadd.s32 $0x2328, v22;
	v43 =	vld.idx.msk [tilespmem:v43+s4+$0x0], $0xffff;
	[tilespmem:v34+s24+$0x0] =	vst.idx.msk $0xffff, v36  }
0x29a: {  	v34 =	vadd.s32 $0x1F40, v20;
	v32 =	vld [tilespmem:s15+$0x10];
	[tilespmem:v35+s24+$0x0] =	vst.idx.msk $0xffff, v38;
	v35 =	vor.u32 s11, v9  }
0x29b: {  	v36 =	vadd.s32 $0x2328, v24;
	v29 =	vld [tilespmem:s15+$0xFFFFFFE0];
	[tilespmem:v30+s24+$0x0] =	vst.idx.msk $0xffff, v33  }
0x29c: {  	v30 =	vld.idx.msk [tilespmem:v31+s4+$0x0], $0xffff  }
0x29d: {  	s10 =	sadd.s32 $0x40, s10;
	[tilespmem:v37+s24+$0x0] =	vst.idx.msk $0xffff, v39;
	v31 =	vld.idx.msk [tilespmem:v41+s4+$0x0], $0xffff  }
0x29e: {  	s16 =	sadd.s32 $0x200, s16;
	s0 =	sadd.s32 $0xFFFFFFE0, s10;
	v37 =	vor.u32 s12, v9;
	v33 =	vld.idx.msk [tilespmem:v28+s4+$0x0], $0xffff;
	[tilespmem:v42+s24+$0x0] =	vst.idx.msk $0xffff, v26  }
0x29f: {  	s0 =	sand.u32 $0x50, s0;
	s14 =	sand.u32 $0x1C00, s16;
	v38 =	vor.u32 s5, v10;
	v39 =	vadd.s32 $0x2328, v21;
	v28 =	vadd.s32 $0x1B58, v32;
	v34 =	vld.idx.msk [tilespmem:v34+s4+$0x0], $0xffff;
	[tilespmem:v35+s24+$0x0] =	vst.idx.msk $0xffff, v43  }
0x2a0: {  	s13 =	sadd.s32 $0xFFFFFFD0, s10;
	s20 =	sor.u32 s14, s0;
	s0 =	sand.u32 $0x70, s10;
	v35 =	vor.u32 s9, v9;
	v36 =	vld.idx.msk [tilespmem:v36+s4+$0x0], $0xffff  }
0x2a1: {  	s13 =	sand.u32 $0x40, s13;
	s0 =	sor.u32 s14, s0;
	v26 =	vor.u32 s20, v0;
	v42 =	vadd.s32 $0x2328, v20;
	v43 =	vor.u32 s11, v10;
	v41 =	vld.idx.msk [tilespmem:v27+s4+$0x0], $0xffff  }
0x2a2: {  	s25 =	sadd.s32 $0xFFFFFFF0, s10;
	v46 =	vadd.s32 $0x2710, v24;
	s13 =	sor.u32 s13, s14;
	v44 =	vand.u32 v17, v26;
	v26 =	vor.u32 s0, v0;
	v45 =	vld.idx.msk [tilespmem:v32+s4+$0x0], $0xffff;
	[tilespmem:v40+s24+$0x0] =	vst.idx.msk $0xffff, v30  }
0x2a3: {  	v48 =	vadd.s32 $0x2710, v22;
	s25 =	sand.u32 $0x60, s25;
	v47 =	vand.u32 v19, v26;
	v30 =	vor.u32 s13, v0;
	v40 =	vld.idx.msk [tilespmem:v29+s4+$0x0], $0xffff;
	[tilespmem:v37+s24+$0x0] =	vst.idx.msk $0xffff, v31  }
0x2a4: {  	s14 =	sor.u32 s14, s25;
	v26 =	vor.u32 s20, v16;
	v30 =	vand.u32 v1, v30;
	v31 =	vadd.s32 $0x3E8, v27;
	[tilespmem:v38+s24+$0x0] =	vst.idx.msk $0xffff, v33;
	v33 =	vld.idx.msk [tilespmem:v39+s4+$0x0], $0xffff  }
0x2a5: {  	v49 =	vor.u32 s12, v10;
	v37 =	vadd.s32 $0x3E8, v29;
	v38 =	vor.u32 s14, v0;
	v39 =	vld.idx.msk [tilespmem:v23+s4+$0x0], $0xffff;
	[tilespmem:v35+s24+$0x0] =	vst.idx.msk $0xffff, v34  }
0x2a6: {  	v34 =	vand.u32 v18, v38;
	v35 =	vadd.s32 $0x3E8, v32;
	v38 =	vadd.s32 $0x2710, v21;
	v42 =	vld.idx.msk [tilespmem:v42+s4+$0x0], $0xffff;
	[tilespmem:v43+s24+$0x0] =	vst.idx.msk $0xffff, v36  }
0x2a7: {  	v36 =	vadd.s32 $0x3E8, v23;
	[tilespmem:v44+s24+$0x0] =	vst.idx.msk $0xffff, v41;
	v41 =	vor.u32 s9, v10;
	v43 =	vld.idx.msk [tilespmem:v46+s4+$0x0], $0xffff  }
0x2a8: {  	v46 =	vor.u32 s11, v11;
	[tilespmem:v47+s24+$0x0] =	vst.idx.msk $0xffff, v45;
	v44 =	vld.idx.msk [tilespmem:v48+s4+$0x0], $0xffff;
	v45 =	vadd.s32 $0x2710, v20  }
0x2a9: {  	[tilespmem:v30+s24+$0x0] =	vst.idx.msk $0xffff, v40;
	v30 =	vld.idx.msk [tilespmem:v31+s4+$0x0], $0xffff;
	v31 =	vor.u32 s5, v11  }
0x2aa: {  	v40 =	vor.u32 s20, v2;
	v37 =	vld.idx.msk [tilespmem:v37+s4+$0x0], $0xffff;
	[tilespmem:v49+s24+$0x0] =	vst.idx.msk $0xffff, v33;
	v33 =	vadd.s32 $0x2AF8, v24  }
0x2ab: {  	v47 =	vor.u32 s13, v2;
	[tilespmem:v34+s24+$0x0] =	vst.idx.msk $0xffff, v39;
	v34 =	vadd.s32 $0x2AF8, v22;
	v38 =	vld.idx.msk [tilespmem:v38+s4+$0x0], $0xffff  }
0x2ac: {  	v48 =	vor.u32 s12, v11;
	v39 =	vadd.s32 $0x7D0, v29;
	v35 =	vld.idx.msk [tilespmem:v35+s4+$0x0], $0xffff;
	[tilespmem:v41+s24+$0x0] =	vst.idx.msk $0xffff, v42  }
0x2ad: {  	v41 =	vor.u32 s0, v2;
	v42 =	vadd.s32 $0x2AF8, v21;
	v45 =	vld.idx.msk [tilespmem:v45+s4+$0x0], $0xffff;
	[tilespmem:v46+s24+$0x0] =	vst.idx.msk $0xffff, v43  }
0x2ae: {  	v43 =	vadd.s32 $0x7D0, v32;
	v36 =	vld.idx.msk [tilespmem:v36+s4+$0x0], $0xffff;
	[tilespmem:v31+s24+$0x0] =	vst.idx.msk $0xffff, v44;
	v31 =	vor.u32 s9, v11  }
0x2af: {  	[tilespmem:v40+s24+$0x0] =	vst.idx.msk $0xffff, v30;
	v30 =	vadd.s32 $0x7D0, v27;
	v40 =	vor.u32 s14, v2;
	v33 =	vld.idx.msk [tilespmem:v33+s4+$0x0], $0xffff  }
0x2b0: {  	v46 =	vor.u32 s11, v12;
	v44 =	vadd.s32 $0x2AF8, v20;
	[tilespmem:v47+s24+$0x0] =	vst.idx.msk $0xffff, v37;
	v37 =	vadd.s32 $0x7D0, v23;
	v34 =	vld.idx.msk [tilespmem:v34+s4+$0x0], $0xffff  }
0x2b1: {  	v47 =	vor.u32 s5, v12;
	v39 =	vld.idx.msk [tilespmem:v39+s4+$0x0], $0xffff;
	[tilespmem:v48+s24+$0x0] =	vst.idx.msk $0xffff, v38  }
0x2b2: {  	v38 =	vor.u32 s13, v3;
	[tilespmem:v41+s24+$0x0] =	vst.idx.msk $0xffff, v35;
	v35 =	vld.idx.msk [tilespmem:v42+s4+$0x0], $0xffff;
	v41 =	vadd.s32 $0x2EE0, v24  }
0x2b3: {  	v48 =	vor.u32 s12, v12;
	v42 =	vadd.s32 $0xBB8, v29;
	v43 =	vld.idx.msk [tilespmem:v43+s4+$0x0], $0xffff;
	[tilespmem:v31+s24+$0x0] =	vst.idx.msk $0xffff, v45  }
0x2b4: {  	v31 =	vor.u32 s0, v3;
	v30 =	vld.idx.msk [tilespmem:v30+s4+$0x0], $0xffff;
	[tilespmem:v40+s24+$0x0] =	vst.idx.msk $0xffff, v36;
	v36 =	vadd.s32 $0x2EE0, v21  }
0x2b5: {  	v45 =	vadd.s32 $0xBB8, v32;
	v40 =	vor.u32 s20, v3;
	v37 =	vld.idx.msk [tilespmem:v37+s4+$0x0], $0xffff;
	[tilespmem:v46+s24+$0x0] =	vst.idx.msk $0xffff, v33  }
0x2b6: {  	v33 =	vadd.s32 $0xBB8, v27;
	v46 =	vor.u32 s14, v3;
	[tilespmem:v47+s24+$0x0] =	vst.idx.msk $0xffff, v34;
	v34 =	vld.idx.msk [tilespmem:v44+s4+$0x0], $0xffff;
	v44 =	vor.u32 s9, v12  }
0x2b7: {  	[tilespmem:v38+s24+$0x0] =	vst.idx.msk $0xffff, v39;
	v38 =	vadd.s32 $0xBB8, v23;
	v39 =	vld.idx.msk [tilespmem:v41+s4+$0x0], $0xffff  }
0x2b8: {  	v41 =	vld.idx.msk [tilespmem:v42+s4+$0x0], $0xffff;
	[tilespmem:v48+s24+$0x0] =	vst.idx.msk $0xffff, v35;
	v35 =	vadd.s32 $0x2EE0, v20;
	v42 =	vor.u32 s11, v13  }
0x2b9: {  	v47 =	vor.u32 s13, v4;
	[tilespmem:v31+s24+$0x0] =	vst.idx.msk $0xffff, v43;
	v31 =	vld.idx.msk [tilespmem:v36+s4+$0x0], $0xffff;
	v36 =	vadd.s32 $0x32C8, v24  }
0x2ba: {  	v43 =	vadd.s32 $0xFA0, v29;
	[tilespmem:v40+s24+$0x0] =	vst.idx.msk $0xffff, v30;
	v30 =	vld.idx.msk [tilespmem:v45+s4+$0x0], $0xffff;
	v40 =	vor.u32 s12, v13  }
0x2bb: {  	v45 =	vadd.s32 $0x32C8, v21;
	v33 =	vld.idx.msk [tilespmem:v33+s4+$0x0], $0xffff;
	[tilespmem:v46+s24+$0x0] =	vst.idx.msk $0xffff, v37;
	v37 =	vor.u32 s0, v4  }
0x2bc: {  	v48 =	vadd.s32 $0xFA0, v32;
	v46 =	vor.u32 s20, v4;
	v38 =	vld.idx.msk [tilespmem:v38+s4+$0x0], $0xffff;
	[tilespmem:v44+s24+$0x0] =	vst.idx.msk $0xffff, v34  }
0x2bd: {  	v50 =	vor.u32 s9, v13;
	v34 =	vadd.s32 $0xFA0, v27;
	v44 =	vor.u32 s14, v4;
	v49 =	vld.idx.msk [tilespmem:v35+s4+$0x0], $0xffff;
	[tilespmem:v42+s24+$0x0] =	vst.idx.msk $0xffff, v39  }
0x2be: {  	v39 =	vadd.s32 $0xFA0, v23;
	[tilespmem:v47+s24+$0x0] =	vst.idx.msk $0xffff, v41;
	v41 =	vld.idx.msk [tilespmem:v36+s4+$0x0], $0xffff  }
0x2bf: {  	v36 =	vor.u32 s5, v13;
	v42 =	vld.idx.msk [tilespmem:v43+s4+$0x0], $0xffff;
	[tilespmem:v40+s24+$0x0] =	vst.idx.msk $0xffff, v31;
	v31 =	vadd.s32 $0x32C8, v20;
	v40 =	vor.u32 s11, v14  }
0x2c0: {  	v35 =	vadd.s32 $0x32C8, v22;
	v43 =	vor.u32 s13, v5;
	[tilespmem:v37+s24+$0x0] =	vst.idx.msk $0xffff, v30;
	v30 =	vld.idx.msk [tilespmem:v45+s4+$0x0], $0xffff;
	v37 =	vadd.s32 $0x36B0, v24  }
0x2c1: {  	v45 =	vadd.s32 $0x1388, v29;
	[tilespmem:v46+s24+$0x0] =	vst.idx.msk $0xffff, v33;
	v33 =	vld.idx.msk [tilespmem:v48+s4+$0x0], $0xffff;
	v46 =	vor.u32 s12, v14  }
0x2c2: {  	v47 =	vld.idx.msk [tilespmem:v34+s4+$0x0], $0xffff;
	[tilespmem:v44+s24+$0x0] =	vst.idx.msk $0xffff, v38;
	v38 =	vor.u32 s0, v5;
	v44 =	vadd.s32 $0x36B0, v21  }
0x2c3: {  	v51 =	vadd.s32 $0x1388, v32;
	v48 =	vor.u32 s20, v5;
	v39 =	vld.idx.msk [tilespmem:v39+s4+$0x0], $0xffff;
	[tilespmem:v50+s24+$0x0] =	vst.idx.msk $0xffff, v49  }
0x2c4: {  	v52 =	vor.u32 s9, v14;
	v49 =	vadd.s32 $0x1388, v27;
	v50 =	vor.u32 s14, v5;
	v31 =	vld.idx.msk [tilespmem:v31+s4+$0x0], $0xffff;
	[tilespmem:v40+s24+$0x0] =	vst.idx.msk $0xffff, v41  }
0x2c5: {  	v40 =	vadd.s32 $0x1388, v23;
	v41 =	vadd.s32 $0x2EE0, v22;
	[tilespmem:v43+s24+$0x0] =	vst.idx.msk $0xffff, v42;
	v37 =	vld.idx.msk [tilespmem:v37+s4+$0x0], $0xffff  }
0x2c6: {  	v34 =	vor.u32 s5, v14;
	v42 =	vld.idx.msk [tilespmem:v45+s4+$0x0], $0xffff;
	[tilespmem:v46+s24+$0x0] =	vst.idx.msk $0xffff, v30;
	v30 =	vor.u32 s11, v15  }
0x2c7: {  	v43 =	vor.u32 s13, v6;
	[tilespmem:v38+s24+$0x0] =	vst.idx.msk $0xffff, v33;
	v33 =	vadd.s32 $0x36B0, v22;
	v45 =	vld.idx.msk [tilespmem:v44+s4+$0x0], $0xffff;
	v38 =	vadd.s32 $0x3A98, v24;
	v24 =	vmovc v32  }
0x2c8: {  	v46 =	vadd.s32 $0x1770, v29;
	[tilespmem:v48+s24+$0x0] =	vst.idx.msk $0xffff, v47;
	v47 =	vld.idx.msk [tilespmem:v51+s4+$0x0], $0xffff;
	v48 =	vor.u32 s12, v15;
	s12 =	smov.u32 s20  }
0x2c9: {  	v51 =	vadd.s32 $0x36B0, v20;
	v49 =	vld.idx.msk [tilespmem:v49+s4+$0x0], $0xffff;
	[tilespmem:v50+s24+$0x0] =	vst.idx.msk $0xffff, v39;
	v50 =	vor.u32 s0, v6  }
0x2ca: {  	v55 =	vadd.s32 $0x1770, v24;
	v53 =	vor.u32 s12, v6;
	v54 =	vld.idx.msk [tilespmem:v40+s4+$0x0], $0xffff;
	[tilespmem:v52+s24+$0x0] =	vst.idx.msk $0xffff, v31  }
0x2cb: {  	v56 =	vadd.s32 $0x3A98, v21;
	v21 =	vmov v27;
	v52 =	vor.u32 s14, v6;
	v32 =	vld.idx.msk [tilespmem:v41+s4+$0x0], $0xffff;
	[tilespmem:v30+s24+$0x0] =	vst.idx.msk $0xffff, v37  }
.Ltmp2:
0x2cc: {  	v44 =	vadd.s32 $0x1770, v21;
	[tilespmem:v43+s24+$0x0] =	vst.idx.msk $0xffff, v42;
	v38 =	vld.idx.msk [tilespmem:v38+s4+$0x0], $0xffff;
	(pc) =	sbr.rel @p0 .LBB2_7-.Ltmp2, $4  }
0x2cd: {  	v39 =	vor.u32 s11, v16;
	s11 =	smov.u32 s0;
	v30 =	vor.u32 s5, v15;
	v40 =	vld.idx.msk [tilespmem:v46+s4+$0x0], $0xffff;
	[tilespmem:v48+s24+$0x0] =	vst.idx.msk $0xffff, v45  }
0x2ce: {  	v31 =	vadd.s32 $0x3A98, v22;
	v22 =	vmov v29;
	v41 =	vor.u32 s13, v7;
	[tilespmem:v50+s24+$0x0] =	vst.idx.msk $0xffff, v47;
	v37 =	vld.idx.msk [tilespmem:v51+s4+$0x0], $0xffff  }
0x2cf: {  	v29 =	vor.u32 s9, v15;
	v42 =	vadd.s32 $0x1B58, v22;
	[tilespmem:v53+s24+$0x0] =	vst.idx.msk $0xffff, v49;
	v43 =	vld.idx.msk [tilespmem:v55+s4+$0x0], $0xffff  }
0x2d0: {  	v46 =	vadd.s32 $0x1770, v23;
	v45 =	vor.u32 s11, v7;
	[tilespmem:v52+s24+$0x0] =	vst.idx.msk $0xffff, v54;
	v27 =	vld.idx.msk [tilespmem:v56+s4+$0x0], $0xffff  }
0x2d1: {  	_ =	sdelay $0x3  }
0x2d2: {  	v44 =	vld.idx.msk [tilespmem:v44+s4+$0x0], $0xffff;
	v47 =	vor.u32 s12, v7  }
0x2d3: {  	v48 =	vadd.s32 $0x1B58, v21;
	v46 =	vld.idx.msk [tilespmem:v46+s4+$0x0], $0xffff;
	v49 =	vor.u32 s14, v7  }
0x2d4: {  	v50 =	vadd.s32 $0x1B58, v23;
	_ =	sdelay $0x1  }
0x2d5: {  	[tilespmem:v45+s24+$0x0] =	vst.idx.msk $0xffff, v43  }
0x2d6: {  	v57 =	vor.u32 s11, v8;
	v28 =	vld.idx.msk [tilespmem:v28+s4+$0x0], $0xffff;
	[tilespmem:v47+s24+$0x0] =	vst.idx.msk $0xffff, v44  }
0x2d7: {  	v58 =	vadd.s32 $0x1F40, v24;
	v59 =	vor.u32 s12, v8;
	[tilespmem:v49+s24+$0x0] =	vst.idx.msk $0xffff, v46;
	v44 =	vld.idx.msk [tilespmem:v48+s4+$0x0], $0xffff  }
0x2d8: {  	v60 =	vadd.s32 $0x1F40, v21;
	v62 =	vor.u32 s14, v8;
	[tilespmem:v41+s24+$0x0] =	vst.idx.msk $0xffff, v40;
	v61 =	vld.idx.msk [tilespmem:v50+s4+$0x0], $0xffff  }
0x2d9: {  	v63 =	vor.u32 s13, v8;
	v52 =	vadd.s32 $0x1F40, v23;
	v42 =	vld.idx.msk [tilespmem:v42+s4+$0x0], $0xffff  }
0x2da: {  	v53 =	vadd.s32 $0x1F40, v22  }
0x2db: {  	[tilespmem:v57+s24+$0x0] =	vst.idx.msk $0xffff, v28  }
0x2dc: {  	v54 =	vor.u32 s11, v9;
	v28 =	vld.idx.msk [tilespmem:v58+s4+$0x0], $0xffff;
	[tilespmem:v59+s24+$0x0] =	vst.idx.msk $0xffff, v44  }
0x2dd: {  	v55 =	vadd.s32 $0x2328, v24;
	v56 =	vor.u32 s12, v9;
	[tilespmem:v62+s24+$0x0] =	vst.idx.msk $0xffff, v61;
	v40 =	vld.idx.msk [tilespmem:v60+s4+$0x0], $0xffff  }
0x2de: {  	[tilespmem:v63+s24+$0x0] =	vst.idx.msk $0xffff, v42;
	v57 =	vadd.s32 $0x2328, v21;
	v59 =	vor.u32 s14, v9;
	v58 =	vld.idx.msk [tilespmem:v52+s4+$0x0], $0xffff  }
0x2df: {  	v61 =	vor.u32 s13, v9;
	v62 =	vadd.s32 $0x2328, v23;
	v60 =	vld.idx.msk [tilespmem:v53+s4+$0x0], $0xffff  }
0x2e0: {  	v63 =	vadd.s32 $0x2328, v22  }
0x2e1: {  	[tilespmem:v54+s24+$0x0] =	vst.idx.msk $0xffff, v28  }
0x2e2: {  	v52 =	vor.u32 s11, v10;
	v28 =	vld.idx.msk [tilespmem:v55+s4+$0x0], $0xffff;
	[tilespmem:v56+s24+$0x0] =	vst.idx.msk $0xffff, v40  }
0x2e3: {  	v53 =	vadd.s32 $0x2710, v24;
	v54 =	vor.u32 s12, v10;
	[tilespmem:v59+s24+$0x0] =	vst.idx.msk $0xffff, v58;
	v41 =	vld.idx.msk [tilespmem:v57+s4+$0x0], $0xffff  }
0x2e4: {  	v55 =	vadd.s32 $0x2710, v21;
	[tilespmem:v61+s24+$0x0] =	vst.idx.msk $0xffff, v60;
	v56 =	vld.idx.msk [tilespmem:v62+s4+$0x0], $0xffff;
	v57 =	vor.u32 s14, v10  }
0x2e5: {  	v58 =	vor.u32 s13, v10;
	v59 =	vadd.s32 $0x2710, v23;
	v47 =	vld.idx.msk [tilespmem:v63+s4+$0x0], $0xffff  }
0x2e6: {  	v60 =	vadd.s32 $0x2710, v22  }
0x2e7: {  	[tilespmem:v52+s24+$0x0] =	vst.idx.msk $0xffff, v28  }
0x2e8: {  	v61 =	vor.u32 s11, v11;
	v28 =	vld.idx.msk [tilespmem:v53+s4+$0x0], $0xffff;
	[tilespmem:v54+s24+$0x0] =	vst.idx.msk $0xffff, v41  }
0x2e9: {  	v62 =	vadd.s32 $0x2AF8, v24;
	v63 =	vor.u32 s12, v11;
	[tilespmem:v57+s24+$0x0] =	vst.idx.msk $0xffff, v56;
	v42 =	vld.idx.msk [tilespmem:v55+s4+$0x0], $0xffff  }
0x2ea: {  	v52 =	vadd.s32 $0x2AF8, v21;
	v53 =	vor.u32 s14, v11;
	[tilespmem:v58+s24+$0x0] =	vst.idx.msk $0xffff, v47;
	v45 =	vld.idx.msk [tilespmem:v59+s4+$0x0], $0xffff  }
0x2eb: {  	v54 =	vor.u32 s13, v11;
	v47 =	vld.idx.msk [tilespmem:v60+s4+$0x0], $0xffff;
	v55 =	vadd.s32 $0x2AF8, v23  }
0x2ec: {  	v56 =	vadd.s32 $0x2AF8, v22  }
0x2ed: {  	[tilespmem:v61+s24+$0x0] =	vst.idx.msk $0xffff, v28  }
0x2ee: {  	v57 =	vor.u32 s11, v12;
	v28 =	vld.idx.msk [tilespmem:v62+s4+$0x0], $0xffff;
	[tilespmem:v63+s24+$0x0] =	vst.idx.msk $0xffff, v42  }
0x2ef: {  	v59 =	vadd.s32 $0x2EE0, v24;
	v60 =	vor.u32 s12, v12;
	[tilespmem:v53+s24+$0x0] =	vst.idx.msk $0xffff, v45;
	v58 =	vld.idx.msk [tilespmem:v52+s4+$0x0], $0xffff  }
0x2f0: {  	v61 =	vadd.s32 $0x2EE0, v21;
	v62 =	vor.u32 s14, v12;
	[tilespmem:v54+s24+$0x0] =	vst.idx.msk $0xffff, v47;
	v45 =	vld.idx.msk [tilespmem:v55+s4+$0x0], $0xffff  }
0x2f1: {  	v63 =	vor.u32 s13, v12;
	v47 =	vld.idx.msk [tilespmem:v56+s4+$0x0], $0xffff;
	v52 =	vadd.s32 $0x2EE0, v23  }
0x2f2: {  	v53 =	vadd.s32 $0x2EE0, v22  }
0x2f3: {  	[tilespmem:v57+s24+$0x0] =	vst.idx.msk $0xffff, v28  }
0x2f4: {  	v54 =	vor.u32 s11, v13;
	v28 =	vld.idx.msk [tilespmem:v59+s4+$0x0], $0xffff;
	[tilespmem:v60+s24+$0x0] =	vst.idx.msk $0xffff, v58  }
0x2f5: {  	v55 =	vadd.s32 $0x32C8, v24;
	v56 =	vor.u32 s12, v13;
	[tilespmem:v62+s24+$0x0] =	vst.idx.msk $0xffff, v45;
	v41 =	vld.idx.msk [tilespmem:v61+s4+$0x0], $0xffff  }
0x2f6: {  	v57 =	vadd.s32 $0x32C8, v21;
	[tilespmem:v63+s24+$0x0] =	vst.idx.msk $0xffff, v47;
	v58 =	vor.u32 s14, v13;
	v45 =	vld.idx.msk [tilespmem:v52+s4+$0x0], $0xffff  }
0x2f7: {  	[tilespmem:v36+s24+$0x0] =	vst.idx.msk $0xffff, v32;
	v59 =	vor.u32 s13, v13;
	v60 =	vadd.s32 $0x32C8, v23;
	v47 =	vld.idx.msk [tilespmem:v53+s4+$0x0], $0xffff  }
0x2f8: {  	[tilespmem:v39+s24+$0x0] =	vst.idx.msk $0xffff, v38;
	v61 =	vadd.s32 $0x32C8, v22  }
0x2f9: {  	v35 =	vld.idx.msk [tilespmem:v35+s4+$0x0], $0xffff;
	[tilespmem:v54+s24+$0x0] =	vst.idx.msk $0xffff, v28  }
0x2fa: {  	v62 =	vor.u32 s11, v14;
	v28 =	vld.idx.msk [tilespmem:v55+s4+$0x0], $0xffff;
	[tilespmem:v56+s24+$0x0] =	vst.idx.msk $0xffff, v41  }
0x2fb: {  	v49 =	vor.u32 s12, v14;
	v48 =	vadd.s32 $0x36B0, v24;
	[tilespmem:v58+s24+$0x0] =	vst.idx.msk $0xffff, v45;
	v63 =	vld.idx.msk [tilespmem:v57+s4+$0x0], $0xffff  }
0x2fc: {  	v51 =	vor.u32 s14, v14;
	v50 =	vadd.s32 $0x36B0, v21;
	[tilespmem:v59+s24+$0x0] =	vst.idx.msk $0xffff, v47;
	v36 =	vld.idx.msk [tilespmem:v60+s4+$0x0], $0xffff  }
0x2fd: {  	[tilespmem:v29+s24+$0x0] =	vst.idx.msk $0xffff, v37;
	v29 =	vor.u32 s13, v14;
	v52 =	vadd.s32 $0x36B0, v23;
	v53 =	vld.idx.msk [tilespmem:v61+s4+$0x0], $0xffff  }
0x2fe: {  	[tilespmem:v34+s24+$0x0] =	vst.idx.msk $0xffff, v35;
	v54 =	vadd.s32 $0x36B0, v22  }
0x2ff: {  	v20 =	vadd.s32 $0x3A98, v20;
	v33 =	vld.idx.msk [tilespmem:v33+s4+$0x0], $0xffff;
	[tilespmem:v62+s24+$0x0] =	vst.idx.msk $0xffff, v28  }
0x300: {  	v55 =	vor.u32 s11, v15;
	v28 =	vld.idx.msk [tilespmem:v48+s4+$0x0], $0xffff;
	[tilespmem:v49+s24+$0x0] =	vst.idx.msk $0xffff, v63  }
0x301: {  	v24 =	vadd.s32 $0x3A98, v24;
	v57 =	vor.u32 s12, v15;
	[tilespmem:v51+s24+$0x0] =	vst.idx.msk $0xffff, v36;
	v56 =	vld.idx.msk [tilespmem:v50+s4+$0x0], $0xffff  }
0x302: {  	v21 =	vadd.s32 $0x3A98, v21;
	v58 =	vor.u32 s14, v15;
	[tilespmem:v29+s24+$0x0] =	vst.idx.msk $0xffff, v53;
	v32 =	vld.idx.msk [tilespmem:v52+s4+$0x0], $0xffff  }
0x303: {  	[tilespmem:v25+s24+$0x0] =	vst.idx.msk $0xffff, v27;
	v25 =	vor.u32 s13, v15;
	v23 =	vadd.s32 $0x3A98, v23;
	v27 =	vld.idx.msk [tilespmem:v54+s4+$0x0], $0xffff  }
0x304: {  	v20 =	vld.idx.msk [tilespmem:v20+s4+$0x0], $0xffff;
	[tilespmem:v30+s24+$0x0] =	vst.idx.msk $0xffff, v33;
	v22 =	vadd.s32 $0x3A98, v22;
	v29 =	vor.u32 s9, v16  }
0x305: {  	v30 =	vor.u32 s5, v16;
	v31 =	vld.idx.msk [tilespmem:v31+s4+$0x0], $0xffff;
	[tilespmem:v55+s24+$0x0] =	vst.idx.msk $0xffff, v28  }
0x306: {  	v28 =	vor.u32 s11, v16;
	v24 =	vld.idx.msk [tilespmem:v24+s4+$0x0], $0xffff;
	[tilespmem:v57+s24+$0x0] =	vst.idx.msk $0xffff, v56  }
0x307: {  	[tilespmem:v58+s24+$0x0] =	vst.idx.msk $0xffff, v32;
	v21 =	vld.idx.msk [tilespmem:v21+s4+$0x0], $0xffff  }
0x308: {  	v59 =	vor.u32 s14, v16;
	[tilespmem:v25+s24+$0x0] =	vst.idx.msk $0xffff, v27;
	v23 =	vld.idx.msk [tilespmem:v23+s4+$0x0], $0xffff  }
0x309: {  	[tilespmem:v29+s24+$0x0] =	vst.idx.msk $0xffff, v20;
	v20 =	vor.u32 s13, v16;
	v22 =	vld.idx.msk [tilespmem:v22+s4+$0x0], $0xffff  }
0x30a: {  	s5 =	sshll.u32 s2, $0x4;
	[tilespmem:v30+s24+$0x0] =	vst.idx.msk $0xffff, v31  }
0x30b: {  	s0 =	sadd.s32 s6, s5;
	[tilespmem:v28+s24+$0x0] =	vst.idx.msk $0xffff, v24  }
0x30c: {  	s0 =	smin.u32 s0, s7;
	[tilespmem:v26+s24+$0x0] =	vst.idx.msk $0xffff, v21  }
0x30d: {  	s25 =	sshll.u32 s0, $0x7;
	s0 =	sshll.u32 s0, $0xA;
	[tilespmem:v59+s24+$0x0] =	vst.idx.msk $0xffff, v23  }
0x30e: {  	s10 =	simm.s32 $0x0;
	s0 =	sadd.s32 $0x186A000, s0;
	s9 =	sadd.s32 s3, s25;
	[tilespmem:v20+s24+$0x0] =	vst.idx.msk $0xffff, v22  }
0x30f: {  	[hbm4b:s9+s10] =	stream.linear.scatter [tilespmem:s24], [sflag:$0x3], $0x2000, $0x38;
	[tilespmem:$0xC680] =	vst v63  }
0x310: {  	s0 =	sshrl.u32 s0, $0x3;
	s9 =	sshll.u32 s2, $0x1  }
0x311: {  	s29 =	simm.s32 $0x6680;
	s0 =	sadd.s32 s3, s0;
	s11 =	smin.u32 s9, $0x5F  }
0x312: {  	[hbm4b:s0+s10] =	stream.linear.scatter [tilespmem:s29], [sflag:$0x3], $0x2000, $0x38;
	[tilespmem:$0xC680] =	vst v63  }
0x313: {  	s0 =	sshll.u32 s11, $0x3  }
0x314: {  	s0 =	sadd.s32 s0, s17  }
0x315: {  	s0 =	smin.u32 s0, s7  }
0x316: {  	s0 =	sshll.u32 s0, $0x4  }
0x317: {  	s12 =	simm.s32 $0x3E80;
	s0 =	sadd.s32 s1, s0  }
0x318: {  	[tilespmem:s12], [sflag:$0x1] =	stream.linear.gather [hbm4b:s0+s10], $0x400, $0x38;
	[tilespmem:$0xC680] =	vst v63  }
0x319: {  	_ =	swait.ge [sflag:s26], $0x400  }
0x31a: {  	[sflag:s26] =	ssyncset.done $0x0  }
0x31b: {  	[sflag:s26] =	ssyncadd.s32 $0xFFFFFC00  }
0x31c: {  	_ =	swait.ge [sflag:s31], $0x2000  }
0x31d: {  	[sflag:s31] =	ssyncset.done $0x0  }
0x31e: {  	[sflag:s31] =	ssyncadd.s32 $0xFFFFE000  }
0x31f: {  	_ =	swait.ge [sflag:s31], $0x2000  }
0x320: {  	[sflag:s31] =	ssyncset.done $0x0  }
0x321: {  	s13 =	simm.s32 $0x42A0;
	[sflag:s31] =	ssyncadd.s32 $0xFFFFE000  }
0x322: {  	v27 =	vld [tilespmem:s13+$0xFFFFFFE0];
	_ =	sdelay $0x1  }
0x323: {  	v25 =	vld [tilespmem:s13+$0x10];
	_ =	sdelay $0x1  }
0x324: {  	s14 =	simm.s32 $0x0;
	v26 =	vld [tilespmem:s13+$0xFFFFFFF0]  }
0x325: {  	s11 =	sand.u32 $0x40, s14;
	s10 =	sand.u32 $0x1C00, s10  }
0x326: {  	s15 =	simm.s32 $0x30;
	s11 =	sor.u32 s11, s10  }
0x327: {  	s16 =	sand.u32 $0x70, s15;
	v21 =	vor.u32 s11, v0;
	v20 =	vld [tilespmem:s13+$0x0]  }
0x328: {  	s19 =	simm.s32 $0x10;
	s0 =	sor.u32 s10, s16;
	v21 =	vand.u32 v1, v21;
	v22 =	vld.idx.msk [tilespmem:v27+s4+$0x0], $0xffff  }
0x329: {  	s12 =	sand.u32 $0x50, s19;
	v23 =	vor.u32 s0, v0;
	v24 =	vadd.s32 $0x3E8, v27  }
0x32a: {  	s25 =	sor.u32 s10, s12;
	v23 =	vand.u32 v19, v23;
	v28 =	vld.idx.msk [tilespmem:v25+s4+$0x0], $0xffff  }
0x32b: {  	s20 =	simm.s32 $0x20;
	v29 =	vor.u32 s25, v0;
	v30 =	vadd.s32 $0x3E8, v25  }
0x32c: {  	s12 =	sand.u32 $0x60, s20;
	v29 =	vand.u32 v17, v29;
	v31 =	vld.idx.msk [tilespmem:v26+s4+$0x0], $0xffff  }
0x32d: {  	s12 =	sor.u32 s10, s12;
	v60 =	vadd.s32 $0x3E8, v26;
	[tilespmem:v21+s28+$0x0] =	vst.idx.msk $0xffff, v22  }
0x32e: {  	v21 =	vor.u32 s12, v0;
	v22 =	vld.idx.msk [tilespmem:v24+s4+$0x0], $0xffff;
	v24 =	vor.u32 s11, v2  }
0x32f: {  	v61 =	vld.idx.msk [tilespmem:v20+s4+$0x0], $0xffff;
	[tilespmem:v23+s28+$0x0] =	vst.idx.msk $0xffff, v28;
	v23 =	vadd.s32 $0x7D0, v27;
	v21 =	vand.u32 v18, v21  }
0x330: {  	v62 =	vor.u32 s0, v2;
	v28 =	vadd.s32 $0x3E8, v20;
	v30 =	vld.idx.msk [tilespmem:v30+s4+$0x0], $0xffff  }
0x331: {  	[tilespmem:v29+s28+$0x0] =	vst.idx.msk $0xffff, v31;
	v29 =	vadd.s32 $0x7D0, v25  }
0x332: {  	v63 =	vor.u32 s25, v2;
	v31 =	vld.idx.msk [tilespmem:v60+s4+$0x0], $0xffff  }
0x333: {  	v36 =	vadd.s32 $0x7D0, v26;
	[tilespmem:v24+s28+$0x0] =	vst.idx.msk $0xffff, v22  }
0x334: {  	[tilespmem:v21+s28+$0x0] =	vst.idx.msk $0xffff, v61;
	v22 =	vor.u32 s11, v3;
	v21 =	vld.idx.msk [tilespmem:v23+s4+$0x0], $0xffff  }
0x335: {  	v24 =	vor.u32 s12, v2;
	[tilespmem:v62+s28+$0x0] =	vst.idx.msk $0xffff, v30;
	v23 =	vld.idx.msk [tilespmem:v28+s4+$0x0], $0xffff;
	v28 =	vadd.s32 $0xBB8, v27  }
0x336: {  	v37 =	vor.u32 s0, v3;
	v30 =	vadd.s32 $0x7D0, v20;
	v29 =	vld.idx.msk [tilespmem:v29+s4+$0x0], $0xffff  }
0x337: {  	[tilespmem:v63+s28+$0x0] =	vst.idx.msk $0xffff, v31;
	v31 =	vadd.s32 $0xBB8, v25  }
0x338: {  	v38 =	vor.u32 s25, v3;
	v32 =	vld.idx.msk [tilespmem:v36+s4+$0x0], $0xffff  }
0x339: {  	v39 =	vadd.s32 $0xBB8, v26;
	[tilespmem:v22+s28+$0x0] =	vst.idx.msk $0xffff, v21  }
0x33a: {  	[tilespmem:v24+s28+$0x0] =	vst.idx.msk $0xffff, v23;
	v22 =	vor.u32 s11, v4;
	v21 =	vld.idx.msk [tilespmem:v28+s4+$0x0], $0xffff  }
0x33b: {  	v24 =	vor.u32 s12, v3;
	[tilespmem:v37+s28+$0x0] =	vst.idx.msk $0xffff, v29;
	v23 =	vld.idx.msk [tilespmem:v30+s4+$0x0], $0xffff;
	v28 =	vadd.s32 $0xFA0, v27  }
0x33c: {  	v29 =	vadd.s32 $0xBB8, v20;
	v30 =	vld.idx.msk [tilespmem:v31+s4+$0x0], $0xffff;
	v31 =	vor.u32 s0, v4  }
0x33d: {  	v40 =	vadd.s32 $0xFA0, v25;
	[tilespmem:v38+s28+$0x0] =	vst.idx.msk $0xffff, v32  }
0x33e: {  	v42 =	vor.u32 s25, v4;
	v41 =	vld.idx.msk [tilespmem:v39+s4+$0x0], $0xffff  }
0x33f: {  	v43 =	vadd.s32 $0xFA0, v26;
	[tilespmem:v22+s28+$0x0] =	vst.idx.msk $0xffff, v21  }
0x340: {  	[tilespmem:v24+s28+$0x0] =	vst.idx.msk $0xffff, v23;
	v22 =	vor.u32 s11, v5;
	v21 =	vld.idx.msk [tilespmem:v28+s4+$0x0], $0xffff  }
0x341: {  	v24 =	vor.u32 s12, v4;
	[tilespmem:v31+s28+$0x0] =	vst.idx.msk $0xffff, v30;
	v23 =	vld.idx.msk [tilespmem:v29+s4+$0x0], $0xffff;
	v28 =	vadd.s32 $0x1388, v27  }
0x342: {  	v31 =	vor.u32 s0, v5;
	v29 =	vadd.s32 $0xFA0, v20;
	v30 =	vld.idx.msk [tilespmem:v40+s4+$0x0], $0xffff  }
0x343: {  	v44 =	vadd.s32 $0x1388, v25;
	[tilespmem:v42+s28+$0x0] =	vst.idx.msk $0xffff, v41  }
0x344: {  	v45 =	vor.u32 s25, v5;
	v33 =	vld.idx.msk [tilespmem:v43+s4+$0x0], $0xffff  }
0x345: {  	v46 =	vadd.s32 $0x1388, v26;
	[tilespmem:v22+s28+$0x0] =	vst.idx.msk $0xffff, v21  }
0x346: {  	[tilespmem:v24+s28+$0x0] =	vst.idx.msk $0xffff, v23;
	v22 =	vor.u32 s11, v6;
	v21 =	vld.idx.msk [tilespmem:v28+s4+$0x0], $0xffff  }
0x347: {  	v24 =	vor.u32 s12, v5;
	[tilespmem:v31+s28+$0x0] =	vst.idx.msk $0xffff, v30;
	v23 =	vld.idx.msk [tilespmem:v29+s4+$0x0], $0xffff;
	v28 =	vadd.s32 $0x1770, v27  }
0x348: {  	v31 =	vor.u32 s0, v6;
	v29 =	vadd.s32 $0x1388, v20;
	v30 =	vld.idx.msk [tilespmem:v44+s4+$0x0], $0xffff  }
0x349: {  	v47 =	vadd.s32 $0x1770, v25;
	[tilespmem:v45+s28+$0x0] =	vst.idx.msk $0xffff, v33  }
0x34a: {  	v48 =	vor.u32 s25, v6;
	v33 =	vld.idx.msk [tilespmem:v46+s4+$0x0], $0xffff  }
0x34b: {  	[tilespmem:v22+s28+$0x0] =	vst.idx.msk $0xffff, v21;
	v21 =	vadd.s32 $0x1770, v26  }
0x34c: {  	[tilespmem:v24+s28+$0x0] =	vst.idx.msk $0xffff, v23;
	v23 =	vor.u32 s11, v7;
	v22 =	vld.idx.msk [tilespmem:v28+s4+$0x0], $0xffff  }
0x34d: {  	[tilespmem:v31+s28+$0x0] =	vst.idx.msk $0xffff, v30;
	v24 =	vld.idx.msk [tilespmem:v29+s4+$0x0], $0xffff;
	v28 =	vor.u32 s12, v6;
	v29 =	vadd.s32 $0x1B58, v27  }
0x34e: {  	v49 =	vor.u32 s0, v7;
	v31 =	vadd.s32 $0x1770, v20;
	v30 =	vld.idx.msk [tilespmem:v47+s4+$0x0], $0xffff  }
0x34f: {  	v50 =	vadd.s32 $0x1B58, v25;
	[tilespmem:v48+s28+$0x0] =	vst.idx.msk $0xffff, v33  }
0x350: {  	v51 =	vor.u32 s25, v7;
	v21 =	vld.idx.msk [tilespmem:v21+s4+$0x0], $0xffff  }
0x351: {  	[tilespmem:v23+s28+$0x0] =	vst.idx.msk $0xffff, v22;
	v22 =	vadd.s32 $0x1B58, v26  }
0x352: {  	[tilespmem:v28+s28+$0x0] =	vst.idx.msk $0xffff, v24;
	v24 =	vor.u32 s11, v8;
	v23 =	vld.idx.msk [tilespmem:v29+s4+$0x0], $0xffff  }
0x353: {  	[tilespmem:v49+s28+$0x0] =	vst.idx.msk $0xffff, v30;
	v30 =	vor.u32 s12, v7;
	v28 =	vld.idx.msk [tilespmem:v31+s4+$0x0], $0xffff;
	v29 =	vadd.s32 $0x1F40, v27  }
0x354: {  	s19 =	simm.s32 $0x42E0;
	v31 =	vld.idx.msk [tilespmem:v50+s4+$0x0], $0xffff  }
0x355: {  	v53 =	vor.u32 s0, v8;
	v52 =	vadd.s32 $0x1B58, v20;
	[tilespmem:v51+s28+$0x0] =	vst.idx.msk $0xffff, v21;
	v21 =	vld [tilespmem:s19+$0xFFFFFFF0]  }
0x356: {  	v54 =	vadd.s32 $0x1F40, v25;
	v55 =	vld.idx.msk [tilespmem:v22+s4+$0x0], $0xffff  }
0x357: {  	v56 =	vor.u32 s25, v8;
	v22 =	vld [tilespmem:s19+$0xFFFFFFE0];
	[tilespmem:v24+s28+$0x0] =	vst.idx.msk $0xffff, v23  }
0x358: {  	[tilespmem:v30+s28+$0x0] =	vst.idx.msk $0xffff, v28;
	v28 =	vor.u32 s11, v9;
	v30 =	vadd.s32 $0x1F40, v26;
	v29 =	vld.idx.msk [tilespmem:v29+s4+$0x0], $0xffff  }
0x359: {  	v24 =	vld [tilespmem:s19+$0x10]  }
0x35a: {  	v57 =	vor.u32 s12, v8;
	[tilespmem:v53+s28+$0x0] =	vst.idx.msk $0xffff, v31;
	v31 =	vadd.s32 $0x2328, v27;
	v32 =	vld.idx.msk [tilespmem:v52+s4+$0x0], $0xffff  }
0x35b: {  	v59 =	vor.u32 s0, v9;
	v58 =	vadd.s32 $0x1F40, v20;
	v33 =	vld.idx.msk [tilespmem:v54+s4+$0x0], $0xffff  }
0x35c: {  	v60 =	vadd.s32 $0x2328, v25;
	v23 =	vld [tilespmem:s19+$0x0];
	[tilespmem:v56+s28+$0x0] =	vst.idx.msk $0xffff, v55  }
0x35d: {  	[tilespmem:v28+s28+$0x0] =	vst.idx.msk $0xffff, v29;
	v28 =	vld.idx.msk [tilespmem:v30+s4+$0x0], $0xffff  }
0x35e: {  	s21 =	simm.s32 $0x50;
	s10 =	simm.s32 $0x200;
	v30 =	vor.u32 s25, v9;
	v49 =	vld.idx.msk [tilespmem:v21+s4+$0x0], $0xffff  }
0x35f: {  	s20 =	simm.s32 $0x70;
	s16 =	sand.u32 $0x1C00, s10;
	s13 =	sand.u32 $0x50, s21;
	[tilespmem:v57+s28+$0x0] =	vst.idx.msk $0xffff, v32;
	v29 =	vld.idx.msk [tilespmem:v31+s4+$0x0], $0xffff;
	v31 =	vor.u32 s11, v10  }
0x360: {  	s15 =	simm.s32 $0x40;
	s29 =	sand.u32 $0x70, s20;
	s14 =	sor.u32 s16, s13;
	v61 =	vadd.s32 $0x2328, v26;
	v62 =	vor.u32 s12, v9;
	[tilespmem:v59+s28+$0x0] =	vst.idx.msk $0xffff, v33;
	v34 =	vld.idx.msk [tilespmem:v58+s4+$0x0], $0xffff  }
0x361: {  	s15 =	sand.u32 $0x40, s15;
	s13 =	sor.u32 s16, s29;
	v48 =	vor.u32 s14, v0;
	v50 =	vadd.s32 $0x2328, v20;
	v51 =	vor.u32 s0, v10;
	v63 =	vld.idx.msk [tilespmem:v60+s4+$0x0], $0xffff  }
0x362: {  	s15 =	sor.u32 s15, s16;
	s29 =	simm.s32 $0x60;
	v36 =	vand.u32 v17, v48;
	v52 =	vor.u32 s13, v0;
	v54 =	vadd.s32 $0x2710, v25;
	v56 =	vld.idx.msk [tilespmem:v22+s4+$0x0], $0xffff  }
0x363: {  	s29 =	sand.u32 $0x60, s29;
	v40 =	vand.u32 v19, v52;
	v55 =	vor.u32 s15, v0;
	v57 =	vadd.s32 $0x2710, v27;
	v53 =	vld.idx.msk [tilespmem:v24+s4+$0x0], $0xffff;
	[tilespmem:v30+s28+$0x0] =	vst.idx.msk $0xffff, v28  }
0x364: {  	s16 =	sor.u32 s16, s29;
	v59 =	vld.idx.msk [tilespmem:v23+s4+$0x0], $0xffff;
	v28 =	vand.u32 v1, v55;
	v30 =	vadd.s32 $0x3E8, v21;
	[tilespmem:v31+s28+$0x0] =	vst.idx.msk $0xffff, v29  }
0x365: {  	v58 =	vor.u32 s16, v0;
	v60 =	vor.u32 s25, v10;
	v29 =	vld.idx.msk [tilespmem:v61+s4+$0x0], $0xffff;
	v31 =	vadd.s32 $0x3E8, v22;
	[tilespmem:v62+s28+$0x0] =	vst.idx.msk $0xffff, v34  }
0x366: {  	v32 =	vand.u32 v18, v58;
	[tilespmem:v51+s28+$0x0] =	vst.idx.msk $0xffff, v63;
	v62 =	vadd.s32 $0x3E8, v24;
	v34 =	vld.idx.msk [tilespmem:v50+s4+$0x0], $0xffff  }
0x367: {  	v52 =	vadd.s32 $0x3E8, v23;
	[tilespmem:v36+s28+$0x0] =	vst.idx.msk $0xffff, v49;
	v63 =	vor.u32 s12, v10;
	v48 =	vld.idx.msk [tilespmem:v54+s4+$0x0], $0xffff  }
0x368: {  	v61 =	vadd.s32 $0x2710, v26;
	v51 =	vor.u32 s0, v11;
	[tilespmem:v40+s28+$0x0] =	vst.idx.msk $0xffff, v53;
	v49 =	vld.idx.msk [tilespmem:v57+s4+$0x0], $0xffff  }
0x369: {  	v50 =	vadd.s32 $0x2710, v20;
	[tilespmem:v28+s28+$0x0] =	vst.idx.msk $0xffff, v56;
	v28 =	vld.idx.msk [tilespmem:v30+s4+$0x0], $0xffff;
	v30 =	vor.u32 s11, v11  }
0x36a: {  	v53 =	vor.u32 s14, v2;
	v31 =	vld.idx.msk [tilespmem:v31+s4+$0x0], $0xffff;
	[tilespmem:v60+s28+$0x0] =	vst.idx.msk $0xffff, v29;
	v29 =	vadd.s32 $0x2AF8, v25  }
0x36b: {  	v55 =	vadd.s32 $0x2AF8, v27;
	v54 =	vor.u32 s15, v2;
	[tilespmem:v32+s28+$0x0] =	vst.idx.msk $0xffff, v59;
	v35 =	vld.idx.msk [tilespmem:v62+s4+$0x0], $0xffff  }
0x36c: {  	v58 =	vor.u32 s13, v2;
	v56 =	vadd.s32 $0x7D0, v22;
	v60 =	vld.idx.msk [tilespmem:v52+s4+$0x0], $0xffff;
	[tilespmem:v63+s28+$0x0] =	vst.idx.msk $0xffff, v34  }
0x36d: {  	v57 =	vor.u32 s25, v11;
	v33 =	vld.idx.msk [tilespmem:v61+s4+$0x0], $0xffff;
	[tilespmem:v51+s28+$0x0] =	vst.idx.msk $0xffff, v48;
	v61 =	vadd.s32 $0x7D0, v24  }
0x36e: {  	v59 =	vadd.s32 $0x2AF8, v26;
	v62 =	vor.u32 s16, v2;
	v39 =	vld.idx.msk [tilespmem:v50+s4+$0x0], $0xffff;
	[tilespmem:v30+s28+$0x0] =	vst.idx.msk $0xffff, v49  }
0x36f: {  	v30 =	vor.u32 s12, v11;
	[tilespmem:v53+s28+$0x0] =	vst.idx.msk $0xffff, v28;
	v28 =	vadd.s32 $0x7D0, v21;
	v29 =	vld.idx.msk [tilespmem:v29+s4+$0x0], $0xffff  }
0x370: {  	v63 =	vor.u32 s0, v12;
	[tilespmem:v54+s28+$0x0] =	vst.idx.msk $0xffff, v31;
	v31 =	vadd.s32 $0x7D0, v23;
	v32 =	vld.idx.msk [tilespmem:v55+s4+$0x0], $0xffff  }
0x371: {  	v48 =	vadd.s32 $0x2AF8, v20;
	v49 =	vor.u32 s11, v12;
	[tilespmem:v58+s28+$0x0] =	vst.idx.msk $0xffff, v35;
	v43 =	vld.idx.msk [tilespmem:v56+s4+$0x0], $0xffff  }
0x372: {  	v52 =	vadd.s32 $0x2EE0, v25;
	v50 =	vor.u32 s15, v3;
	[tilespmem:v57+s28+$0x0] =	vst.idx.msk $0xffff, v33;
	v40 =	vld.idx.msk [tilespmem:v61+s4+$0x0], $0xffff  }
0x373: {  	v53 =	vadd.s32 $0xBB8, v22;
	v54 =	vor.u32 s25, v12;
	[tilespmem:v62+s28+$0x0] =	vst.idx.msk $0xffff, v60;
	v51 =	vld.idx.msk [tilespmem:v59+s4+$0x0], $0xffff  }
0x374: {  	v55 =	vadd.s32 $0x2EE0, v26;
	[tilespmem:v30+s28+$0x0] =	vst.idx.msk $0xffff, v39;
	v28 =	vld.idx.msk [tilespmem:v28+s4+$0x0], $0xffff;
	v30 =	vor.u32 s13, v3  }
0x375: {  	v56 =	vor.u32 s14, v3;
	v57 =	vadd.s32 $0xBB8, v24;
	v31 =	vld.idx.msk [tilespmem:v31+s4+$0x0], $0xffff;
	[tilespmem:v63+s28+$0x0] =	vst.idx.msk $0xffff, v29  }
0x376: {  	v58 =	vor.u32 s16, v3;
	v29 =	vadd.s32 $0xBB8, v21;
	[tilespmem:v49+s28+$0x0] =	vst.idx.msk $0xffff, v32;
	v59 =	vld.idx.msk [tilespmem:v48+s4+$0x0], $0xffff  }
0x377: {  	v60 =	vor.u32 s12, v12;
	v61 =	vadd.s32 $0xBB8, v23;
	[tilespmem:v50+s28+$0x0] =	vst.idx.msk $0xffff, v43;
	v35 =	vld.idx.msk [tilespmem:v52+s4+$0x0], $0xffff  }
0x378: {  	v62 =	vadd.s32 $0x2EE0, v20;
	v63 =	vor.u32 s0, v13;
	v36 =	vld.idx.msk [tilespmem:v53+s4+$0x0], $0xffff;
	[tilespmem:v54+s28+$0x0] =	vst.idx.msk $0xffff, v51  }
0x379: {  	v48 =	vor.u32 s15, v4;
	v49 =	vadd.s32 $0x32C8, v25;
	[tilespmem:v30+s28+$0x0] =	vst.idx.msk $0xffff, v40;
	v30 =	vld.idx.msk [tilespmem:v55+s4+$0x0], $0xffff  }
0x37a: {  	v50 =	vadd.s32 $0xFA0, v22;
	v51 =	vor.u32 s25, v13;
	[tilespmem:v56+s28+$0x0] =	vst.idx.msk $0xffff, v28;
	v28 =	vld.idx.msk [tilespmem:v57+s4+$0x0], $0xffff  }
0x37b: {  	v52 =	vadd.s32 $0x32C8, v26;
	v29 =	vld.idx.msk [tilespmem:v29+s4+$0x0], $0xffff;
	[tilespmem:v58+s28+$0x0] =	vst.idx.msk $0xffff, v31;
	v31 =	vor.u32 s13, v4  }
0x37c: {  	v53 =	vor.u32 s14, v4;
	v54 =	vadd.s32 $0xFA0, v24;
	[tilespmem:v60+s28+$0x0] =	vst.idx.msk $0xffff, v59;
	v33 =	vld.idx.msk [tilespmem:v61+s4+$0x0], $0xffff  }
0x37d: {  	v55 =	vadd.s32 $0xFA0, v21;
	v56 =	vor.u32 s16, v4;
	v34 =	vld.idx.msk [tilespmem:v62+s4+$0x0], $0xffff;
	[tilespmem:v63+s28+$0x0] =	vst.idx.msk $0xffff, v35  }
0x37e: {  	v57 =	vor.u32 s12, v13;
	v58 =	vadd.s32 $0xFA0, v23;
	[tilespmem:v48+s28+$0x0] =	vst.idx.msk $0xffff, v36;
	v37 =	vld.idx.msk [tilespmem:v49+s4+$0x0], $0xffff  }
0x37f: {  	v60 =	vor.u32 s15, v5;
	v40 =	vld.idx.msk [tilespmem:v50+s4+$0x0], $0xffff;
	[tilespmem:v51+s28+$0x0] =	vst.idx.msk $0xffff, v30;
	v30 =	vadd.s32 $0x32C8, v20  }
0x380: {  	v59 =	vor.u32 s0, v14;
	v61 =	vadd.s32 $0x1388, v22;
	[tilespmem:v31+s28+$0x0] =	vst.idx.msk $0xffff, v28;
	v28 =	vld.idx.msk [tilespmem:v52+s4+$0x0], $0xffff  }
0x381: {  	v62 =	vor.u32 s25, v14;
	v31 =	vadd.s32 $0x36B0, v25;
	[tilespmem:v53+s28+$0x0] =	vst.idx.msk $0xffff, v29;
	v29 =	vld.idx.msk [tilespmem:v54+s4+$0x0], $0xffff  }
0x382: {  	v63 =	vor.u32 s13, v5;
	v48 =	vadd.s32 $0x36B0, v26;
	v32 =	vld.idx.msk [tilespmem:v55+s4+$0x0], $0xffff;
	[tilespmem:v56+s28+$0x0] =	vst.idx.msk $0xffff, v33  }
0x383: {  	v49 =	vor.u32 s14, v5;
	[tilespmem:v57+s28+$0x0] =	vst.idx.msk $0xffff, v34;
	v55 =	vadd.s32 $0x2EE0, v27;
	v36 =	vld.idx.msk [tilespmem:v58+s4+$0x0], $0xffff  }
0x384: {  	v50 =	vadd.s32 $0x1388, v24;
	v52 =	vor.u32 s16, v5;
	[tilespmem:v60+s28+$0x0] =	vst.idx.msk $0xffff, v40;
	v30 =	vld.idx.msk [tilespmem:v30+s4+$0x0], $0xffff  }
0x385: {  	v51 =	vadd.s32 $0x1388, v21;
	v53 =	vor.u32 s12, v14;
	[tilespmem:v59+s28+$0x0] =	vst.idx.msk $0xffff, v37;
	v39 =	vld.idx.msk [tilespmem:v61+s4+$0x0], $0xffff  }
0x386: {  	v41 =	vor.u32 s15, v6;
	v54 =	vadd.s32 $0x1388, v23;
	v31 =	vld.idx.msk [tilespmem:v31+s4+$0x0], $0xffff;
	[tilespmem:v62+s28+$0x0] =	vst.idx.msk $0xffff, v28  }
0x387: {  	v42 =	vadd.s32 $0x1770, v22;
	v28 =	vor.u32 s0, v15;
	[tilespmem:v63+s28+$0x0] =	vst.idx.msk $0xffff, v29;
	v29 =	vld.idx.msk [tilespmem:v48+s4+$0x0], $0xffff  }
0x388: {  	v33 =	vadd.s32 $0x3A98, v25;
	v57 =	vor.u32 s25, v15;
	[tilespmem:v49+s28+$0x0] =	vst.idx.msk $0xffff, v32;
	v32 =	vld.idx.msk [tilespmem:v55+s4+$0x0], $0xffff  }
0x389: {  	v59 =	vor.u32 s13, v6;
	v60 =	vadd.s32 $0x36B0, v20;
	v56 =	vld.idx.msk [tilespmem:v50+s4+$0x0], $0xffff;
	[tilespmem:v52+s28+$0x0] =	vst.idx.msk $0xffff, v36  }
0x38a: {  	v61 =	vor.u32 s14, v6;
	v58 =	vld.idx.msk [tilespmem:v51+s4+$0x0], $0xffff;
	v52 =	vadd.s32 $0x3A98, v26;
	[tilespmem:v53+s28+$0x0] =	vst.idx.msk $0xffff, v30  }
0x38b: {  	v45 =	vor.u32 s13, v7;
	v63 =	vadd.s32 $0x1770, v24;
	v51 =	vor.u32 s16, v6;
	v62 =	vld.idx.msk [tilespmem:v54+s4+$0x0], $0xffff;
	[tilespmem:v41+s28+$0x0] =	vst.idx.msk $0xffff, v39  }
0x38c: {  	v44 =	vadd.s32 $0x1770, v21;
	v46 =	vadd.s32 $0x1770, v23;
	v36 =	vor.u32 s11, v13;
	[tilespmem:v28+s28+$0x0] =	vst.idx.msk $0xffff, v31;
	v40 =	vld.idx.msk [tilespmem:v42+s4+$0x0], $0xffff  }
0x38d: {  	v35 =	vadd.s32 $0x32C8, v27;
	v25 =	vor.u32 s25, v16;
	v39 =	vor.u32 s0, v16;
	v38 =	vld.idx.msk [tilespmem:v33+s4+$0x0], $0xffff;
	[tilespmem:v57+s28+$0x0] =	vst.idx.msk $0xffff, v29  }
0x38e: {  	v34 =	vor.u32 s11, v14;
	v41 =	vor.u32 s15, v7;
	v37 =	vld.idx.msk [tilespmem:v60+s4+$0x0], $0xffff;
	v31 =	vadd.s32 $0x3A98, v27;
	[tilespmem:v59+s28+$0x0] =	vst.idx.msk $0xffff, v56  }
0x38f: {  	v42 =	vadd.s32 $0x1B58, v22;
	v33 =	vadd.s32 $0x36B0, v27;
	v29 =	vor.u32 s12, v15;
	[tilespmem:v61+s28+$0x0] =	vst.idx.msk $0xffff, v58;
	v27 =	vld.idx.msk [tilespmem:v52+s4+$0x0], $0xffff  }
0x390: {  	v26 =	vor.u32 s14, v16;
	v30 =	vor.u32 s11, v15;
	s0 =	simm.s32 $0x4;
	v28 =	vadd.s32 $0x1B58, v24;
	v43 =	vld.idx.msk [tilespmem:v63+s4+$0x0], $0xffff;
	[tilespmem:v51+s28+$0x0] =	vst.idx.msk $0xffff, v62  }
.LBB2_9:
0x391: {  	s0 =	sadd.s32 $0x4, s0;
	v44 =	vld.idx.msk [tilespmem:v44+s4+$0x0], $0xffff;
	[tilespmem:v36+s28+$0x0] =	vst.idx.msk $0xffff, v32  }
0x392: {  	v32 =	vor.u32 s14, v7;
	s19 =	sadd.s32 $0x40, s19;
	v36 =	vadd.s32 $0x3A98, v20;
	v20 =	vmov v23;
	p0 =	slt.u32 s0, $0x3C;
	v35 =	vld.idx.msk [tilespmem:v35+s4+$0x0], $0xffff;
	[tilespmem:v39+s28+$0x0] =	vst.idx.msk $0xffff, v38  }
0x393: {  	v38 =	vadd.s32 $0x1B58, v21;
	v23 =	vld [tilespmem:s19+$0x0];
	[tilespmem:v41+s28+$0x0] =	vst.idx.msk $0xffff, v40  }
0x394: {  	v40 =	vor.u32 s11, v16;
	s11 =	smov.u32 s15;
	v39 =	vld.idx.msk [tilespmem:v42+s4+$0x0], $0xffff;
	[tilespmem:v29+s28+$0x0] =	vst.idx.msk $0xffff, v37  }
0x395: {  	v29 =	vor.u32 s11, v8;
	v37 =	vld.idx.msk [tilespmem:v46+s4+$0x0], $0xffff;
	[tilespmem:v45+s28+$0x0] =	vst.idx.msk $0xffff, v43  }
0x396: {  	v41 =	vadd.s32 $0x1F40, v22;
	v42 =	vor.u32 s16, v7;
	v28 =	vld.idx.msk [tilespmem:v28+s4+$0x0], $0xffff;
	[tilespmem:v25+s28+$0x0] =	vst.idx.msk $0xffff, v27;
	v25 =	vmov v26  }
0x397: {  	v26 =	vadd.s32 $0x1B58, v20;
	[tilespmem:v32+s28+$0x0] =	vst.idx.msk $0xffff, v44;
	v32 =	vor.u32 s13, v8;
	v36 =	vld.idx.msk [tilespmem:v36+s4+$0x0], $0xffff  }
0x398: {  	v43 =	vadd.s32 $0x1F40, v24;
	v38 =	vld.idx.msk [tilespmem:v38+s4+$0x0], $0xffff;
	[tilespmem:v34+s28+$0x0] =	vst.idx.msk $0xffff, v35;
	v34 =	vor.u32 s12, v16;
	s12 =	smov.u32 s16  }
0x399: {  	v35 =	vor.u32 s14, v8;
	v33 =	vld.idx.msk [tilespmem:v33+s4+$0x0], $0xffff  }
0x39a: {  	v27 =	vld [tilespmem:s19+$0xFFFFFFF0];
	[tilespmem:v29+s28+$0x0] =	vst.idx.msk $0xffff, v39  }
0x39b: {  	v39 =	vld.idx.msk [tilespmem:v41+s4+$0x0], $0xffff;
	[tilespmem:v42+s28+$0x0] =	vst.idx.msk $0xffff, v37  }
0x39c: {  	v37 =	vor.u32 s11, v9;
	v41 =	vadd.s32 $0x1F40, v21;
	v26 =	vld.idx.msk [tilespmem:v26+s4+$0x0], $0xffff;
	[tilespmem:v32+s28+$0x0] =	vst.idx.msk $0xffff, v28  }
0x39d: {  	v42 =	vor.u32 s12, v8;
	v28 =	vadd.s32 $0x2328, v22;
	v43 =	vld.idx.msk [tilespmem:v43+s4+$0x0], $0xffff;
	[tilespmem:v34+s28+$0x0] =	vst.idx.msk $0xffff, v36  }
0x39e: {  	v34 =	vadd.s32 $0x1F40, v20;
	v32 =	vld [tilespmem:s19+$0x10];
	[tilespmem:v35+s28+$0x0] =	vst.idx.msk $0xffff, v38;
	v35 =	vor.u32 s13, v9  }
0x39f: {  	v36 =	vadd.s32 $0x2328, v24;
	v29 =	vld [tilespmem:s19+$0xFFFFFFE0];
	[tilespmem:v30+s28+$0x0] =	vst.idx.msk $0xffff, v33  }
0x3a0: {  	v30 =	vld.idx.msk [tilespmem:v31+s4+$0x0], $0xffff  }
0x3a1: {  	s20 =	sadd.s32 $0x40, s20;
	[tilespmem:v37+s28+$0x0] =	vst.idx.msk $0xffff, v39;
	v31 =	vld.idx.msk [tilespmem:v41+s4+$0x0], $0xffff  }
0x3a2: {  	s10 =	sadd.s32 $0x200, s10;
	s15 =	sadd.s32 $0xFFFFFFE0, s20;
	v37 =	vor.u32 s14, v9;
	v33 =	vld.idx.msk [tilespmem:v28+s4+$0x0], $0xffff;
	[tilespmem:v42+s28+$0x0] =	vst.idx.msk $0xffff, v26  }
0x3a3: {  	s15 =	sand.u32 $0x50, s15;
	s16 =	sand.u32 $0x1C00, s10;
	v38 =	vor.u32 s11, v10;
	v39 =	vadd.s32 $0x2328, v21;
	v28 =	vadd.s32 $0x1B58, v32;
	v34 =	vld.idx.msk [tilespmem:v34+s4+$0x0], $0xffff;
	[tilespmem:v35+s28+$0x0] =	vst.idx.msk $0xffff, v43  }
0x3a4: {  	s25 =	sadd.s32 $0xFFFFFFD0, s20;
	s29 =	sor.u32 s16, s15;
	s15 =	sand.u32 $0x70, s20;
	v35 =	vor.u32 s12, v9;
	v36 =	vld.idx.msk [tilespmem:v36+s4+$0x0], $0xffff  }
0x3a5: {  	s21 =	sand.u32 $0x40, s25;
	s25 =	sor.u32 s16, s15;
	v26 =	vor.u32 s29, v0;
	v42 =	vadd.s32 $0x2328, v20;
	v43 =	vor.u32 s13, v10;
	v41 =	vld.idx.msk [tilespmem:v27+s4+$0x0], $0xffff  }
0x3a6: {  	v46 =	vadd.s32 $0x2710, v24;
	s15 =	sor.u32 s21, s16;
	s21 =	sadd.s32 $0xFFFFFFF0, s20;
	v44 =	vand.u32 v17, v26;
	v26 =	vor.u32 s25, v0;
	v45 =	vld.idx.msk [tilespmem:v32+s4+$0x0], $0xffff;
	[tilespmem:v40+s28+$0x0] =	vst.idx.msk $0xffff, v30  }
0x3a7: {  	v48 =	vadd.s32 $0x2710, v22;
	s21 =	sand.u32 $0x60, s21;
	v47 =	vand.u32 v19, v26;
	v30 =	vor.u32 s15, v0;
	v40 =	vld.idx.msk [tilespmem:v29+s4+$0x0], $0xffff;
	[tilespmem:v37+s28+$0x0] =	vst.idx.msk $0xffff, v31  }
0x3a8: {  	s16 =	sor.u32 s16, s21;
	v26 =	vor.u32 s29, v16;
	v30 =	vand.u32 v1, v30;
	v31 =	vadd.s32 $0x3E8, v27;
	[tilespmem:v38+s28+$0x0] =	vst.idx.msk $0xffff, v33;
	v33 =	vld.idx.msk [tilespmem:v39+s4+$0x0], $0xffff  }
0x3a9: {  	v49 =	vor.u32 s14, v10;
	v37 =	vadd.s32 $0x3E8, v29;
	v38 =	vor.u32 s16, v0;
	v39 =	vld.idx.msk [tilespmem:v23+s4+$0x0], $0xffff;
	[tilespmem:v35+s28+$0x0] =	vst.idx.msk $0xffff, v34  }
0x3aa: {  	v34 =	vand.u32 v18, v38;
	v35 =	vadd.s32 $0x3E8, v32;
	v38 =	vadd.s32 $0x2710, v21;
	v42 =	vld.idx.msk [tilespmem:v42+s4+$0x0], $0xffff;
	[tilespmem:v43+s28+$0x0] =	vst.idx.msk $0xffff, v36  }
0x3ab: {  	v36 =	vadd.s32 $0x3E8, v23;
	[tilespmem:v44+s28+$0x0] =	vst.idx.msk $0xffff, v41;
	v41 =	vor.u32 s12, v10;
	v43 =	vld.idx.msk [tilespmem:v46+s4+$0x0], $0xffff  }
0x3ac: {  	v46 =	vor.u32 s13, v11;
	[tilespmem:v47+s28+$0x0] =	vst.idx.msk $0xffff, v45;
	v44 =	vld.idx.msk [tilespmem:v48+s4+$0x0], $0xffff;
	v45 =	vadd.s32 $0x2710, v20  }
0x3ad: {  	[tilespmem:v30+s28+$0x0] =	vst.idx.msk $0xffff, v40;
	v30 =	vld.idx.msk [tilespmem:v31+s4+$0x0], $0xffff;
	v31 =	vor.u32 s11, v11  }
0x3ae: {  	v40 =	vor.u32 s29, v2;
	v37 =	vld.idx.msk [tilespmem:v37+s4+$0x0], $0xffff;
	[tilespmem:v49+s28+$0x0] =	vst.idx.msk $0xffff, v33;
	v33 =	vadd.s32 $0x2AF8, v24  }
0x3af: {  	v47 =	vor.u32 s15, v2;
	[tilespmem:v34+s28+$0x0] =	vst.idx.msk $0xffff, v39;
	v34 =	vadd.s32 $0x2AF8, v22;
	v38 =	vld.idx.msk [tilespmem:v38+s4+$0x0], $0xffff  }
0x3b0: {  	v48 =	vor.u32 s14, v11;
	v39 =	vadd.s32 $0x7D0, v29;
	v35 =	vld.idx.msk [tilespmem:v35+s4+$0x0], $0xffff;
	[tilespmem:v41+s28+$0x0] =	vst.idx.msk $0xffff, v42  }
0x3b1: {  	v41 =	vor.u32 s25, v2;
	v42 =	vadd.s32 $0x2AF8, v21;
	v45 =	vld.idx.msk [tilespmem:v45+s4+$0x0], $0xffff;
	[tilespmem:v46+s28+$0x0] =	vst.idx.msk $0xffff, v43  }
0x3b2: {  	v43 =	vadd.s32 $0x7D0, v32;
	v36 =	vld.idx.msk [tilespmem:v36+s4+$0x0], $0xffff;
	[tilespmem:v31+s28+$0x0] =	vst.idx.msk $0xffff, v44;
	v31 =	vor.u32 s12, v11  }
0x3b3: {  	[tilespmem:v40+s28+$0x0] =	vst.idx.msk $0xffff, v30;
	v30 =	vadd.s32 $0x7D0, v27;
	v40 =	vor.u32 s16, v2;
	v33 =	vld.idx.msk [tilespmem:v33+s4+$0x0], $0xffff  }
0x3b4: {  	v46 =	vor.u32 s13, v12;
	v44 =	vadd.s32 $0x2AF8, v20;
	[tilespmem:v47+s28+$0x0] =	vst.idx.msk $0xffff, v37;
	v37 =	vadd.s32 $0x7D0, v23;
	v34 =	vld.idx.msk [tilespmem:v34+s4+$0x0], $0xffff  }
0x3b5: {  	v47 =	vor.u32 s11, v12;
	v39 =	vld.idx.msk [tilespmem:v39+s4+$0x0], $0xffff;
	[tilespmem:v48+s28+$0x0] =	vst.idx.msk $0xffff, v38  }
0x3b6: {  	v38 =	vor.u32 s15, v3;
	[tilespmem:v41+s28+$0x0] =	vst.idx.msk $0xffff, v35;
	v35 =	vld.idx.msk [tilespmem:v42+s4+$0x0], $0xffff;
	v41 =	vadd.s32 $0x2EE0, v24  }
0x3b7: {  	v48 =	vor.u32 s14, v12;
	v42 =	vadd.s32 $0xBB8, v29;
	v43 =	vld.idx.msk [tilespmem:v43+s4+$0x0], $0xffff;
	[tilespmem:v31+s28+$0x0] =	vst.idx.msk $0xffff, v45  }
0x3b8: {  	v31 =	vor.u32 s25, v3;
	v30 =	vld.idx.msk [tilespmem:v30+s4+$0x0], $0xffff;
	[tilespmem:v40+s28+$0x0] =	vst.idx.msk $0xffff, v36;
	v36 =	vadd.s32 $0x2EE0, v21  }
0x3b9: {  	v45 =	vadd.s32 $0xBB8, v32;
	v40 =	vor.u32 s29, v3;
	v37 =	vld.idx.msk [tilespmem:v37+s4+$0x0], $0xffff;
	[tilespmem:v46+s28+$0x0] =	vst.idx.msk $0xffff, v33  }
0x3ba: {  	v33 =	vadd.s32 $0xBB8, v27;
	v46 =	vor.u32 s16, v3;
	[tilespmem:v47+s28+$0x0] =	vst.idx.msk $0xffff, v34;
	v34 =	vld.idx.msk [tilespmem:v44+s4+$0x0], $0xffff;
	v44 =	vor.u32 s12, v12  }
0x3bb: {  	[tilespmem:v38+s28+$0x0] =	vst.idx.msk $0xffff, v39;
	v38 =	vadd.s32 $0xBB8, v23;
	v39 =	vld.idx.msk [tilespmem:v41+s4+$0x0], $0xffff  }
0x3bc: {  	v41 =	vld.idx.msk [tilespmem:v42+s4+$0x0], $0xffff;
	[tilespmem:v48+s28+$0x0] =	vst.idx.msk $0xffff, v35;
	v35 =	vadd.s32 $0x2EE0, v20;
	v42 =	vor.u32 s13, v13  }
0x3bd: {  	v47 =	vor.u32 s15, v4;
	[tilespmem:v31+s28+$0x0] =	vst.idx.msk $0xffff, v43;
	v31 =	vld.idx.msk [tilespmem:v36+s4+$0x0], $0xffff;
	v36 =	vadd.s32 $0x32C8, v24  }
0x3be: {  	v43 =	vadd.s32 $0xFA0, v29;
	[tilespmem:v40+s28+$0x0] =	vst.idx.msk $0xffff, v30;
	v30 =	vld.idx.msk [tilespmem:v45+s4+$0x0], $0xffff;
	v40 =	vor.u32 s14, v13  }
0x3bf: {  	v45 =	vadd.s32 $0x32C8, v21;
	v33 =	vld.idx.msk [tilespmem:v33+s4+$0x0], $0xffff;
	[tilespmem:v46+s28+$0x0] =	vst.idx.msk $0xffff, v37;
	v37 =	vor.u32 s25, v4  }
0x3c0: {  	v48 =	vadd.s32 $0xFA0, v32;
	v46 =	vor.u32 s29, v4;
	v38 =	vld.idx.msk [tilespmem:v38+s4+$0x0], $0xffff;
	[tilespmem:v44+s28+$0x0] =	vst.idx.msk $0xffff, v34  }
0x3c1: {  	v50 =	vor.u32 s12, v13;
	v34 =	vadd.s32 $0xFA0, v27;
	v44 =	vor.u32 s16, v4;
	v49 =	vld.idx.msk [tilespmem:v35+s4+$0x0], $0xffff;
	[tilespmem:v42+s28+$0x0] =	vst.idx.msk $0xffff, v39  }
0x3c2: {  	v39 =	vadd.s32 $0xFA0, v23;
	[tilespmem:v47+s28+$0x0] =	vst.idx.msk $0xffff, v41;
	v41 =	vld.idx.msk [tilespmem:v36+s4+$0x0], $0xffff  }
0x3c3: {  	v36 =	vor.u32 s11, v13;
	v42 =	vld.idx.msk [tilespmem:v43+s4+$0x0], $0xffff;
	[tilespmem:v40+s28+$0x0] =	vst.idx.msk $0xffff, v31;
	v31 =	vadd.s32 $0x32C8, v20;
	v40 =	vor.u32 s13, v14  }
0x3c4: {  	v35 =	vadd.s32 $0x32C8, v22;
	v43 =	vor.u32 s15, v5;
	[tilespmem:v37+s28+$0x0] =	vst.idx.msk $0xffff, v30;
	v30 =	vld.idx.msk [tilespmem:v45+s4+$0x0], $0xffff;
	v37 =	vadd.s32 $0x36B0, v24  }
0x3c5: {  	v45 =	vadd.s32 $0x1388, v29;
	[tilespmem:v46+s28+$0x0] =	vst.idx.msk $0xffff, v33;
	v33 =	vld.idx.msk [tilespmem:v48+s4+$0x0], $0xffff;
	v46 =	vor.u32 s14, v14  }
0x3c6: {  	v47 =	vld.idx.msk [tilespmem:v34+s4+$0x0], $0xffff;
	[tilespmem:v44+s28+$0x0] =	vst.idx.msk $0xffff, v38;
	v38 =	vor.u32 s25, v5;
	v44 =	vadd.s32 $0x36B0, v21  }
0x3c7: {  	v51 =	vadd.s32 $0x1388, v32;
	v48 =	vor.u32 s29, v5;
	v39 =	vld.idx.msk [tilespmem:v39+s4+$0x0], $0xffff;
	[tilespmem:v50+s28+$0x0] =	vst.idx.msk $0xffff, v49  }
0x3c8: {  	v52 =	vor.u32 s12, v14;
	v49 =	vadd.s32 $0x1388, v27;
	v50 =	vor.u32 s16, v5;
	v31 =	vld.idx.msk [tilespmem:v31+s4+$0x0], $0xffff;
	[tilespmem:v40+s28+$0x0] =	vst.idx.msk $0xffff, v41  }
0x3c9: {  	v40 =	vadd.s32 $0x1388, v23;
	v41 =	vadd.s32 $0x2EE0, v22;
	[tilespmem:v43+s28+$0x0] =	vst.idx.msk $0xffff, v42;
	v37 =	vld.idx.msk [tilespmem:v37+s4+$0x0], $0xffff  }
0x3ca: {  	v34 =	vor.u32 s11, v14;
	v42 =	vld.idx.msk [tilespmem:v45+s4+$0x0], $0xffff;
	[tilespmem:v46+s28+$0x0] =	vst.idx.msk $0xffff, v30;
	v30 =	vor.u32 s13, v15  }
0x3cb: {  	v43 =	vor.u32 s15, v6;
	[tilespmem:v38+s28+$0x0] =	vst.idx.msk $0xffff, v33;
	v33 =	vadd.s32 $0x36B0, v22;
	v45 =	vld.idx.msk [tilespmem:v44+s4+$0x0], $0xffff;
	v38 =	vadd.s32 $0x3A98, v24;
	v24 =	vmovc v32  }
0x3cc: {  	v46 =	vadd.s32 $0x1770, v29;
	[tilespmem:v48+s28+$0x0] =	vst.idx.msk $0xffff, v47;
	v47 =	vld.idx.msk [tilespmem:v51+s4+$0x0], $0xffff;
	v48 =	vor.u32 s14, v15;
	s14 =	smov.u32 s29  }
0x3cd: {  	v51 =	vadd.s32 $0x36B0, v20;
	v49 =	vld.idx.msk [tilespmem:v49+s4+$0x0], $0xffff;
	[tilespmem:v50+s28+$0x0] =	vst.idx.msk $0xffff, v39;
	v50 =	vor.u32 s25, v6  }
0x3ce: {  	v55 =	vadd.s32 $0x1770, v24;
	v53 =	vor.u32 s14, v6;
	v54 =	vld.idx.msk [tilespmem:v40+s4+$0x0], $0xffff;
	[tilespmem:v52+s28+$0x0] =	vst.idx.msk $0xffff, v31  }
0x3cf: {  	v56 =	vadd.s32 $0x3A98, v21;
	v21 =	vmov v27;
	v52 =	vor.u32 s16, v6;
	v32 =	vld.idx.msk [tilespmem:v41+s4+$0x0], $0xffff;
	[tilespmem:v30+s28+$0x0] =	vst.idx.msk $0xffff, v37  }
.Ltmp3:
0x3d0: {  	v44 =	vadd.s32 $0x1770, v21;
	[tilespmem:v43+s28+$0x0] =	vst.idx.msk $0xffff, v42;
	v38 =	vld.idx.msk [tilespmem:v38+s4+$0x0], $0xffff;
	(pc) =	sbr.rel @p0 .LBB2_9-.Ltmp3, $4  }
0x3d1: {  	v39 =	vor.u32 s13, v16;
	s13 =	smov.u32 s25;
	v30 =	vor.u32 s11, v15;
	v40 =	vld.idx.msk [tilespmem:v46+s4+$0x0], $0xffff;
	[tilespmem:v48+s28+$0x0] =	vst.idx.msk $0xffff, v45  }
0x3d2: {  	v31 =	vadd.s32 $0x3A98, v22;
	v22 =	vmov v29;
	v41 =	vor.u32 s15, v7;
	[tilespmem:v50+s28+$0x0] =	vst.idx.msk $0xffff, v47;
	v37 =	vld.idx.msk [tilespmem:v51+s4+$0x0], $0xffff  }
0x3d3: {  	v29 =	vor.u32 s12, v15;
	v42 =	vadd.s32 $0x1B58, v22;
	[tilespmem:v53+s28+$0x0] =	vst.idx.msk $0xffff, v49;
	v43 =	vld.idx.msk [tilespmem:v55+s4+$0x0], $0xffff  }
0x3d4: {  	v46 =	vadd.s32 $0x1770, v23;
	v45 =	vor.u32 s13, v7;
	[tilespmem:v52+s28+$0x0] =	vst.idx.msk $0xffff, v54;
	v27 =	vld.idx.msk [tilespmem:v56+s4+$0x0], $0xffff  }
0x3d5: {  	_ =	sdelay $0x3  }
0x3d6: {  	v44 =	vld.idx.msk [tilespmem:v44+s4+$0x0], $0xffff;
	v47 =	vor.u32 s14, v7  }
0x3d7: {  	v48 =	vadd.s32 $0x1B58, v21;
	v46 =	vld.idx.msk [tilespmem:v46+s4+$0x0], $0xffff;
	v49 =	vor.u32 s16, v7  }
0x3d8: {  	v50 =	vadd.s32 $0x1B58, v23;
	_ =	sdelay $0x1  }
0x3d9: {  	[tilespmem:v45+s28+$0x0] =	vst.idx.msk $0xffff, v43  }
0x3da: {  	v54 =	vor.u32 s13, v8;
	v28 =	vld.idx.msk [tilespmem:v28+s4+$0x0], $0xffff;
	[tilespmem:v47+s28+$0x0] =	vst.idx.msk $0xffff, v44  }
0x3db: {  	v55 =	vadd.s32 $0x1F40, v24;
	v56 =	vor.u32 s14, v8;
	[tilespmem:v49+s28+$0x0] =	vst.idx.msk $0xffff, v46;
	v44 =	vld.idx.msk [tilespmem:v48+s4+$0x0], $0xffff  }
0x3dc: {  	v57 =	vadd.s32 $0x1F40, v21;
	v59 =	vor.u32 s16, v8;
	[tilespmem:v41+s28+$0x0] =	vst.idx.msk $0xffff, v40;
	v58 =	vld.idx.msk [tilespmem:v50+s4+$0x0], $0xffff  }
0x3dd: {  	v60 =	vor.u32 s15, v8;
	v61 =	vadd.s32 $0x1F40, v23;
	v42 =	vld.idx.msk [tilespmem:v42+s4+$0x0], $0xffff  }
0x3de: {  	v62 =	vadd.s32 $0x1F40, v22  }
0x3df: {  	[tilespmem:v54+s28+$0x0] =	vst.idx.msk $0xffff, v28  }
0x3e0: {  	v63 =	vor.u32 s13, v9;
	v28 =	vld.idx.msk [tilespmem:v55+s4+$0x0], $0xffff;
	[tilespmem:v56+s28+$0x0] =	vst.idx.msk $0xffff, v44  }
0x3e1: {  	v52 =	vadd.s32 $0x2328, v24;
	v53 =	vor.u32 s14, v9;
	[tilespmem:v59+s28+$0x0] =	vst.idx.msk $0xffff, v58;
	v40 =	vld.idx.msk [tilespmem:v57+s4+$0x0], $0xffff  }
0x3e2: {  	[tilespmem:v60+s28+$0x0] =	vst.idx.msk $0xffff, v42;
	v54 =	vadd.s32 $0x2328, v21;
	v56 =	vor.u32 s16, v9;
	v55 =	vld.idx.msk [tilespmem:v61+s4+$0x0], $0xffff  }
0x3e3: {  	v58 =	vor.u32 s15, v9;
	v59 =	vadd.s32 $0x2328, v23;
	v57 =	vld.idx.msk [tilespmem:v62+s4+$0x0], $0xffff  }
0x3e4: {  	v60 =	vadd.s32 $0x2328, v22  }
0x3e5: {  	[tilespmem:v63+s28+$0x0] =	vst.idx.msk $0xffff, v28  }
0x3e6: {  	v61 =	vor.u32 s13, v10;
	v28 =	vld.idx.msk [tilespmem:v52+s4+$0x0], $0xffff;
	[tilespmem:v53+s28+$0x0] =	vst.idx.msk $0xffff, v40  }
0x3e7: {  	v62 =	vadd.s32 $0x2710, v24;
	v63 =	vor.u32 s14, v10;
	[tilespmem:v56+s28+$0x0] =	vst.idx.msk $0xffff, v55;
	v41 =	vld.idx.msk [tilespmem:v54+s4+$0x0], $0xffff  }
0x3e8: {  	v52 =	vadd.s32 $0x2710, v21;
	[tilespmem:v58+s28+$0x0] =	vst.idx.msk $0xffff, v57;
	v53 =	vld.idx.msk [tilespmem:v59+s4+$0x0], $0xffff;
	v54 =	vor.u32 s16, v10  }
0x3e9: {  	v55 =	vor.u32 s15, v10;
	v56 =	vadd.s32 $0x2710, v23;
	v47 =	vld.idx.msk [tilespmem:v60+s4+$0x0], $0xffff  }
0x3ea: {  	v57 =	vadd.s32 $0x2710, v22  }
0x3eb: {  	[tilespmem:v61+s28+$0x0] =	vst.idx.msk $0xffff, v28  }
0x3ec: {  	v58 =	vor.u32 s13, v11;
	v28 =	vld.idx.msk [tilespmem:v62+s4+$0x0], $0xffff;
	[tilespmem:v63+s28+$0x0] =	vst.idx.msk $0xffff, v41  }
0x3ed: {  	v59 =	vadd.s32 $0x2AF8, v24;
	v60 =	vor.u32 s14, v11;
	[tilespmem:v54+s28+$0x0] =	vst.idx.msk $0xffff, v53;
	v42 =	vld.idx.msk [tilespmem:v52+s4+$0x0], $0xffff  }
0x3ee: {  	v61 =	vadd.s32 $0x2AF8, v21;
	v62 =	vor.u32 s16, v11;
	[tilespmem:v55+s28+$0x0] =	vst.idx.msk $0xffff, v47;
	v45 =	vld.idx.msk [tilespmem:v56+s4+$0x0], $0xffff  }
0x3ef: {  	v63 =	vor.u32 s15, v11;
	v47 =	vld.idx.msk [tilespmem:v57+s4+$0x0], $0xffff;
	v52 =	vadd.s32 $0x2AF8, v23  }
0x3f0: {  	v53 =	vadd.s32 $0x2AF8, v22  }
0x3f1: {  	[tilespmem:v58+s28+$0x0] =	vst.idx.msk $0xffff, v28  }
0x3f2: {  	v54 =	vor.u32 s13, v12;
	v28 =	vld.idx.msk [tilespmem:v59+s4+$0x0], $0xffff;
	[tilespmem:v60+s28+$0x0] =	vst.idx.msk $0xffff, v42  }
0x3f3: {  	v56 =	vadd.s32 $0x2EE0, v24;
	v57 =	vor.u32 s14, v12;
	[tilespmem:v62+s28+$0x0] =	vst.idx.msk $0xffff, v45;
	v55 =	vld.idx.msk [tilespmem:v61+s4+$0x0], $0xffff  }
0x3f4: {  	v58 =	vadd.s32 $0x2EE0, v21;
	v59 =	vor.u32 s16, v12;
	[tilespmem:v63+s28+$0x0] =	vst.idx.msk $0xffff, v47;
	v45 =	vld.idx.msk [tilespmem:v52+s4+$0x0], $0xffff  }
0x3f5: {  	v60 =	vor.u32 s15, v12;
	v47 =	vld.idx.msk [tilespmem:v53+s4+$0x0], $0xffff;
	v61 =	vadd.s32 $0x2EE0, v23  }
0x3f6: {  	v62 =	vadd.s32 $0x2EE0, v22  }
0x3f7: {  	[tilespmem:v54+s28+$0x0] =	vst.idx.msk $0xffff, v28  }
0x3f8: {  	v63 =	vor.u32 s13, v13;
	v28 =	vld.idx.msk [tilespmem:v56+s4+$0x0], $0xffff;
	[tilespmem:v57+s28+$0x0] =	vst.idx.msk $0xffff, v55  }
0x3f9: {  	v51 =	vadd.s32 $0x32C8, v24;
	v52 =	vor.u32 s14, v13;
	[tilespmem:v59+s28+$0x0] =	vst.idx.msk $0xffff, v45;
	v41 =	vld.idx.msk [tilespmem:v58+s4+$0x0], $0xffff  }
0x3fa: {  	v53 =	vadd.s32 $0x32C8, v21;
	v54 =	vor.u32 s16, v13;
	[tilespmem:v60+s28+$0x0] =	vst.idx.msk $0xffff, v47;
	v45 =	vld.idx.msk [tilespmem:v61+s4+$0x0], $0xffff  }
0x3fb: {  	[tilespmem:v36+s28+$0x0] =	vst.idx.msk $0xffff, v32;
	v56 =	vadd.s32 $0x32C8, v23;
	v55 =	vor.u32 s15, v13;
	v47 =	vld.idx.msk [tilespmem:v62+s4+$0x0], $0xffff  }
0x3fc: {  	[tilespmem:v39+s28+$0x0] =	vst.idx.msk $0xffff, v38;
	v57 =	vadd.s32 $0x32C8, v22  }
0x3fd: {  	v35 =	vld.idx.msk [tilespmem:v35+s4+$0x0], $0xffff;
	[tilespmem:v63+s28+$0x0] =	vst.idx.msk $0xffff, v28  }
0x3fe: {  	v58 =	vor.u32 s13, v14;
	v28 =	vld.idx.msk [tilespmem:v51+s4+$0x0], $0xffff;
	[tilespmem:v52+s28+$0x0] =	vst.idx.msk $0xffff, v41  }
0x3ff: {  	v60 =	vadd.s32 $0x36B0, v24;
	v61 =	vor.u32 s14, v14;
	[tilespmem:v54+s28+$0x0] =	vst.idx.msk $0xffff, v45;
	v59 =	vld.idx.msk [tilespmem:v53+s4+$0x0], $0xffff  }
0x400: {  	v62 =	vadd.s32 $0x36B0, v21;
	v63 =	vor.u32 s16, v14;
	[tilespmem:v55+s28+$0x0] =	vst.idx.msk $0xffff, v47;
	v36 =	vld.idx.msk [tilespmem:v56+s4+$0x0], $0xffff  }
0x401: {  	[tilespmem:v29+s28+$0x0] =	vst.idx.msk $0xffff, v37;
	v46 =	vor.u32 s15, v14;
	v47 =	vadd.s32 $0x36B0, v23;
	v48 =	vld.idx.msk [tilespmem:v57+s4+$0x0], $0xffff  }
0x402: {  	v49 =	vadd.s32 $0x36B0, v22;
	[tilespmem:v34+s28+$0x0] =	vst.idx.msk $0xffff, v35  }
0x403: {  	v20 =	vadd.s32 $0x3A98, v20;
	v33 =	vld.idx.msk [tilespmem:v33+s4+$0x0], $0xffff;
	[tilespmem:v58+s28+$0x0] =	vst.idx.msk $0xffff, v28  }
0x404: {  	v50 =	vor.u32 s13, v15;
	v28 =	vld.idx.msk [tilespmem:v60+s4+$0x0], $0xffff;
	[tilespmem:v61+s28+$0x0] =	vst.idx.msk $0xffff, v59  }
0x405: {  	v52 =	vadd.s32 $0x3A98, v24;
	v53 =	vor.u32 s14, v15;
	[tilespmem:v63+s28+$0x0] =	vst.idx.msk $0xffff, v36;
	v51 =	vld.idx.msk [tilespmem:v62+s4+$0x0], $0xffff  }
0x406: {  	v54 =	vadd.s32 $0x3A98, v21;
	v55 =	vor.u32 s16, v15;
	[tilespmem:v46+s28+$0x0] =	vst.idx.msk $0xffff, v48;
	v32 =	vld.idx.msk [tilespmem:v47+s4+$0x0], $0xffff  }
0x407: {  	[tilespmem:v25+s28+$0x0] =	vst.idx.msk $0xffff, v27;
	v56 =	vor.u32 s15, v15;
	v57 =	vadd.s32 $0x3A98, v23;
	v58 =	vld.idx.msk [tilespmem:v49+s4+$0x0], $0xffff  }
0x408: {  	v20 =	vld.idx.msk [tilespmem:v20+s4+$0x0], $0xffff;
	[tilespmem:v30+s28+$0x0] =	vst.idx.msk $0xffff, v33;
	v60 =	vadd.s32 $0x3A98, v22;
	v59 =	vor.u32 s12, v16  }
0x409: {  	v31 =	vld.idx.msk [tilespmem:v31+s4+$0x0], $0xffff;
	v61 =	vor.u32 s11, v16;
	[tilespmem:v50+s28+$0x0] =	vst.idx.msk $0xffff, v28  }
0x40a: {  	v62 =	vor.u32 s13, v16;
	v24 =	vld.idx.msk [tilespmem:v52+s4+$0x0], $0xffff;
	[tilespmem:v53+s28+$0x0] =	vst.idx.msk $0xffff, v51  }
0x40b: {  	[tilespmem:v55+s28+$0x0] =	vst.idx.msk $0xffff, v32;
	v21 =	vld.idx.msk [tilespmem:v54+s4+$0x0], $0xffff  }
0x40c: {  	v63 =	vor.u32 s16, v16;
	[tilespmem:v56+s28+$0x0] =	vst.idx.msk $0xffff, v58;
	v23 =	vld.idx.msk [tilespmem:v57+s4+$0x0], $0xffff  }
0x40d: {  	[tilespmem:v59+s28+$0x0] =	vst.idx.msk $0xffff, v20;
	v20 =	vor.u32 s15, v16;
	v22 =	vld.idx.msk [tilespmem:v60+s4+$0x0], $0xffff  }
0x40e: {  	s0 =	sadd.s32 s5, s8;
	[tilespmem:v61+s28+$0x0] =	vst.idx.msk $0xffff, v31  }
0x40f: {  	s0 =	smin.u32 s0, s7;
	[tilespmem:v62+s28+$0x0] =	vst.idx.msk $0xffff, v24  }
0x410: {  	s21 =	sshll.u32 s0, $0x7;
	s0 =	sshll.u32 s0, $0xA;
	[tilespmem:v26+s28+$0x0] =	vst.idx.msk $0xffff, v21  }
0x411: {  	s0 =	sadd.s32 $0x186A000, s0;
	[tilespmem:v63+s28+$0x0] =	vst.idx.msk $0xffff, v23  }
0x412: {  	s25 =	simm.s32 $0xA680;
	s5 =	sadd.s32 s3, s21;
	s0 =	sshrl.u32 s0, $0x3;
	[tilespmem:v20+s28+$0x0] =	vst.idx.msk $0xffff, v22  }
0x413: {  	[hbm4b:s5+s4] =	stream.linear.scatter [tilespmem:s28], [sflag:$0x4], $0x2000, $0x38;
	[tilespmem:$0xC680] =	vst v63  }
0x414: {  	s29 =	smin.u32 s9, $0x5E;
	s2 =	sadd.s32 $0x1, s2;
	s0 =	sadd.s32 s3, s0  }
0x415: {  	[hbm4b:s0+s4] =	stream.linear.scatter [tilespmem:s25], [sflag:$0x4], $0x2000, $0x38;
	[tilespmem:$0xC680] =	vst v63  }
0x416: {  	p0 =	sne.s32 s2, $0x31;
	s0 =	sshll.u32 s29, $0x3  }
.Ltmp4:
0x417: {  	s0 =	sadd.s32 s0, s18;
	(pc) =	sbr.rel @p0 .LBB2_6-.Ltmp4, $4  }
0x418: {  	s0 =	smin.u32 s0, s7  }
0x419: {  	s0 =	sshll.u32 s0, $0x4  }
0x41a: {  	s0 =	sadd.s32 s1, s0  }
0x41b: {  	[tilespmem:s22], [sflag:$0x2] =	stream.linear.gather [hbm4b:s0+s4], $0x400, $0x38;
	[tilespmem:$0xC680] =	vst v63  }
0x41c: {  	_ =	swait.ge [sflag:s30], $0x2000  }
0x41d: {  	[sflag:s30] =	ssyncset.done $0x0  }
0x41e: {  	[sflag:s30] =	ssyncadd.s32 $0xFFFFE000  }
0x41f: {  	_ =	swait.ge [sflag:s30], $0x2000  }
0x420: {  	[sflag:s30] =	ssyncset.done $0x0  }
0x421: {  	[sflag:s30] =	ssyncadd.s32 $0xFFFFE000  }
0x422: {  	_ =	swait.ge [sflag:s23], $0x400  }
0x423: {  	[sflag:s23] =	ssyncset.done $0x0  }
0x424: {  	[sflag:s23] =	ssyncadd.s32 $0xFFFFFC00  }
0x425: {  	_ =	swait.ge [sflag:s31], $0x2000  }
0x426: {  	[sflag:s31] =	ssyncset.done $0x0  }
0x427: {  	[sflag:s31] =	ssyncadd.s32 $0xFFFFE000  }
0x428: {  	_ =	swait.ge [sflag:s31], $0x2000  }
0x429: {  	[sflag:s31] =	ssyncset.done $0x0  }
0x42a: {  	[sflag:s31] =	ssyncadd.s32 $0xFFFFE000  }
0x42b: {  	_ =	swait.ge [sflag:s26], $0x400  }
0x42c: {  	s2 =	rddreg [dreg:$0xe]  }
0x42d: {  	s0 =	rddreg [dreg:$0xd];
	s2 =	sadd.s32 $0x1, s2  }
0x42e: {  	p0 =	sne.s32 s2, s0  }
.Ltmp5:
0x42f: {  	_ = 	snop;
	(pc) =	sbr.rel @p0 .LBB2_1-.Ltmp5, $3  }
0x430: {  	_ =	sdelay $0x1  }
0x431: {  	[sflag:s26] =	ssyncset.done $0x0  }
0x432: {  	[sflag:s26] =	ssyncadd.s32 $0xFFFFFC00  }
0x433: {  	_ =	sfence.sel $0x180000  }
0x434: {  	[bflag:$0x0] =	sbarrier.arrive $0xFFFF  }
0x435: {  	_ =	strace $0x90000047  }
0x436: {  	s0 =	stileid.u32;
	[bflag:$0x2] =	sbarrier.arrive $0xFFFF  }
0x437: {  	p0 =	sne.s32 s0, $0x0;
	s0 =	rddreg [dreg:$0x3]  }
0x438: {  	s0 =	sadd.s32 @!p0 $0x100000, s0  }
0x439: {  	[sflag:s0] =	ssyncadd.tile.s32 @!p0 $0x1;
	_ =	shalt  }
.Lfunc_end2:
_tile_overlayer_lowered:
.L_overlay_start_2:
0x43a: {  	(tag) =	ssettag $0x2  }
0x43b: {  	s0 =	rddreg [dreg:$0x0];
	s2 =	stileid.u32  }
0x43c: {  	s1 =	rddreg [dreg:$0x1];
	p0 =	sne.s32 s2, $0x0  }
0x43d: {  	s3 =	rddreg [dreg:$0x2];
	[bflag:$0x3] =	sbarrier.arrive $0xFFFF;
	s2 =	simm.s32 @!p0 $0x1C05  }
0x43e: {  	[timem:s3], [sflag:s2] =	dma.local @!p0 [hbm:s0], s1  }
0x43f: {  	s0 =	simm.s32 @!p0 $0x5  }
0x440: {  	_ =	swait.ge @!p0 [sflag:s0], s1  }
0x441: {  	s1 =	ssub.s32 @!p0 $0x0, s1;
	[sflag:s0] =	ssyncset.done @!p0 $0x0  }
0x442: {  	[sflag:s0] =	ssyncadd.s32 @!p0 s1  }
0x443: {  	[bflag:$0x3] =	sbarrier.arrive $0xFFFF  }
0x444: {  	_ =	shalt  }

</sc_bundles>
